<compile_context>
chip_gen: v7x
topology: tpu7x:2x2x1
jax: 0.10.2.dev20260603
libtpu: 0.0.44.dev20260713+nightly
codegen_flags: <defaults>
</compile_context>

<pallas_src>
import functools

import jax
import jax.numpy as jnp
from jax import lax
from jax.experimental import pallas as pl
from jax.experimental.pallas import tpu as pltpu
from jax.experimental.pallas import tpu_sc as plsc

N = 10000
E = 320000
D = 128
NC = 2
NS = 16
NW = NC * NS
EPT = E // NW
CH = 40
NCH = EPT // CH
RPT = N // NS
DW = 8
NB = 5

_MESH = plsc.VectorSubcoreMesh(core_axis_name="c", subcore_axis_name="s")
_SC_PARAMS = pltpu.CompilerParams(use_tc_tiling_on_sc=False)


def _make_agg(with_deg):
  out_type = jax.ShapeDtypeStruct((NC, N, D), jnp.float32)
  if with_deg:
    out_type = [out_type, jax.ShapeDtypeStruct((NC, N, DW), jnp.float32)]
  scratch = [
      pltpu.VMEM((NCH, CH), jnp.int32),
      pltpu.VMEM((NCH, CH), jnp.int32),
      [pltpu.VMEM((CH, D), jnp.float32) for _ in range(NB)],
      [pltpu.SemaphoreType.DMA for _ in range(NB)],
      [pltpu.SemaphoreType.DMA for _ in range(NB)],
      pltpu.VMEM_SHARED((N, D), jnp.float32),
  ]
  if with_deg:
    scratch += [
        pltpu.VMEM((CH, DW), jnp.float32),
        pltpu.VMEM_SHARED((N, DW), jnp.float32),
        pltpu.SemaphoreType.DMA,
    ]

  def agg_body(*args):
    if with_deg:
      (x_hbm, src_hbm, dst_hbm, cst_hbm, out_hbm, deg_hbm, src_v, dst_v,
       bufs, gsem, ssem, acc_sp, obuf, deg_sp, dsem) = args
    else:
      (x_hbm, src_hbm, dst_hbm, out_hbm, src_v, dst_v, bufs, gsem, ssem,
       acc_sp) = args
    c = lax.axis_index("c")
    s = lax.axis_index("s")
    wid = c * NS + s
    pltpu.sync_copy(src_hbm.at[wid], src_v)
    pltpu.sync_copy(dst_hbm.at[wid], dst_v)

    base = s * RPT
    nfull = RPT // CH
    rem = RPT - nfull * CH

    for u in range(NB - 1):
      pltpu.async_copy(x_hbm.at[src_v.at[u]], bufs[u], gsem[u])

    zb = bufs[NB - 1]
    vec = jnp.zeros((16,), jnp.float32)

    def frow(r, carry):
      for jj in range(D // 16):
        zb[r, pl.ds(jj * 16, 16)] = vec
      return carry

    lax.fori_loop(0, CH, frow, 0)

    def zcp(k, carry):
      pltpu.sync_copy(zb, acc_sp.at[pl.ds(base + k * CH, CH)])
      return carry

    lax.fori_loop(0, nfull, zcp, 0)
    if rem:
      pltpu.sync_copy(zb.at[pl.ds(0, rem)],
                      acc_sp.at[pl.ds(base + nfull * CH, rem)])
    if with_deg:
      pltpu.sync_copy(cst_hbm.at[0], obuf)

      def dzcp(k, carry):
        pltpu.sync_copy(obuf, deg_sp.at[pl.ds(base + k * CH, CH)])
        return carry

      lax.fori_loop(0, nfull, dzcp, 0)
      if rem:
        pltpu.sync_copy(obuf.at[pl.ds(0, rem)],
                        deg_sp.at[pl.ds(base + nfull * CH, rem)])
      pltpu.sync_copy(cst_hbm.at[1], obuf)
    plsc.subcore_barrier()

    def body(i, carry):
      j0 = i * NB
      for u in range(NB):
        j = j0 + u
        v = (u + NB - 1) % NB
        pltpu.make_async_copy(x_hbm.at[src_v.at[j]], bufs[u],
                              gsem[u]).wait()
        pltpu.async_copy(bufs[u], acc_sp.at[dst_v.at[j]], ssem[u],
                         add=True)
        if with_deg:
          pltpu.async_copy(obuf, deg_sp.at[dst_v.at[j]], dsem, add=True)
        if u == 0:
          @pl.when(i > 0)
          def _(j=j, v=v):
            pltpu.make_async_copy(bufs[v], acc_sp.at[dst_v.at[j - 1]],
                                  ssem[v]).wait()
        else:
          pltpu.make_async_copy(bufs[v], acc_sp.at[dst_v.at[j - 1]],
                                ssem[v]).wait()

        @pl.when(j + NB - 1 < NCH)
        def _(j=j, v=v):
          pltpu.async_copy(x_hbm.at[src_v.at[j + NB - 1]], bufs[v], gsem[v])
      return carry

    lax.fori_loop(0, NCH // NB, body, 0)
    pltpu.make_async_copy(bufs[NB - 1], acc_sp.at[dst_v.at[NCH - 1]],
                          ssem[NB - 1]).wait()
    if with_deg:
      def ddrain(j, carry):
        pltpu.make_async_copy(obuf, deg_sp.at[dst_v.at[j]], dsem).wait()
        return carry

      lax.fori_loop(0, NCH, ddrain, 0)
    plsc.subcore_barrier()
    pltpu.sync_copy(acc_sp.at[pl.ds(base, RPT)],
                    out_hbm.at[c, pl.ds(base, RPT)])
    if with_deg:
      pltpu.sync_copy(deg_sp.at[pl.ds(base, RPT)],
                      deg_hbm.at[c, pl.ds(base, RPT)])

  return pl.kernel(agg_body, mesh=_MESH, compiler_params=_SC_PARAMS,
                   out_type=out_type, scratch_types=scratch)


_agg_deg = _make_agg(True)
_agg = _make_agg(False)


RB = 2000


def _dense_body(agg_ref, degp_ref, x_ref, wl_ref, bl_ref, wr_ref, o_ref):
  a = agg_ref[0] + agg_ref[1]
  deg = degp_ref[0, :, 0:1] + degp_ref[1, :, 0:1]
  recip = 1.0 / jnp.maximum(deg, 1.0)
  mean = a * recip
  y = lax.dot_general(mean, wl_ref[...], (((1,), (1,)), ((), ())),
                      preferred_element_type=jnp.float32)
  y = y + lax.dot_general(x_ref[...], wr_ref[...], (((1,), (1,)), ((), ())),
                          preferred_element_type=jnp.float32)
  y = y + bl_ref[...][None, :]
  o_ref[...] = jnp.where(y >= 0, y, 0.01 * y)


_dense = pl.pallas_call(
    _dense_body,
    grid=(N // RB,),
    in_specs=[
        pl.BlockSpec((NC, RB, D), lambda i: (0, i, 0)),
        pl.BlockSpec((NC, RB, DW), lambda i: (0, i, 0)),
        pl.BlockSpec((RB, D), lambda i: (i, 0)),
        pl.BlockSpec((D, D), lambda i: (0, 0)),
        pl.BlockSpec((D,), lambda i: (0,)),
        pl.BlockSpec((D, D), lambda i: (0, 0)),
    ],
    out_specs=pl.BlockSpec((RB, D), lambda i: (i, 0)),
    out_shape=jax.ShapeDtypeStruct((N, D), jnp.float32),
)


def kernel(x, edge_index, W1l, b1l, W1r, W2l, b2l, W2r):
  src = edge_index[0].reshape(NW, NCH, CH)
  dst = edge_index[1].reshape(NW, NCH, CH)
  cst = jnp.stack([jnp.zeros((CH, DW), jnp.float32),
                   jnp.ones((CH, DW), jnp.float32)])
  agg1, degp = _agg_deg(x, src, dst, cst)
  h = _dense(agg1, degp, x, W1l, b1l, W1r)
  agg2 = _agg(h, src, dst)
  return _dense(agg2, degp, h, W2l, b2l, W2r)

# --- scband reference (transcript-rebuilt; emitter-appended) ---
"""Pipeline reference for scband-gnn-47373489275402 (READ-ONLY COPY).

The authoritative reference and input builder live on the scoring server;
editing this copy changes nothing except your own understanding.
"""

import jax, jax.numpy as jnp
import numpy as np

N = 10000
E = 320000
D_IN = 128
D_HID = 128
D_OUT = 128


def _glorot(key, shape):
    s = 1.0 / np.sqrt(shape[1])
    return jax.random.uniform(key, shape, minval=-s, maxval=s, dtype=jnp.float32)


def setup_inputs(seed: int = 0) -> dict:
    key = jax.random.key(seed)
    ks = jax.random.split(key, 9)
    x = jax.random.normal(ks[0], (N, D_IN), dtype=jnp.float32)
    edge_index = jax.random.randint(ks[1], (2, E), 0, N, dtype=jnp.int32)
    # SAGEConv layer 1: lin_l (applied to aggregated neighbors, with bias) and lin_r (root)
    W1l = _glorot(ks[2], (D_HID, D_IN))
    b1l = jnp.zeros((D_HID,), dtype=jnp.float32)
    W1r = _glorot(ks[3], (D_HID, D_IN))
    # SAGEConv layer 2
    W2l = _glorot(ks[4], (D_OUT, D_HID))
    b2l = jnp.zeros((D_OUT,), dtype=jnp.float32)
    W2r = _glorot(ks[5], (D_OUT, D_HID))
    return {"x": x, "edge_index": edge_index, "W1l": W1l, "b1l": b1l, "W1r": W1r,
            "W2l": W2l, "b2l": b2l, "W2r": W2r}


def _sage_conv(x, edge_index, Wl, bl, Wr, num_nodes):
    # PyG SAGEConv with mean aggregation:
    # out = lin_l(mean_{j in N(i)} x_j) + lin_r(x_i)
    src = edge_index[0]
    dst = edge_index[1]
    msgs = jnp.take(x, src, axis=0)                                  # gather  [E, d]
    agg = jax.ops.segment_sum(msgs, dst, num_segments=num_nodes)     # scatter-add [N, d]
    deg = jax.ops.segment_sum(jnp.ones((edge_index.shape[1],), x.dtype), dst,
                              num_segments=num_nodes)
    mean = agg / jnp.clip(deg, 1.0)[:, None]
    return mean @ Wl.T + bl + x @ Wr.T


def reference(x, edge_index, W1l, b1l, W1r, W2l, b2l, W2r):
    h = _sage_conv(x, edge_index, W1l, b1l, W1r, N)
    h = jax.nn.leaky_relu(h, negative_slope=0.01)
    # dropout(p=0.1) is identity in eval mode
    out = _sage_conv(h, edge_index, W2l, b2l, W2r, N)
    return jax.nn.leaky_relu(out, negative_slope=0.01)

if __name__ == "__main__":
    import jax
    _d = setup_inputs()
    print(jax.jit(kernel)(*tuple(_d.values())))

</pallas_src>

<mosaic_0001>
#map = affine_map<(d0, d1) -> (0, 0)>
#map1 = affine_map<(d0, d1) -> (0, 0, 0)>
module attributes {stable_mosaic.version = 14 : i64} {
  func.func @agg_body(%arg0: i32, %arg1: i32, %arg2: memref<10000x128xf32, #tpu.memory_space<hbm>>, %arg3: memref<32x250x40xi32, #tpu.memory_space<hbm>>, %arg4: memref<32x250x40xi32, #tpu.memory_space<hbm>>, %arg5: memref<2x40x8xf32, #tpu.memory_space<hbm>>, %arg6: memref<2x10000x128xf32, #tpu.memory_space<hbm>>, %arg7: memref<2x10000x8xf32, #tpu.memory_space<hbm>>, %arg8: memref<250x40xi32, #tpu.memory_space<vmem>>, %arg9: memref<250x40xi32, #tpu.memory_space<vmem>>, %arg10: memref<40x128xf32, #tpu.memory_space<vmem>>, %arg11: memref<40x128xf32, #tpu.memory_space<vmem>>, %arg12: memref<40x128xf32, #tpu.memory_space<vmem>>, %arg13: memref<40x128xf32, #tpu.memory_space<vmem>>, %arg14: memref<40x128xf32, #tpu.memory_space<vmem>>, %arg15: memref<!tpu.dma_semaphore, #tpu.memory_space<semaphore_mem>>, %arg16: memref<!tpu.dma_semaphore, #tpu.memory_space<semaphore_mem>>, %arg17: memref<!tpu.dma_semaphore, #tpu.memory_space<semaphore_mem>>, %arg18: memref<!tpu.dma_semaphore, #tpu.memory_space<semaphore_mem>>, %arg19: memref<!tpu.dma_semaphore, #tpu.memory_space<semaphore_mem>>, %arg20: memref<!tpu.dma_semaphore, #tpu.memory_space<semaphore_mem>>, %arg21: memref<!tpu.dma_semaphore, #tpu.memory_space<semaphore_mem>>, %arg22: memref<!tpu.dma_semaphore, #tpu.memory_space<semaphore_mem>>, %arg23: memref<!tpu.dma_semaphore, #tpu.memory_space<semaphore_mem>>, %arg24: memref<!tpu.dma_semaphore, #tpu.memory_space<semaphore_mem>>, %arg25: memref<10000x128xf32, #tpu.memory_space<vmem_shared>>, %arg26: memref<40x8xf32, #tpu.memory_space<vmem>>, %arg27: memref<10000x8xf32, #tpu.memory_space<vmem_shared>>, %arg28: memref<!tpu.dma_semaphore, #tpu.memory_space<semaphore_mem>>) attributes {dimension_semantics = [#tpu.dimension_semantics<core_parallel>, #tpu.dimension_semantics<subcore_parallel>], iteration_bounds = array<i64: 2, 16>, scalar_prefetch = 0 : i64, scratch_operands = 21 : i64, tpu.core_type = #tpu.core_type<sc_vector_subcore>, window_params = [{transform_indices = #map}, {transform_indices = #map1}, {transform_indices = #map1}, {transform_indices = #map1}, {transform_indices = #map1}, {transform_indices = #map1}]} {
    %mul3A = arith.constant 16 : i32
    %mul3A_0 = arith.muli %arg0, %mul3A : i32
    %add3A = arith.addi %mul3A_0, %arg1 : i32
    "tpu.region"() ({
      %run_scoped3A_72 = tpu.sem_alloc : memref<!tpu.dma_semaphore, #tpu.memory_space<semaphore_mem>>
      %dma_start3A_73 = arith.constant 0 : i32
      %dma_start3A_74 = arith.constant 0 : i32
      %dma_start3A_75 = tpu.memref_slice %arg3[%add3A, %dma_start3A_73, %dma_start3A_74] : memref<32x250x40xi32, #tpu.memory_space<hbm>> -> memref<1x250x40xi32, #tpu.memory_space<hbm>>
      %dma_start3A_76 = tpu.memref_squeeze %dma_start3A_75 : memref<1x250x40xi32, #tpu.memory_space<hbm>> -> memref<250x40xi32, #tpu.memory_space<hbm>>
      %dma_start3A_77 = arith.constant 0 : i32
      %dma_start3A_78 = arith.constant 0 : i32
      %dma_start3A_79 = tpu.memref_slice %arg3[%add3A, %dma_start3A_77, %dma_start3A_78] : memref<32x250x40xi32, #tpu.memory_space<hbm>> -> memref<1x250x40xi32, #tpu.memory_space<hbm>>
      %dma_start3A_80 = tpu.memref_squeeze %dma_start3A_79 : memref<1x250x40xi32, #tpu.memory_space<hbm>> -> memref<250x40xi32, #tpu.memory_space<hbm>>
      tpu.enqueue_dma source(%dma_start3A_80 : memref<250x40xi32, #tpu.memory_space<hbm>>) target(%arg8 : memref<250x40xi32, #tpu.memory_space<vmem>>) target_semaphore(%run_scoped3A_72 : memref<!tpu.dma_semaphore, #tpu.memory_space<semaphore_mem>>)
      %dma_wait3A_81 = arith.constant 0 : i32
      %dma_wait3A_82 = arith.constant 0 : i32
      %dma_wait3A_83 = tpu.memref_slice %arg3[%add3A, %dma_wait3A_81, %dma_wait3A_82] : memref<32x250x40xi32, #tpu.memory_space<hbm>> -> memref<1x250x40xi32, #tpu.memory_space<hbm>>
      %dma_wait3A_84 = tpu.memref_squeeze %dma_wait3A_83 : memref<1x250x40xi32, #tpu.memory_space<hbm>> -> memref<250x40xi32, #tpu.memory_space<hbm>>
      %dma_wait3A_85 = arith.constant 0 : i32
      %dma_wait3A_86 = arith.constant 0 : i32
      %dma_wait3A_87 = tpu.memref_slice %arg3[%add3A, %dma_wait3A_85, %dma_wait3A_86] : memref<32x250x40xi32, #tpu.memory_space<hbm>> -> memref<1x250x40xi32, #tpu.memory_space<hbm>>
      %dma_wait3A_88 = tpu.memref_squeeze %dma_wait3A_87 : memref<1x250x40xi32, #tpu.memory_space<hbm>> -> memref<250x40xi32, #tpu.memory_space<hbm>>
      tpu.wait_dma2 semaphore(%run_scoped3A_72 : memref<!tpu.dma_semaphore, #tpu.memory_space<semaphore_mem>>) src(%dma_wait3A_88 : memref<250x40xi32, #tpu.memory_space<hbm>>) dst(%arg8 : memref<250x40xi32, #tpu.memory_space<vmem>>)
      tpu.yield
    }) : () -> ()
    "tpu.region"() ({
      %run_scoped3A_72 = tpu.sem_alloc : memref<!tpu.dma_semaphore, #tpu.memory_space<semaphore_mem>>
      %dma_start3A_73 = arith.constant 0 : i32
      %dma_start3A_74 = arith.constant 0 : i32
      %dma_start3A_75 = tpu.memref_slice %arg4[%add3A, %dma_start3A_73, %dma_start3A_74] : memref<32x250x40xi32, #tpu.memory_space<hbm>> -> memref<1x250x40xi32, #tpu.memory_space<hbm>>
      %dma_start3A_76 = tpu.memref_squeeze %dma_start3A_75 : memref<1x250x40xi32, #tpu.memory_space<hbm>> -> memref<250x40xi32, #tpu.memory_space<hbm>>
      %dma_start3A_77 = arith.constant 0 : i32
      %dma_start3A_78 = arith.constant 0 : i32
      %dma_start3A_79 = tpu.memref_slice %arg4[%add3A, %dma_start3A_77, %dma_start3A_78] : memref<32x250x40xi32, #tpu.memory_space<hbm>> -> memref<1x250x40xi32, #tpu.memory_space<hbm>>
      %dma_start3A_80 = tpu.memref_squeeze %dma_start3A_79 : memref<1x250x40xi32, #tpu.memory_space<hbm>> -> memref<250x40xi32, #tpu.memory_space<hbm>>
      tpu.enqueue_dma source(%dma_start3A_80 : memref<250x40xi32, #tpu.memory_space<hbm>>) target(%arg9 : memref<250x40xi32, #tpu.memory_space<vmem>>) target_semaphore(%run_scoped3A_72 : memref<!tpu.dma_semaphore, #tpu.memory_space<semaphore_mem>>)
      %dma_wait3A_81 = arith.constant 0 : i32
      %dma_wait3A_82 = arith.constant 0 : i32
      %dma_wait3A_83 = tpu.memref_slice %arg4[%add3A, %dma_wait3A_81, %dma_wait3A_82] : memref<32x250x40xi32, #tpu.memory_space<hbm>> -> memref<1x250x40xi32, #tpu.memory_space<hbm>>
      %dma_wait3A_84 = tpu.memref_squeeze %dma_wait3A_83 : memref<1x250x40xi32, #tpu.memory_space<hbm>> -> memref<250x40xi32, #tpu.memory_space<hbm>>
      %dma_wait3A_85 = arith.constant 0 : i32
      %dma_wait3A_86 = arith.constant 0 : i32
      %dma_wait3A_87 = tpu.memref_slice %arg4[%add3A, %dma_wait3A_85, %dma_wait3A_86] : memref<32x250x40xi32, #tpu.memory_space<hbm>> -> memref<1x250x40xi32, #tpu.memory_space<hbm>>
      %dma_wait3A_88 = tpu.memref_squeeze %dma_wait3A_87 : memref<1x250x40xi32, #tpu.memory_space<hbm>> -> memref<250x40xi32, #tpu.memory_space<hbm>>
      tpu.wait_dma2 semaphore(%run_scoped3A_72 : memref<!tpu.dma_semaphore, #tpu.memory_space<semaphore_mem>>) src(%dma_wait3A_88 : memref<250x40xi32, #tpu.memory_space<hbm>>) dst(%arg9 : memref<250x40xi32, #tpu.memory_space<vmem>>)
      tpu.yield
    }) : () -> ()
    %mul3A_1 = arith.constant 625 : i32
    %mul3A_2 = arith.muli %arg1, %mul3A_1 : i32
    %dma_start3A = arith.constant 0 : i32
    %dma_start3A_3 = arith.constant 0 : i32
    %dma_start3A_4 = tpu.memref_slice %arg8[%dma_start3A, %dma_start3A_3] : memref<250x40xi32, #tpu.memory_space<vmem>> -> memref<1x40xi32, #tpu.memory_space<vmem>>
    %dma_start3A_5 = tpu.memref_squeeze %dma_start3A_4 : memref<1x40xi32, #tpu.memory_space<vmem>> -> memref<40xi32, #tpu.memory_space<vmem>>
    %dma_start3A_6 = arith.constant 0 : i32
    %dma_start3A_7 = arith.constant 0 : i32
    %dma_start3A_8 = tpu.memref_slice %arg2[%dma_start3A_6, %dma_start3A_7] : memref<10000x128xf32, #tpu.memory_space<hbm>> -> memref<10000x128xf32, #tpu.memory_space<hbm>>
    tpu.enqueue_indirect_dma source(%dma_start3A_8 : memref<10000x128xf32, #tpu.memory_space<hbm>>) target(%arg10 : memref<40x128xf32, #tpu.memory_space<vmem>>) offsets(%dma_start3A_5 : memref<40xi32, #tpu.memory_space<vmem>>) semaphore(%arg15 : memref<!tpu.dma_semaphore, #tpu.memory_space<semaphore_mem>>)
    %dma_start3A_9 = arith.constant 1 : i32
    %dma_start3A_10 = arith.constant 0 : i32
    %dma_start3A_11 = tpu.memref_slice %arg8[%dma_start3A_9, %dma_start3A_10] : memref<250x40xi32, #tpu.memory_space<vmem>> -> memref<1x40xi32, #tpu.memory_space<vmem>>
    %dma_start3A_12 = tpu.memref_squeeze %dma_start3A_11 : memref<1x40xi32, #tpu.memory_space<vmem>> -> memref<40xi32, #tpu.memory_space<vmem>>
    %dma_start3A_13 = arith.constant 0 : i32
    %dma_start3A_14 = arith.constant 0 : i32
    %dma_start3A_15 = tpu.memref_slice %arg2[%dma_start3A_13, %dma_start3A_14] : memref<10000x128xf32, #tpu.memory_space<hbm>> -> memref<10000x128xf32, #tpu.memory_space<hbm>>
    tpu.enqueue_indirect_dma source(%dma_start3A_15 : memref<10000x128xf32, #tpu.memory_space<hbm>>) target(%arg11 : memref<40x128xf32, #tpu.memory_space<vmem>>) offsets(%dma_start3A_12 : memref<40xi32, #tpu.memory_space<vmem>>) semaphore(%arg16 : memref<!tpu.dma_semaphore, #tpu.memory_space<semaphore_mem>>)
    %dma_start3A_16 = arith.constant 2 : i32
    %dma_start3A_17 = arith.constant 0 : i32
    %dma_start3A_18 = tpu.memref_slice %arg8[%dma_start3A_16, %dma_start3A_17] : memref<250x40xi32, #tpu.memory_space<vmem>> -> memref<1x40xi32, #tpu.memory_space<vmem>>
    %dma_start3A_19 = tpu.memref_squeeze %dma_start3A_18 : memref<1x40xi32, #tpu.memory_space<vmem>> -> memref<40xi32, #tpu.memory_space<vmem>>
    %dma_start3A_20 = arith.constant 0 : i32
    %dma_start3A_21 = arith.constant 0 : i32
    %dma_start3A_22 = tpu.memref_slice %arg2[%dma_start3A_20, %dma_start3A_21] : memref<10000x128xf32, #tpu.memory_space<hbm>> -> memref<10000x128xf32, #tpu.memory_space<hbm>>
    tpu.enqueue_indirect_dma source(%dma_start3A_22 : memref<10000x128xf32, #tpu.memory_space<hbm>>) target(%arg12 : memref<40x128xf32, #tpu.memory_space<vmem>>) offsets(%dma_start3A_19 : memref<40xi32, #tpu.memory_space<vmem>>) semaphore(%arg17 : memref<!tpu.dma_semaphore, #tpu.memory_space<semaphore_mem>>)
    %dma_start3A_23 = arith.constant 3 : i32
    %dma_start3A_24 = arith.constant 0 : i32
    %dma_start3A_25 = tpu.memref_slice %arg8[%dma_start3A_23, %dma_start3A_24] : memref<250x40xi32, #tpu.memory_space<vmem>> -> memref<1x40xi32, #tpu.memory_space<vmem>>
    %dma_start3A_26 = tpu.memref_squeeze %dma_start3A_25 : memref<1x40xi32, #tpu.memory_space<vmem>> -> memref<40xi32, #tpu.memory_space<vmem>>
    %dma_start3A_27 = arith.constant 0 : i32
    %dma_start3A_28 = arith.constant 0 : i32
    %dma_start3A_29 = tpu.memref_slice %arg2[%dma_start3A_27, %dma_start3A_28] : memref<10000x128xf32, #tpu.memory_space<hbm>> -> memref<10000x128xf32, #tpu.memory_space<hbm>>
    tpu.enqueue_indirect_dma source(%dma_start3A_29 : memref<10000x128xf32, #tpu.memory_space<hbm>>) target(%arg13 : memref<40x128xf32, #tpu.memory_space<vmem>>) offsets(%dma_start3A_26 : memref<40xi32, #tpu.memory_space<vmem>>) semaphore(%arg18 : memref<!tpu.dma_semaphore, #tpu.memory_space<semaphore_mem>>)
    %broadcast_in_dim3A = arith.constant 0.000000e+00 : f32
    %broadcast_in_dim3A_30 = vector.broadcast %broadcast_in_dim3A : f32 to vector<16xf32>
    %scan3A = arith.constant 0 : i32
    %scan3A_31 = arith.constant 0 : i32
    %scan3A_32 = arith.constant 40 : i32
    %scan3A_33 = arith.addi %scan3A_31, %scan3A_32 : i32
    %scan3A_34 = arith.constant 1 : i32
    scf.for %scan3A_72 = %scan3A_31 to %scan3A_33 step %scan3A_34  : i32 {
      %swap3A = arith.index_cast %scan3A_72 : i32 to index
      %swap3A_73 = arith.constant 0 : index
      %swap3A_74 = tpu.vector_load %arg14[%swap3A, %swap3A_73] {strides = array<i32>} : memref<40x128xf32, #tpu.memory_space<vmem>>, vector<1x16xf32>,
      %swap3A_75 = vector.shape_cast %swap3A_74 : vector<1x16xf32> to vector<16xf32>
      %swap3A_76 = vector.shape_cast %broadcast_in_dim3A_30 : vector<16xf32> to vector<1x16xf32>
      tpu.vector_store %arg14[%swap3A, %swap3A_73], %swap3A_76 {strides = array<i32>} : memref<40x128xf32, #tpu.memory_space<vmem>>, vector<1x16xf32>,
      %swap3A_77 = arith.index_cast %scan3A_72 : i32 to index
      %swap3A_78 = arith.constant 16 : index
      %swap3A_79 = tpu.vector_load %arg14[%swap3A_77, %swap3A_78] {strides = array<i32>} : memref<40x128xf32, #tpu.memory_space<vmem>>, vector<1x16xf32>,
      %swap3A_80 = vector.shape_cast %swap3A_79 : vector<1x16xf32> to vector<16xf32>
      %swap3A_81 = vector.shape_cast %broadcast_in_dim3A_30 : vector<16xf32> to vector<1x16xf32>
      tpu.vector_store %arg14[%swap3A_77, %swap3A_78], %swap3A_81 {strides = array<i32>} : memref<40x128xf32, #tpu.memory_space<vmem>>, vector<1x16xf32>,
      %swap3A_82 = arith.index_cast %scan3A_72 : i32 to index
      %swap3A_83 = arith.constant 32 : index
      %swap3A_84 = tpu.vector_load %arg14[%swap3A_82, %swap3A_83] {strides = array<i32>} : memref<40x128xf32, #tpu.memory_space<vmem>>, vector<1x16xf32>,
      %swap3A_85 = vector.shape_cast %swap3A_84 : vector<1x16xf32> to vector<16xf32>
      %swap3A_86 = vector.shape_cast %broadcast_in_dim3A_30 : vector<16xf32> to vector<1x16xf32>
      tpu.vector_store %arg14[%swap3A_82, %swap3A_83], %swap3A_86 {strides = array<i32>} : memref<40x128xf32, #tpu.memory_space<vmem>>, vector<1x16xf32>,
      %swap3A_87 = arith.index_cast %scan3A_72 : i32 to index
      %swap3A_88 = arith.constant 48 : index
      %swap3A_89 = tpu.vector_load %arg14[%swap3A_87, %swap3A_88] {strides = array<i32>} : memref<40x128xf32, #tpu.memory_space<vmem>>, vector<1x16xf32>,
      %swap3A_90 = vector.shape_cast %swap3A_89 : vector<1x16xf32> to vector<16xf32>
      %swap3A_91 = vector.shape_cast %broadcast_in_dim3A_30 : vector<16xf32> to vector<1x16xf32>
      tpu.vector_store %arg14[%swap3A_87, %swap3A_88], %swap3A_91 {strides = array<i32>} : memref<40x128xf32, #tpu.memory_space<vmem>>, vector<1x16xf32>,
      %swap3A_92 = arith.index_cast %scan3A_72 : i32 to index
      %swap3A_93 = arith.constant 64 : index
      %swap3A_94 = tpu.vector_load %arg14[%swap3A_92, %swap3A_93] {strides = array<i32>} : memref<40x128xf32, #tpu.memory_space<vmem>>, vector<1x16xf32>,
      %swap3A_95 = vector.shape_cast %swap3A_94 : vector<1x16xf32> to vector<16xf32>
      %swap3A_96 = vector.shape_cast %broadcast_in_dim3A_30 : vector<16xf32> to vector<1x16xf32>
      tpu.vector_store %arg14[%swap3A_92, %swap3A_93], %swap3A_96 {strides = array<i32>} : memref<40x128xf32, #tpu.memory_space<vmem>>, vector<1x16xf32>,
      %swap3A_97 = arith.index_cast %scan3A_72 : i32 to index
      %swap3A_98 = arith.constant 80 : index
      %swap3A_99 = tpu.vector_load %arg14[%swap3A_97, %swap3A_98] {strides = array<i32>} : memref<40x128xf32, #tpu.memory_space<vmem>>, vector<1x16xf32>,
      %swap3A_100 = vector.shape_cast %swap3A_99 : vector<1x16xf32> to vector<16xf32>
      %swap3A_101 = vector.shape_cast %broadcast_in_dim3A_30 : vector<16xf32> to vector<1x16xf32>
      tpu.vector_store %arg14[%swap3A_97, %swap3A_98], %swap3A_101 {strides = array<i32>} : memref<40x128xf32, #tpu.memory_space<vmem>>, vector<1x16xf32>,
      %swap3A_102 = arith.index_cast %scan3A_72 : i32 to index
      %swap3A_103 = arith.constant 96 : index
      %swap3A_104 = tpu.vector_load %arg14[%swap3A_102, %swap3A_103] {strides = array<i32>} : memref<40x128xf32, #tpu.memory_space<vmem>>, vector<1x16xf32>,
      %swap3A_105 = vector.shape_cast %swap3A_104 : vector<1x16xf32> to vector<16xf32>
      %swap3A_106 = vector.shape_cast %broadcast_in_dim3A_30 : vector<16xf32> to vector<1x16xf32>
      tpu.vector_store %arg14[%swap3A_102, %swap3A_103], %swap3A_106 {strides = array<i32>} : memref<40x128xf32, #tpu.memory_space<vmem>>, vector<1x16xf32>,
      %swap3A_107 = arith.index_cast %scan3A_72 : i32 to index
      %swap3A_108 = arith.constant 112 : index
      %swap3A_109 = tpu.vector_load %arg14[%swap3A_107, %swap3A_108] {strides = array<i32>} : memref<40x128xf32, #tpu.memory_space<vmem>>, vector<1x16xf32>,
      %swap3A_110 = vector.shape_cast %swap3A_109 : vector<1x16xf32> to vector<16xf32>
      %swap3A_111 = vector.shape_cast %broadcast_in_dim3A_30 : vector<16xf32> to vector<1x16xf32>
      tpu.vector_store %arg14[%swap3A_107, %swap3A_108], %swap3A_111 {strides = array<i32>} : memref<40x128xf32, #tpu.memory_space<vmem>>, vector<1x16xf32>,
    }
    %scan3A_35 = arith.constant 40 : i32
    %scan3A_36 = arith.constant 0 : i32
    %scan3A_37 = arith.constant 0 : i32
    %scan3A_38 = arith.constant 15 : i32
    %scan3A_39 = arith.addi %scan3A_37, %scan3A_38 : i32
    %scan3A_40 = arith.constant 1 : i32
    scf.for %scan3A_72 = %scan3A_37 to %scan3A_39 step %scan3A_40  : i32 {
      %mul3A_73 = arith.constant 40 : i32
      %mul3A_74 = arith.muli %scan3A_72, %mul3A_73 : i32
      %add3A_75 = arith.addi %mul3A_2, %mul3A_74 : i32
      "tpu.region"() ({
        %run_scoped3A_76 = tpu.sem_alloc : memref<!tpu.dma_semaphore, #tpu.memory_space<semaphore_mem>>
        %dma_start3A_77 = arith.constant 0 : i32
        %dma_start3A_78 = tpu.memref_slice %arg25[%add3A_75, %dma_start3A_77] : memref<10000x128xf32, #tpu.memory_space<vmem_shared>> -> memref<40x128xf32, #tpu.memory_space<vmem_shared>>
        %dma_start3A_79 = arith.constant 0 : i32
        %dma_start3A_80 = tpu.memref_slice %arg25[%add3A_75, %dma_start3A_79] : memref<10000x128xf32, #tpu.memory_space<vmem_shared>> -> memref<40x128xf32, #tpu.memory_space<vmem_shared>>
        tpu.enqueue_dma source(%arg14 : memref<40x128xf32, #tpu.memory_space<vmem>>) target(%dma_start3A_80 : memref<40x128xf32, #tpu.memory_space<vmem_shared>>) target_semaphore(%run_scoped3A_76 : memref<!tpu.dma_semaphore, #tpu.memory_space<semaphore_mem>>)
        %dma_wait3A_81 = arith.constant 0 : i32
        %dma_wait3A_82 = tpu.memref_slice %arg25[%add3A_75, %dma_wait3A_81] : memref<10000x128xf32, #tpu.memory_space<vmem_shared>> -> memref<40x128xf32, #tpu.memory_space<vmem_shared>>
        %dma_wait3A_83 = arith.constant 0 : i32
        %dma_wait3A_84 = tpu.memref_slice %arg25[%add3A_75, %dma_wait3A_83] : memref<10000x128xf32, #tpu.memory_space<vmem_shared>> -> memref<40x128xf32, #tpu.memory_space<vmem_shared>>
        tpu.wait_dma2 semaphore(%run_scoped3A_76 : memref<!tpu.dma_semaphore, #tpu.memory_space<semaphore_mem>>) src(%arg14 : memref<40x128xf32, #tpu.memory_space<vmem>>) dst(%dma_wait3A_84 : memref<40x128xf32, #tpu.memory_space<vmem_shared>>)
        tpu.yield
      }) : () -> ()
    }
    %scan3A_41 = arith.constant 15 : i32
    %add3A_42 = arith.constant 600 : i32
    %add3A_43 = arith.addi %mul3A_2, %add3A_42 : i32
    "tpu.region"() ({
      %run_scoped3A_72 = tpu.sem_alloc : memref<!tpu.dma_semaphore, #tpu.memory_space<semaphore_mem>>
      %dma_start3A_73 = arith.constant 0 : i32
      %dma_start3A_74 = arith.constant 0 : i32
      %dma_start3A_75 = tpu.memref_slice %arg14[%dma_start3A_73, %dma_start3A_74] : memref<40x128xf32, #tpu.memory_space<vmem>> -> memref<25x128xf32, #tpu.memory_space<vmem>>
      %dma_start3A_76 = arith.constant 0 : i32
      %dma_start3A_77 = tpu.memref_slice %arg25[%add3A_43, %dma_start3A_76] : memref<10000x128xf32, #tpu.memory_space<vmem_shared>> -> memref<25x128xf32, #tpu.memory_space<vmem_shared>>
      %dma_start3A_78 = arith.constant 0 : i32
      %dma_start3A_79 = tpu.memref_slice %arg25[%add3A_43, %dma_start3A_78] : memref<10000x128xf32, #tpu.memory_space<vmem_shared>> -> memref<25x128xf32, #tpu.memory_space<vmem_shared>>
      %dma_start3A_80 = arith.constant 0 : i32
      %dma_start3A_81 = arith.constant 0 : i32
      %dma_start3A_82 = tpu.memref_slice %arg14[%dma_start3A_80, %dma_start3A_81] : memref<40x128xf32, #tpu.memory_space<vmem>> -> memref<25x128xf32, #tpu.memory_space<vmem>>
      tpu.enqueue_dma source(%dma_start3A_82 : memref<25x128xf32, #tpu.memory_space<vmem>>) target(%dma_start3A_79 : memref<25x128xf32, #tpu.memory_space<vmem_shared>>) target_semaphore(%run_scoped3A_72 : memref<!tpu.dma_semaphore, #tpu.memory_space<semaphore_mem>>)
      %dma_wait3A_83 = arith.constant 0 : i32
      %dma_wait3A_84 = arith.constant 0 : i32
      %dma_wait3A_85 = tpu.memref_slice %arg14[%dma_wait3A_83, %dma_wait3A_84] : memref<40x128xf32, #tpu.memory_space<vmem>> -> memref<25x128xf32, #tpu.memory_space<vmem>>
      %dma_wait3A_86 = arith.constant 0 : i32
      %dma_wait3A_87 = tpu.memref_slice %arg25[%add3A_43, %dma_wait3A_86] : memref<10000x128xf32, #tpu.memory_space<vmem_shared>> -> memref<25x128xf32, #tpu.memory_space<vmem_shared>>
      %dma_wait3A_88 = arith.constant 0 : i32
      %dma_wait3A_89 = tpu.memref_slice %arg25[%add3A_43, %dma_wait3A_88] : memref<10000x128xf32, #tpu.memory_space<vmem_shared>> -> memref<25x128xf32, #tpu.memory_space<vmem_shared>>
      %dma_wait3A_90 = arith.constant 0 : i32
      %dma_wait3A_91 = arith.constant 0 : i32
      %dma_wait3A_92 = tpu.memref_slice %arg14[%dma_wait3A_90, %dma_wait3A_91] : memref<40x128xf32, #tpu.memory_space<vmem>> -> memref<25x128xf32, #tpu.memory_space<vmem>>
      tpu.wait_dma2 semaphore(%run_scoped3A_72 : memref<!tpu.dma_semaphore, #tpu.memory_space<semaphore_mem>>) src(%dma_wait3A_92 : memref<25x128xf32, #tpu.memory_space<vmem>>) dst(%dma_wait3A_89 : memref<25x128xf32, #tpu.memory_space<vmem_shared>>)
      tpu.yield
    }) : () -> ()
    %run_scoped3A = arith.constant 0 : i32
    "tpu.region"() ({
      %run_scoped3A_72 = tpu.sem_alloc : memref<!tpu.dma_semaphore, #tpu.memory_space<semaphore_mem>>
      %dma_start3A_73 = arith.constant 0 : i32
      %dma_start3A_74 = arith.constant 0 : i32
      %dma_start3A_75 = tpu.memref_slice %arg5[%run_scoped3A, %dma_start3A_73, %dma_start3A_74] : memref<2x40x8xf32, #tpu.memory_space<hbm>> -> memref<1x40x8xf32, #tpu.memory_space<hbm>>
      %dma_start3A_76 = tpu.memref_squeeze %dma_start3A_75 : memref<1x40x8xf32, #tpu.memory_space<hbm>> -> memref<40x8xf32, #tpu.memory_space<hbm>>
      %dma_start3A_77 = arith.constant 0 : i32
      %dma_start3A_78 = arith.constant 0 : i32
      %dma_start3A_79 = tpu.memref_slice %arg5[%run_scoped3A, %dma_start3A_77, %dma_start3A_78] : memref<2x40x8xf32, #tpu.memory_space<hbm>> -> memref<1x40x8xf32, #tpu.memory_space<hbm>>
      %dma_start3A_80 = tpu.memref_squeeze %dma_start3A_79 : memref<1x40x8xf32, #tpu.memory_space<hbm>> -> memref<40x8xf32, #tpu.memory_space<hbm>>
      tpu.enqueue_dma source(%dma_start3A_80 : memref<40x8xf32, #tpu.memory_space<hbm>>) target(%arg26 : memref<40x8xf32, #tpu.memory_space<vmem>>) target_semaphore(%run_scoped3A_72 : memref<!tpu.dma_semaphore, #tpu.memory_space<semaphore_mem>>)
      %dma_wait3A_81 = arith.constant 0 : i32
      %dma_wait3A_82 = arith.constant 0 : i32
      %dma_wait3A_83 = tpu.memref_slice %arg5[%run_scoped3A, %dma_wait3A_81, %dma_wait3A_82] : memref<2x40x8xf32, #tpu.memory_space<hbm>> -> memref<1x40x8xf32, #tpu.memory_space<hbm>>
      %dma_wait3A_84 = tpu.memref_squeeze %dma_wait3A_83 : memref<1x40x8xf32, #tpu.memory_space<hbm>> -> memref<40x8xf32, #tpu.memory_space<hbm>>
      %dma_wait3A_85 = arith.constant 0 : i32
      %dma_wait3A_86 = arith.constant 0 : i32
      %dma_wait3A_87 = tpu.memref_slice %arg5[%run_scoped3A, %dma_wait3A_85, %dma_wait3A_86] : memref<2x40x8xf32, #tpu.memory_space<hbm>> -> memref<1x40x8xf32, #tpu.memory_space<hbm>>
      %dma_wait3A_88 = tpu.memref_squeeze %dma_wait3A_87 : memref<1x40x8xf32, #tpu.memory_space<hbm>> -> memref<40x8xf32, #tpu.memory_space<hbm>>
      tpu.wait_dma2 semaphore(%run_scoped3A_72 : memref<!tpu.dma_semaphore, #tpu.memory_space<semaphore_mem>>) src(%dma_wait3A_88 : memref<40x8xf32, #tpu.memory_space<hbm>>) dst(%arg26 : memref<40x8xf32, #tpu.memory_space<vmem>>)
      tpu.yield
    }) : () -> ()
    %scan3A_44 = arith.constant 0 : i32
    %scan3A_45 = arith.constant 0 : i32
    %scan3A_46 = arith.constant 15 : i32
    %scan3A_47 = arith.addi %scan3A_45, %scan3A_46 : i32
    %scan3A_48 = arith.constant 1 : i32
    scf.for %scan3A_72 = %scan3A_45 to %scan3A_47 step %scan3A_48  : i32 {
      %mul3A_73 = arith.constant 40 : i32
      %mul3A_74 = arith.muli %scan3A_72, %mul3A_73 : i32
      %add3A_75 = arith.addi %mul3A_2, %mul3A_74 : i32
      "tpu.region"() ({
        %run_scoped3A_76 = tpu.sem_alloc : memref<!tpu.dma_semaphore, #tpu.memory_space<semaphore_mem>>
        %dma_start3A_77 = arith.constant 0 : i32
        %dma_start3A_78 = tpu.memref_slice %arg27[%add3A_75, %dma_start3A_77] : memref<10000x8xf32, #tpu.memory_space<vmem_shared>> -> memref<40x8xf32, #tpu.memory_space<vmem_shared>>
        %dma_start3A_79 = arith.constant 0 : i32
        %dma_start3A_80 = tpu.memref_slice %arg27[%add3A_75, %dma_start3A_79] : memref<10000x8xf32, #tpu.memory_space<vmem_shared>> -> memref<40x8xf32, #tpu.memory_space<vmem_shared>>
        tpu.enqueue_dma source(%arg26 : memref<40x8xf32, #tpu.memory_space<vmem>>) target(%dma_start3A_80 : memref<40x8xf32, #tpu.memory_space<vmem_shared>>) target_semaphore(%run_scoped3A_76 : memref<!tpu.dma_semaphore, #tpu.memory_space<semaphore_mem>>)
        %dma_wait3A_81 = arith.constant 0 : i32
        %dma_wait3A_82 = tpu.memref_slice %arg27[%add3A_75, %dma_wait3A_81] : memref<10000x8xf32, #tpu.memory_space<vmem_shared>> -> memref<40x8xf32, #tpu.memory_space<vmem_shared>>
        %dma_wait3A_83 = arith.constant 0 : i32
        %dma_wait3A_84 = tpu.memref_slice %arg27[%add3A_75, %dma_wait3A_83] : memref<10000x8xf32, #tpu.memory_space<vmem_shared>> -> memref<40x8xf32, #tpu.memory_space<vmem_shared>>
        tpu.wait_dma2 semaphore(%run_scoped3A_76 : memref<!tpu.dma_semaphore, #tpu.memory_space<semaphore_mem>>) src(%arg26 : memref<40x8xf32, #tpu.memory_space<vmem>>) dst(%dma_wait3A_84 : memref<40x8xf32, #tpu.memory_space<vmem_shared>>)
        tpu.yield
      }) : () -> ()
    }
    %scan3A_49 = arith.constant 15 : i32
    %add3A_50 = arith.constant 600 : i32
    %add3A_51 = arith.addi %mul3A_2, %add3A_50 : i32
    "tpu.region"() ({
      %run_scoped3A_72 = tpu.sem_alloc : memref<!tpu.dma_semaphore, #tpu.memory_space<semaphore_mem>>
      %dma_start3A_73 = arith.constant 0 : i32
      %dma_start3A_74 = arith.constant 0 : i32
      %dma_start3A_75 = tpu.memref_slice %arg26[%dma_start3A_73, %dma_start3A_74] : memref<40x8xf32, #tpu.memory_space<vmem>> -> memref<25x8xf32, #tpu.memory_space<vmem>>
      %dma_start3A_76 = arith.constant 0 : i32
      %dma_start3A_77 = tpu.memref_slice %arg27[%add3A_51, %dma_start3A_76] : memref<10000x8xf32, #tpu.memory_space<vmem_shared>> -> memref<25x8xf32, #tpu.memory_space<vmem_shared>>
      %dma_start3A_78 = arith.constant 0 : i32
      %dma_start3A_79 = tpu.memref_slice %arg27[%add3A_51, %dma_start3A_78] : memref<10000x8xf32, #tpu.memory_space<vmem_shared>> -> memref<25x8xf32, #tpu.memory_space<vmem_shared>>
      %dma_start3A_80 = arith.constant 0 : i32
      %dma_start3A_81 = arith.constant 0 : i32
      %dma_start3A_82 = tpu.memref_slice %arg26[%dma_start3A_80, %dma_start3A_81] : memref<40x8xf32, #tpu.memory_space<vmem>> -> memref<25x8xf32, #tpu.memory_space<vmem>>
      tpu.enqueue_dma source(%dma_start3A_82 : memref<25x8xf32, #tpu.memory_space<vmem>>) target(%dma_start3A_79 : memref<25x8xf32, #tpu.memory_space<vmem_shared>>) target_semaphore(%run_scoped3A_72 : memref<!tpu.dma_semaphore, #tpu.memory_space<semaphore_mem>>)
      %dma_wait3A_83 = arith.constant 0 : i32
      %dma_wait3A_84 = arith.constant 0 : i32
      %dma_wait3A_85 = tpu.memref_slice %arg26[%dma_wait3A_83, %dma_wait3A_84] : memref<40x8xf32, #tpu.memory_space<vmem>> -> memref<25x8xf32, #tpu.memory_space<vmem>>
      %dma_wait3A_86 = arith.constant 0 : i32
      %dma_wait3A_87 = tpu.memref_slice %arg27[%add3A_51, %dma_wait3A_86] : memref<10000x8xf32, #tpu.memory_space<vmem_shared>> -> memref<25x8xf32, #tpu.memory_space<vmem_shared>>
      %dma_wait3A_88 = arith.constant 0 : i32
      %dma_wait3A_89 = tpu.memref_slice %arg27[%add3A_51, %dma_wait3A_88] : memref<10000x8xf32, #tpu.memory_space<vmem_shared>> -> memref<25x8xf32, #tpu.memory_space<vmem_shared>>
      %dma_wait3A_90 = arith.constant 0 : i32
      %dma_wait3A_91 = arith.constant 0 : i32
      %dma_wait3A_92 = tpu.memref_slice %arg26[%dma_wait3A_90, %dma_wait3A_91] : memref<40x8xf32, #tpu.memory_space<vmem>> -> memref<25x8xf32, #tpu.memory_space<vmem>>
      tpu.wait_dma2 semaphore(%run_scoped3A_72 : memref<!tpu.dma_semaphore, #tpu.memory_space<semaphore_mem>>) src(%dma_wait3A_92 : memref<25x8xf32, #tpu.memory_space<vmem>>) dst(%dma_wait3A_89 : memref<25x8xf32, #tpu.memory_space<vmem_shared>>)
      tpu.yield
    }) : () -> ()
    %run_scoped3A_52 = arith.constant 1 : i32
    "tpu.region"() ({
      %run_scoped3A_72 = tpu.sem_alloc : memref<!tpu.dma_semaphore, #tpu.memory_space<semaphore_mem>>
      %dma_start3A_73 = arith.constant 0 : i32
      %dma_start3A_74 = arith.constant 0 : i32
      %dma_start3A_75 = tpu.memref_slice %arg5[%run_scoped3A_52, %dma_start3A_73, %dma_start3A_74] : memref<2x40x8xf32, #tpu.memory_space<hbm>> -> memref<1x40x8xf32, #tpu.memory_space<hbm>>
      %dma_start3A_76 = tpu.memref_squeeze %dma_start3A_75 : memref<1x40x8xf32, #tpu.memory_space<hbm>> -> memref<40x8xf32, #tpu.memory_space<hbm>>
      %dma_start3A_77 = arith.constant 0 : i32
      %dma_start3A_78 = arith.constant 0 : i32
      %dma_start3A_79 = tpu.memref_slice %arg5[%run_scoped3A_52, %dma_start3A_77, %dma_start3A_78] : memref<2x40x8xf32, #tpu.memory_space<hbm>> -> memref<1x40x8xf32, #tpu.memory_space<hbm>>
      %dma_start3A_80 = tpu.memref_squeeze %dma_start3A_79 : memref<1x40x8xf32, #tpu.memory_space<hbm>> -> memref<40x8xf32, #tpu.memory_space<hbm>>
      tpu.enqueue_dma source(%dma_start3A_80 : memref<40x8xf32, #tpu.memory_space<hbm>>) target(%arg26 : memref<40x8xf32, #tpu.memory_space<vmem>>) target_semaphore(%run_scoped3A_72 : memref<!tpu.dma_semaphore, #tpu.memory_space<semaphore_mem>>)
      %dma_wait3A_81 = arith.constant 0 : i32
      %dma_wait3A_82 = arith.constant 0 : i32
      %dma_wait3A_83 = tpu.memref_slice %arg5[%run_scoped3A_52, %dma_wait3A_81, %dma_wait3A_82] : memref<2x40x8xf32, #tpu.memory_space<hbm>> -> memref<1x40x8xf32, #tpu.memory_space<hbm>>
      %dma_wait3A_84 = tpu.memref_squeeze %dma_wait3A_83 : memref<1x40x8xf32, #tpu.memory_space<hbm>> -> memref<40x8xf32, #tpu.memory_space<hbm>>
      %dma_wait3A_85 = arith.constant 0 : i32
      %dma_wait3A_86 = arith.constant 0 : i32
      %dma_wait3A_87 = tpu.memref_slice %arg5[%run_scoped3A_52, %dma_wait3A_85, %dma_wait3A_86] : memref<2x40x8xf32, #tpu.memory_space<hbm>> -> memref<1x40x8xf32, #tpu.memory_space<hbm>>
      %dma_wait3A_88 = tpu.memref_squeeze %dma_wait3A_87 : memref<1x40x8xf32, #tpu.memory_space<hbm>> -> memref<40x8xf32, #tpu.memory_space<hbm>>
      tpu.wait_dma2 semaphore(%run_scoped3A_72 : memref<!tpu.dma_semaphore, #tpu.memory_space<semaphore_mem>>) src(%dma_wait3A_88 : memref<40x8xf32, #tpu.memory_space<hbm>>) dst(%arg26 : memref<40x8xf32, #tpu.memory_space<vmem>>)
      tpu.yield
    }) : () -> ()
    %barrier3A = arith.constant 0 : index
    tpu.barrier barrier_id(%barrier3A)
    %scan3A_53 = arith.constant 0 : i32
    %scan3A_54 = arith.constant 0 : i32
    %scan3A_55 = arith.constant 50 : i32
    %scan3A_56 = arith.addi %scan3A_54, %scan3A_55 : i32
    %scan3A_57 = arith.constant 1 : i32
    scf.for %scan3A_72 = %scan3A_54 to %scan3A_56 step %scan3A_57  : i32 {
      %mul3A_73 = arith.constant 5 : i32
      %mul3A_74 = arith.muli %scan3A_72, %mul3A_73 : i32
      %add3A_75 = arith.constant 0 : i32
      %add3A_76 = arith.addi %mul3A_74, %add3A_75 : i32
      %dma_wait3A_77 = arith.constant 0 : i32
      %dma_wait3A_78 = tpu.memref_slice %arg8[%add3A_76, %dma_wait3A_77] : memref<250x40xi32, #tpu.memory_space<vmem>> -> memref<1x40xi32, #tpu.memory_space<vmem>>
      %dma_wait3A_79 = tpu.memref_squeeze %dma_wait3A_78 : memref<1x40xi32, #tpu.memory_space<vmem>> -> memref<40xi32, #tpu.memory_space<vmem>>
      %dma_wait3A_80 = arith.constant 0 : i32
      %dma_wait3A_81 = arith.constant 0 : i32
      %dma_wait3A_82 = tpu.memref_slice %arg2[%dma_wait3A_80, %dma_wait3A_81] : memref<10000x128xf32, #tpu.memory_space<hbm>> -> memref<10000x128xf32, #tpu.memory_space<hbm>>
      tpu.wait_indirect_dma semaphore(%arg15 : memref<!tpu.dma_semaphore, #tpu.memory_space<semaphore_mem>>) src(%dma_wait3A_82 : memref<10000x128xf32, #tpu.memory_space<hbm>>) dst(%arg10 : memref<40x128xf32, #tpu.memory_space<vmem>>)
      %dma_start3A_83 = arith.constant 0 : i32
      %dma_start3A_84 = tpu.memref_slice %arg9[%add3A_76, %dma_start3A_83] : memref<250x40xi32, #tpu.memory_space<vmem>> -> memref<1x40xi32, #tpu.memory_space<vmem>>
      %dma_start3A_85 = tpu.memref_squeeze %dma_start3A_84 : memref<1x40xi32, #tpu.memory_space<vmem>> -> memref<40xi32, #tpu.memory_space<vmem>>
      %dma_start3A_86 = arith.constant 0 : i32
      %dma_start3A_87 = arith.constant 0 : i32
      %dma_start3A_88 = tpu.memref_slice %arg25[%dma_start3A_86, %dma_start3A_87] : memref<10000x128xf32, #tpu.memory_space<vmem_shared>> -> memref<10000x128xf32, #tpu.memory_space<vmem_shared>>
      tpu.enqueue_indirect_dma source(%arg10 : memref<40x128xf32, #tpu.memory_space<vmem>>) target(%dma_start3A_88 : memref<10000x128xf32, #tpu.memory_space<vmem_shared>>) offsets(%dma_start3A_85 : memref<40xi32, #tpu.memory_space<vmem>>) semaphore(%arg20 : memref<!tpu.dma_semaphore, #tpu.memory_space<semaphore_mem>>) {add = true}
      %dma_start3A_89 = arith.constant 0 : i32
      %dma_start3A_90 = tpu.memref_slice %arg9[%add3A_76, %dma_start3A_89] : memref<250x40xi32, #tpu.memory_space<vmem>> -> memref<1x40xi32, #tpu.memory_space<vmem>>
      %dma_start3A_91 = tpu.memref_squeeze %dma_start3A_90 : memref<1x40xi32, #tpu.memory_space<vmem>> -> memref<40xi32, #tpu.memory_space<vmem>>
      %dma_start3A_92 = arith.constant 0 : i32
      %dma_start3A_93 = arith.constant 0 : i32
      %dma_start3A_94 = tpu.memref_slice %arg27[%dma_start3A_92, %dma_start3A_93] : memref<10000x8xf32, #tpu.memory_space<vmem_shared>> -> memref<10000x8xf32, #tpu.memory_space<vmem_shared>>
      tpu.enqueue_indirect_dma source(%arg26 : memref<40x8xf32, #tpu.memory_space<vmem>>) target(%dma_start3A_94 : memref<10000x8xf32, #tpu.memory_space<vmem_shared>>) offsets(%dma_start3A_91 : memref<40xi32, #tpu.memory_space<vmem>>) semaphore(%arg28 : memref<!tpu.dma_semaphore, #tpu.memory_space<semaphore_mem>>) {add = true}
      %gt3A = arith.constant 0 : i32
      %gt3A_95 = arith.cmpi sgt, %scan3A_72, %gt3A : i32
      %convert_element_type3A = arith.extui %gt3A_95 : i1 to i32
      %cond3A = arith.constant 0 : i32
      %cond3A_96 = arith.cmpi ne, %convert_element_type3A, %cond3A : i32
      scf.if %cond3A_96 {
        %sub3A_252 = arith.constant 1 : i32
        %sub3A_253 = arith.subi %add3A_76, %sub3A_252 : i32
        %dma_wait3A_254 = arith.constant 0 : i32
        %dma_wait3A_255 = tpu.memref_slice %arg9[%sub3A_253, %dma_wait3A_254] : memref<250x40xi32, #tpu.memory_space<vmem>> -> memref<1x40xi32, #tpu.memory_space<vmem>>
        %dma_wait3A_256 = tpu.memref_squeeze %dma_wait3A_255 : memref<1x40xi32, #tpu.memory_space<vmem>> -> memref<40xi32, #tpu.memory_space<vmem>>
        %dma_wait3A_257 = arith.constant 0 : i32
        %dma_wait3A_258 = arith.constant 0 : i32
        %dma_wait3A_259 = tpu.memref_slice %arg25[%dma_wait3A_257, %dma_wait3A_258] : memref<10000x128xf32, #tpu.memory_space<vmem_shared>> -> memref<10000x128xf32, #tpu.memory_space<vmem_shared>>
        tpu.wait_indirect_dma semaphore(%arg24 : memref<!tpu.dma_semaphore, #tpu.memory_space<semaphore_mem>>) src(%arg14 : memref<40x128xf32, #tpu.memory_space<vmem>>) dst(%dma_wait3A_259 : memref<10000x128xf32, #tpu.memory_space<vmem_shared>>)
      } else {
      }
      %add3A_97 = arith.constant 5 : i32
      %add3A_98 = arith.addi %add3A_76, %add3A_97 : i32
      %sub3A = arith.constant 1 : i32
      %sub3A_99 = arith.subi %add3A_98, %sub3A : i32
      %lt3A = arith.constant 250 : i32
      %lt3A_100 = arith.cmpi slt, %sub3A_99, %lt3A : i32
      %convert_element_type3A_101 = arith.extui %lt3A_100 : i1 to i32
      %cond3A_102 = arith.constant 0 : i32
      %cond3A_103 = arith.cmpi ne, %convert_element_type3A_101, %cond3A_102 : i32
      scf.if %cond3A_103 {
        %add3A_252 = arith.constant 5 : i32
        %add3A_253 = arith.addi %add3A_76, %add3A_252 : i32
        %sub3A_254 = arith.constant 1 : i32
        %sub3A_255 = arith.subi %add3A_253, %sub3A_254 : i32
        %dma_start3A_256 = arith.constant 0 : i32
        %dma_start3A_257 = tpu.memref_slice %arg8[%sub3A_255, %dma_start3A_256] : memref<250x40xi32, #tpu.memory_space<vmem>> -> memref<1x40xi32, #tpu.memory_space<vmem>>
        %dma_start3A_258 = tpu.memref_squeeze %dma_start3A_257 : memref<1x40xi32, #tpu.memory_space<vmem>> -> memref<40xi32, #tpu.memory_space<vmem>>
        %dma_start3A_259 = arith.constant 0 : i32
        %dma_start3A_260 = arith.constant 0 : i32
        %dma_start3A_261 = tpu.memref_slice %arg2[%dma_start3A_259, %dma_start3A_260] : memref<10000x128xf32, #tpu.memory_space<hbm>> -> memref<10000x128xf32, #tpu.memory_space<hbm>>
        tpu.enqueue_indirect_dma source(%dma_start3A_261 : memref<10000x128xf32, #tpu.memory_space<hbm>>) target(%arg14 : memref<40x128xf32, #tpu.memory_space<vmem>>) offsets(%dma_start3A_258 : memref<40xi32, #tpu.memory_space<vmem>>) semaphore(%arg19 : memref<!tpu.dma_semaphore, #tpu.memory_space<semaphore_mem>>)
      } else {
      }
      %add3A_104 = arith.constant 1 : i32
      %add3A_105 = arith.addi %mul3A_74, %add3A_104 : i32
      %dma_wait3A_106 = arith.constant 0 : i32
      %dma_wait3A_107 = tpu.memref_slice %arg8[%add3A_105, %dma_wait3A_106] : memref<250x40xi32, #tpu.memory_space<vmem>> -> memref<1x40xi32, #tpu.memory_space<vmem>>
      %dma_wait3A_108 = tpu.memref_squeeze %dma_wait3A_107 : memref<1x40xi32, #tpu.memory_space<vmem>> -> memref<40xi32, #tpu.memory_space<vmem>>
      %dma_wait3A_109 = arith.constant 0 : i32
      %dma_wait3A_110 = arith.constant 0 : i32
      %dma_wait3A_111 = tpu.memref_slice %arg2[%dma_wait3A_109, %dma_wait3A_110] : memref<10000x128xf32, #tpu.memory_space<hbm>> -> memref<10000x128xf32, #tpu.memory_space<hbm>>
      tpu.wait_indirect_dma semaphore(%arg16 : memref<!tpu.dma_semaphore, #tpu.memory_space<semaphore_mem>>) src(%dma_wait3A_111 : memref<10000x128xf32, #tpu.memory_space<hbm>>) dst(%arg11 : memref<40x128xf32, #tpu.memory_space<vmem>>)
      %dma_start3A_112 = arith.constant 0 : i32
      %dma_start3A_113 = tpu.memref_slice %arg9[%add3A_105, %dma_start3A_112] : memref<250x40xi32, #tpu.memory_space<vmem>> -> memref<1x40xi32, #tpu.memory_space<vmem>>
      %dma_start3A_114 = tpu.memref_squeeze %dma_start3A_113 : memref<1x40xi32, #tpu.memory_space<vmem>> -> memref<40xi32, #tpu.memory_space<vmem>>
      %dma_start3A_115 = arith.constant 0 : i32
      %dma_start3A_116 = arith.constant 0 : i32
      %dma_start3A_117 = tpu.memref_slice %arg25[%dma_start3A_115, %dma_start3A_116] : memref<10000x128xf32, #tpu.memory_space<vmem_shared>> -> memref<10000x128xf32, #tpu.memory_space<vmem_shared>>
      tpu.enqueue_indirect_dma source(%arg11 : memref<40x128xf32, #tpu.memory_space<vmem>>) target(%dma_start3A_117 : memref<10000x128xf32, #tpu.memory_space<vmem_shared>>) offsets(%dma_start3A_114 : memref<40xi32, #tpu.memory_space<vmem>>) semaphore(%arg21 : memref<!tpu.dma_semaphore, #tpu.memory_space<semaphore_mem>>) {add = true}
      %dma_start3A_118 = arith.constant 0 : i32
      %dma_start3A_119 = tpu.memref_slice %arg9[%add3A_105, %dma_start3A_118] : memref<250x40xi32, #tpu.memory_space<vmem>> -> memref<1x40xi32, #tpu.memory_space<vmem>>
      %dma_start3A_120 = tpu.memref_squeeze %dma_start3A_119 : memref<1x40xi32, #tpu.memory_space<vmem>> -> memref<40xi32, #tpu.memory_space<vmem>>
      %dma_start3A_121 = arith.constant 0 : i32
      %dma_start3A_122 = arith.constant 0 : i32
      %dma_start3A_123 = tpu.memref_slice %arg27[%dma_start3A_121, %dma_start3A_122] : memref<10000x8xf32, #tpu.memory_space<vmem_shared>> -> memref<10000x8xf32, #tpu.memory_space<vmem_shared>>
      tpu.enqueue_indirect_dma source(%arg26 : memref<40x8xf32, #tpu.memory_space<vmem>>) target(%dma_start3A_123 : memref<10000x8xf32, #tpu.memory_space<vmem_shared>>) offsets(%dma_start3A_120 : memref<40xi32, #tpu.memory_space<vmem>>) semaphore(%arg28 : memref<!tpu.dma_semaphore, #tpu.memory_space<semaphore_mem>>) {add = true}
      %sub3A_124 = arith.constant 1 : i32
      %sub3A_125 = arith.subi %add3A_105, %sub3A_124 : i32
      %dma_wait3A_126 = arith.constant 0 : i32
      %dma_wait3A_127 = tpu.memref_slice %arg9[%sub3A_125, %dma_wait3A_126] : memref<250x40xi32, #tpu.memory_space<vmem>> -> memref<1x40xi32, #tpu.memory_space<vmem>>
      %dma_wait3A_128 = tpu.memref_squeeze %dma_wait3A_127 : memref<1x40xi32, #tpu.memory_space<vmem>> -> memref<40xi32, #tpu.memory_space<vmem>>
      %dma_wait3A_129 = arith.constant 0 : i32
      %dma_wait3A_130 = arith.constant 0 : i32
      %dma_wait3A_131 = tpu.memref_slice %arg25[%dma_wait3A_129, %dma_wait3A_130] : memref<10000x128xf32, #tpu.memory_space<vmem_shared>> -> memref<10000x128xf32, #tpu.memory_space<vmem_shared>>
      tpu.wait_indirect_dma semaphore(%arg20 : memref<!tpu.dma_semaphore, #tpu.memory_space<semaphore_mem>>) src(%arg10 : memref<40x128xf32, #tpu.memory_space<vmem>>) dst(%dma_wait3A_131 : memref<10000x128xf32, #tpu.memory_space<vmem_shared>>)
      %add3A_132 = arith.constant 5 : i32
      %add3A_133 = arith.addi %add3A_105, %add3A_132 : i32
      %sub3A_134 = arith.constant 1 : i32
      %sub3A_135 = arith.subi %add3A_133, %sub3A_134 : i32
      %lt3A_136 = arith.constant 250 : i32
      %lt3A_137 = arith.cmpi slt, %sub3A_135, %lt3A_136 : i32
      %convert_element_type3A_138 = arith.extui %lt3A_137 : i1 to i32
      %cond3A_139 = arith.constant 0 : i32
      %cond3A_140 = arith.cmpi ne, %convert_element_type3A_138, %cond3A_139 : i32
      scf.if %cond3A_140 {
        %add3A_252 = arith.constant 5 : i32
        %add3A_253 = arith.addi %add3A_105, %add3A_252 : i32
        %sub3A_254 = arith.constant 1 : i32
        %sub3A_255 = arith.subi %add3A_253, %sub3A_254 : i32
        %dma_start3A_256 = arith.constant 0 : i32
        %dma_start3A_257 = tpu.memref_slice %arg8[%sub3A_255, %dma_start3A_256] : memref<250x40xi32, #tpu.memory_space<vmem>> -> memref<1x40xi32, #tpu.memory_space<vmem>>
        %dma_start3A_258 = tpu.memref_squeeze %dma_start3A_257 : memref<1x40xi32, #tpu.memory_space<vmem>> -> memref<40xi32, #tpu.memory_space<vmem>>
        %dma_start3A_259 = arith.constant 0 : i32
        %dma_start3A_260 = arith.constant 0 : i32
        %dma_start3A_261 = tpu.memref_slice %arg2[%dma_start3A_259, %dma_start3A_260] : memref<10000x128xf32, #tpu.memory_space<hbm>> -> memref<10000x128xf32, #tpu.memory_space<hbm>>
        tpu.enqueue_indirect_dma source(%dma_start3A_261 : memref<10000x128xf32, #tpu.memory_space<hbm>>) target(%arg10 : memref<40x128xf32, #tpu.memory_space<vmem>>) offsets(%dma_start3A_258 : memref<40xi32, #tpu.memory_space<vmem>>) semaphore(%arg15 : memref<!tpu.dma_semaphore, #tpu.memory_space<semaphore_mem>>)
      } else {
      }
      %add3A_141 = arith.constant 2 : i32
      %add3A_142 = arith.addi %mul3A_74, %add3A_141 : i32
      %dma_wait3A_143 = arith.constant 0 : i32
      %dma_wait3A_144 = tpu.memref_slice %arg8[%add3A_142, %dma_wait3A_143] : memref<250x40xi32, #tpu.memory_space<vmem>> -> memref<1x40xi32, #tpu.memory_space<vmem>>
      %dma_wait3A_145 = tpu.memref_squeeze %dma_wait3A_144 : memref<1x40xi32, #tpu.memory_space<vmem>> -> memref<40xi32, #tpu.memory_space<vmem>>
      %dma_wait3A_146 = arith.constant 0 : i32
      %dma_wait3A_147 = arith.constant 0 : i32
      %dma_wait3A_148 = tpu.memref_slice %arg2[%dma_wait3A_146, %dma_wait3A_147] : memref<10000x128xf32, #tpu.memory_space<hbm>> -> memref<10000x128xf32, #tpu.memory_space<hbm>>
      tpu.wait_indirect_dma semaphore(%arg17 : memref<!tpu.dma_semaphore, #tpu.memory_space<semaphore_mem>>) src(%dma_wait3A_148 : memref<10000x128xf32, #tpu.memory_space<hbm>>) dst(%arg12 : memref<40x128xf32, #tpu.memory_space<vmem>>)
      %dma_start3A_149 = arith.constant 0 : i32
      %dma_start3A_150 = tpu.memref_slice %arg9[%add3A_142, %dma_start3A_149] : memref<250x40xi32, #tpu.memory_space<vmem>> -> memref<1x40xi32, #tpu.memory_space<vmem>>
      %dma_start3A_151 = tpu.memref_squeeze %dma_start3A_150 : memref<1x40xi32, #tpu.memory_space<vmem>> -> memref<40xi32, #tpu.memory_space<vmem>>
      %dma_start3A_152 = arith.constant 0 : i32
      %dma_start3A_153 = arith.constant 0 : i32
      %dma_start3A_154 = tpu.memref_slice %arg25[%dma_start3A_152, %dma_start3A_153] : memref<10000x128xf32, #tpu.memory_space<vmem_shared>> -> memref<10000x128xf32, #tpu.memory_space<vmem_shared>>
      tpu.enqueue_indirect_dma source(%arg12 : memref<40x128xf32, #tpu.memory_space<vmem>>) target(%dma_start3A_154 : memref<10000x128xf32, #tpu.memory_space<vmem_shared>>) offsets(%dma_start3A_151 : memref<40xi32, #tpu.memory_space<vmem>>) semaphore(%arg22 : memref<!tpu.dma_semaphore, #tpu.memory_space<semaphore_mem>>) {add = true}
      %dma_start3A_155 = arith.constant 0 : i32
      %dma_start3A_156 = tpu.memref_slice %arg9[%add3A_142, %dma_start3A_155] : memref<250x40xi32, #tpu.memory_space<vmem>> -> memref<1x40xi32, #tpu.memory_space<vmem>>
      %dma_start3A_157 = tpu.memref_squeeze %dma_start3A_156 : memref<1x40xi32, #tpu.memory_space<vmem>> -> memref<40xi32, #tpu.memory_space<vmem>>
      %dma_start3A_158 = arith.constant 0 : i32
      %dma_start3A_159 = arith.constant 0 : i32
      %dma_start3A_160 = tpu.memref_slice %arg27[%dma_start3A_158, %dma_start3A_159] : memref<10000x8xf32, #tpu.memory_space<vmem_shared>> -> memref<10000x8xf32, #tpu.memory_space<vmem_shared>>
      tpu.enqueue_indirect_dma source(%arg26 : memref<40x8xf32, #tpu.memory_space<vmem>>) target(%dma_start3A_160 : memref<10000x8xf32, #tpu.memory_space<vmem_shared>>) offsets(%dma_start3A_157 : memref<40xi32, #tpu.memory_space<vmem>>) semaphore(%arg28 : memref<!tpu.dma_semaphore, #tpu.memory_space<semaphore_mem>>) {add = true}
      %sub3A_161 = arith.constant 1 : i32
      %sub3A_162 = arith.subi %add3A_142, %sub3A_161 : i32
      %dma_wait3A_163 = arith.constant 0 : i32
      %dma_wait3A_164 = tpu.memref_slice %arg9[%sub3A_162, %dma_wait3A_163] : memref<250x40xi32, #tpu.memory_space<vmem>> -> memref<1x40xi32, #tpu.memory_space<vmem>>
      %dma_wait3A_165 = tpu.memref_squeeze %dma_wait3A_164 : memref<1x40xi32, #tpu.memory_space<vmem>> -> memref<40xi32, #tpu.memory_space<vmem>>
      %dma_wait3A_166 = arith.constant 0 : i32
      %dma_wait3A_167 = arith.constant 0 : i32
      %dma_wait3A_168 = tpu.memref_slice %arg25[%dma_wait3A_166, %dma_wait3A_167] : memref<10000x128xf32, #tpu.memory_space<vmem_shared>> -> memref<10000x128xf32, #tpu.memory_space<vmem_shared>>
      tpu.wait_indirect_dma semaphore(%arg21 : memref<!tpu.dma_semaphore, #tpu.memory_space<semaphore_mem>>) src(%arg11 : memref<40x128xf32, #tpu.memory_space<vmem>>) dst(%dma_wait3A_168 : memref<10000x128xf32, #tpu.memory_space<vmem_shared>>)
      %add3A_169 = arith.constant 5 : i32
      %add3A_170 = arith.addi %add3A_142, %add3A_169 : i32
      %sub3A_171 = arith.constant 1 : i32
      %sub3A_172 = arith.subi %add3A_170, %sub3A_171 : i32
      %lt3A_173 = arith.constant 250 : i32
      %lt3A_174 = arith.cmpi slt, %sub3A_172, %lt3A_173 : i32
      %convert_element_type3A_175 = arith.extui %lt3A_174 : i1 to i32
      %cond3A_176 = arith.constant 0 : i32
      %cond3A_177 = arith.cmpi ne, %convert_element_type3A_175, %cond3A_176 : i32
      scf.if %cond3A_177 {
        %add3A_252 = arith.constant 5 : i32
        %add3A_253 = arith.addi %add3A_142, %add3A_252 : i32
        %sub3A_254 = arith.constant 1 : i32
        %sub3A_255 = arith.subi %add3A_253, %sub3A_254 : i32
        %dma_start3A_256 = arith.constant 0 : i32
        %dma_start3A_257 = tpu.memref_slice %arg8[%sub3A_255, %dma_start3A_256] : memref<250x40xi32, #tpu.memory_space<vmem>> -> memref<1x40xi32, #tpu.memory_space<vmem>>
        %dma_start3A_258 = tpu.memref_squeeze %dma_start3A_257 : memref<1x40xi32, #tpu.memory_space<vmem>> -> memref<40xi32, #tpu.memory_space<vmem>>
        %dma_start3A_259 = arith.constant 0 : i32
        %dma_start3A_260 = arith.constant 0 : i32
        %dma_start3A_261 = tpu.memref_slice %arg2[%dma_start3A_259, %dma_start3A_260] : memref<10000x128xf32, #tpu.memory_space<hbm>> -> memref<10000x128xf32, #tpu.memory_space<hbm>>
        tpu.enqueue_indirect_dma source(%dma_start3A_261 : memref<10000x128xf32, #tpu.memory_space<hbm>>) target(%arg11 : memref<40x128xf32, #tpu.memory_space<vmem>>) offsets(%dma_start3A_258 : memref<40xi32, #tpu.memory_space<vmem>>) semaphore(%arg16 : memref<!tpu.dma_semaphore, #tpu.memory_space<semaphore_mem>>)
      } else {
      }
      %add3A_178 = arith.constant 3 : i32
      %add3A_179 = arith.addi %mul3A_74, %add3A_178 : i32
      %dma_wait3A_180 = arith.constant 0 : i32
      %dma_wait3A_181 = tpu.memref_slice %arg8[%add3A_179, %dma_wait3A_180] : memref<250x40xi32, #tpu.memory_space<vmem>> -> memref<1x40xi32, #tpu.memory_space<vmem>>
      %dma_wait3A_182 = tpu.memref_squeeze %dma_wait3A_181 : memref<1x40xi32, #tpu.memory_space<vmem>> -> memref<40xi32, #tpu.memory_space<vmem>>
      %dma_wait3A_183 = arith.constant 0 : i32
      %dma_wait3A_184 = arith.constant 0 : i32
      %dma_wait3A_185 = tpu.memref_slice %arg2[%dma_wait3A_183, %dma_wait3A_184] : memref<10000x128xf32, #tpu.memory_space<hbm>> -> memref<10000x128xf32, #tpu.memory_space<hbm>>
      tpu.wait_indirect_dma semaphore(%arg18 : memref<!tpu.dma_semaphore, #tpu.memory_space<semaphore_mem>>) src(%dma_wait3A_185 : memref<10000x128xf32, #tpu.memory_space<hbm>>) dst(%arg13 : memref<40x128xf32, #tpu.memory_space<vmem>>)
      %dma_start3A_186 = arith.constant 0 : i32
      %dma_start3A_187 = tpu.memref_slice %arg9[%add3A_179, %dma_start3A_186] : memref<250x40xi32, #tpu.memory_space<vmem>> -> memref<1x40xi32, #tpu.memory_space<vmem>>
      %dma_start3A_188 = tpu.memref_squeeze %dma_start3A_187 : memref<1x40xi32, #tpu.memory_space<vmem>> -> memref<40xi32, #tpu.memory_space<vmem>>
      %dma_start3A_189 = arith.constant 0 : i32
      %dma_start3A_190 = arith.constant 0 : i32
      %dma_start3A_191 = tpu.memref_slice %arg25[%dma_start3A_189, %dma_start3A_190] : memref<10000x128xf32, #tpu.memory_space<vmem_shared>> -> memref<10000x128xf32, #tpu.memory_space<vmem_shared>>
      tpu.enqueue_indirect_dma source(%arg13 : memref<40x128xf32, #tpu.memory_space<vmem>>) target(%dma_start3A_191 : memref<10000x128xf32, #tpu.memory_space<vmem_shared>>) offsets(%dma_start3A_188 : memref<40xi32, #tpu.memory_space<vmem>>) semaphore(%arg23 : memref<!tpu.dma_semaphore, #tpu.memory_space<semaphore_mem>>) {add = true}
      %dma_start3A_192 = arith.constant 0 : i32
      %dma_start3A_193 = tpu.memref_slice %arg9[%add3A_179, %dma_start3A_192] : memref<250x40xi32, #tpu.memory_space<vmem>> -> memref<1x40xi32, #tpu.memory_space<vmem>>
      %dma_start3A_194 = tpu.memref_squeeze %dma_start3A_193 : memref<1x40xi32, #tpu.memory_space<vmem>> -> memref<40xi32, #tpu.memory_space<vmem>>
      %dma_start3A_195 = arith.constant 0 : i32
      %dma_start3A_196 = arith.constant 0 : i32
      %dma_start3A_197 = tpu.memref_slice %arg27[%dma_start3A_195, %dma_start3A_196] : memref<10000x8xf32, #tpu.memory_space<vmem_shared>> -> memref<10000x8xf32, #tpu.memory_space<vmem_shared>>
      tpu.enqueue_indirect_dma source(%arg26 : memref<40x8xf32, #tpu.memory_space<vmem>>) target(%dma_start3A_197 : memref<10000x8xf32, #tpu.memory_space<vmem_shared>>) offsets(%dma_start3A_194 : memref<40xi32, #tpu.memory_space<vmem>>) semaphore(%arg28 : memref<!tpu.dma_semaphore, #tpu.memory_space<semaphore_mem>>) {add = true}
      %sub3A_198 = arith.constant 1 : i32
      %sub3A_199 = arith.subi %add3A_179, %sub3A_198 : i32
      %dma_wait3A_200 = arith.constant 0 : i32
      %dma_wait3A_201 = tpu.memref_slice %arg9[%sub3A_199, %dma_wait3A_200] : memref<250x40xi32, #tpu.memory_space<vmem>> -> memref<1x40xi32, #tpu.memory_space<vmem>>
      %dma_wait3A_202 = tpu.memref_squeeze %dma_wait3A_201 : memref<1x40xi32, #tpu.memory_space<vmem>> -> memref<40xi32, #tpu.memory_space<vmem>>
      %dma_wait3A_203 = arith.constant 0 : i32
      %dma_wait3A_204 = arith.constant 0 : i32
      %dma_wait3A_205 = tpu.memref_slice %arg25[%dma_wait3A_203, %dma_wait3A_204] : memref<10000x128xf32, #tpu.memory_space<vmem_shared>> -> memref<10000x128xf32, #tpu.memory_space<vmem_shared>>
      tpu.wait_indirect_dma semaphore(%arg22 : memref<!tpu.dma_semaphore, #tpu.memory_space<semaphore_mem>>) src(%arg12 : memref<40x128xf32, #tpu.memory_space<vmem>>) dst(%dma_wait3A_205 : memref<10000x128xf32, #tpu.memory_space<vmem_shared>>)
      %add3A_206 = arith.constant 5 : i32
      %add3A_207 = arith.addi %add3A_179, %add3A_206 : i32
      %sub3A_208 = arith.constant 1 : i32
      %sub3A_209 = arith.subi %add3A_207, %sub3A_208 : i32
      %lt3A_210 = arith.constant 250 : i32
      %lt3A_211 = arith.cmpi slt, %sub3A_209, %lt3A_210 : i32
      %convert_element_type3A_212 = arith.extui %lt3A_211 : i1 to i32
      %cond3A_213 = arith.constant 0 : i32
      %cond3A_214 = arith.cmpi ne, %convert_element_type3A_212, %cond3A_213 : i32
      scf.if %cond3A_214 {
        %add3A_252 = arith.constant 5 : i32
        %add3A_253 = arith.addi %add3A_179, %add3A_252 : i32
        %sub3A_254 = arith.constant 1 : i32
        %sub3A_255 = arith.subi %add3A_253, %sub3A_254 : i32
        %dma_start3A_256 = arith.constant 0 : i32
        %dma_start3A_257 = tpu.memref_slice %arg8[%sub3A_255, %dma_start3A_256] : memref<250x40xi32, #tpu.memory_space<vmem>> -> memref<1x40xi32, #tpu.memory_space<vmem>>
        %dma_start3A_258 = tpu.memref_squeeze %dma_start3A_257 : memref<1x40xi32, #tpu.memory_space<vmem>> -> memref<40xi32, #tpu.memory_space<vmem>>
        %dma_start3A_259 = arith.constant 0 : i32
        %dma_start3A_260 = arith.constant 0 : i32
        %dma_start3A_261 = tpu.memref_slice %arg2[%dma_start3A_259, %dma_start3A_260] : memref<10000x128xf32, #tpu.memory_space<hbm>> -> memref<10000x128xf32, #tpu.memory_space<hbm>>
        tpu.enqueue_indirect_dma source(%dma_start3A_261 : memref<10000x128xf32, #tpu.memory_space<hbm>>) target(%arg12 : memref<40x128xf32, #tpu.memory_space<vmem>>) offsets(%dma_start3A_258 : memref<40xi32, #tpu.memory_space<vmem>>) semaphore(%arg17 : memref<!tpu.dma_semaphore, #tpu.memory_space<semaphore_mem>>)
      } else {
      }
      %add3A_215 = arith.constant 4 : i32
      %add3A_216 = arith.addi %mul3A_74, %add3A_215 : i32
      %dma_wait3A_217 = arith.constant 0 : i32
      %dma_wait3A_218 = tpu.memref_slice %arg8[%add3A_216, %dma_wait3A_217] : memref<250x40xi32, #tpu.memory_space<vmem>> -> memref<1x40xi32, #tpu.memory_space<vmem>>
      %dma_wait3A_219 = tpu.memref_squeeze %dma_wait3A_218 : memref<1x40xi32, #tpu.memory_space<vmem>> -> memref<40xi32, #tpu.memory_space<vmem>>
      %dma_wait3A_220 = arith.constant 0 : i32
      %dma_wait3A_221 = arith.constant 0 : i32
      %dma_wait3A_222 = tpu.memref_slice %arg2[%dma_wait3A_220, %dma_wait3A_221] : memref<10000x128xf32, #tpu.memory_space<hbm>> -> memref<10000x128xf32, #tpu.memory_space<hbm>>
      tpu.wait_indirect_dma semaphore(%arg19 : memref<!tpu.dma_semaphore, #tpu.memory_space<semaphore_mem>>) src(%dma_wait3A_222 : memref<10000x128xf32, #tpu.memory_space<hbm>>) dst(%arg14 : memref<40x128xf32, #tpu.memory_space<vmem>>)
      %dma_start3A_223 = arith.constant 0 : i32
      %dma_start3A_224 = tpu.memref_slice %arg9[%add3A_216, %dma_start3A_223] : memref<250x40xi32, #tpu.memory_space<vmem>> -> memref<1x40xi32, #tpu.memory_space<vmem>>
      %dma_start3A_225 = tpu.memref_squeeze %dma_start3A_224 : memref<1x40xi32, #tpu.memory_space<vmem>> -> memref<40xi32, #tpu.memory_space<vmem>>
      %dma_start3A_226 = arith.constant 0 : i32
      %dma_start3A_227 = arith.constant 0 : i32
      %dma_start3A_228 = tpu.memref_slice %arg25[%dma_start3A_226, %dma_start3A_227] : memref<10000x128xf32, #tpu.memory_space<vmem_shared>> -> memref<10000x128xf32, #tpu.memory_space<vmem_shared>>
      tpu.enqueue_indirect_dma source(%arg14 : memref<40x128xf32, #tpu.memory_space<vmem>>) target(%dma_start3A_228 : memref<10000x128xf32, #tpu.memory_space<vmem_shared>>) offsets(%dma_start3A_225 : memref<40xi32, #tpu.memory_space<vmem>>) semaphore(%arg24 : memref<!tpu.dma_semaphore, #tpu.memory_space<semaphore_mem>>) {add = true}
      %dma_start3A_229 = arith.constant 0 : i32
      %dma_start3A_230 = tpu.memref_slice %arg9[%add3A_216, %dma_start3A_229] : memref<250x40xi32, #tpu.memory_space<vmem>> -> memref<1x40xi32, #tpu.memory_space<vmem>>
      %dma_start3A_231 = tpu.memref_squeeze %dma_start3A_230 : memref<1x40xi32, #tpu.memory_space<vmem>> -> memref<40xi32, #tpu.memory_space<vmem>>
      %dma_start3A_232 = arith.constant 0 : i32
      %dma_start3A_233 = arith.constant 0 : i32
      %dma_start3A_234 = tpu.memref_slice %arg27[%dma_start3A_232, %dma_start3A_233] : memref<10000x8xf32, #tpu.memory_space<vmem_shared>> -> memref<10000x8xf32, #tpu.memory_space<vmem_shared>>
      tpu.enqueue_indirect_dma source(%arg26 : memref<40x8xf32, #tpu.memory_space<vmem>>) target(%dma_start3A_234 : memref<10000x8xf32, #tpu.memory_space<vmem_shared>>) offsets(%dma_start3A_231 : memref<40xi32, #tpu.memory_space<vmem>>) semaphore(%arg28 : memref<!tpu.dma_semaphore, #tpu.memory_space<semaphore_mem>>) {add = true}
      %sub3A_235 = arith.constant 1 : i32
      %sub3A_236 = arith.subi %add3A_216, %sub3A_235 : i32
      %dma_wait3A_237 = arith.constant 0 : i32
      %dma_wait3A_238 = tpu.memref_slice %arg9[%sub3A_236, %dma_wait3A_237] : memref<250x40xi32, #tpu.memory_space<vmem>> -> memref<1x40xi32, #tpu.memory_space<vmem>>
      %dma_wait3A_239 = tpu.memref_squeeze %dma_wait3A_238 : memref<1x40xi32, #tpu.memory_space<vmem>> -> memref<40xi32, #tpu.memory_space<vmem>>
      %dma_wait3A_240 = arith.constant 0 : i32
      %dma_wait3A_241 = arith.constant 0 : i32
      %dma_wait3A_242 = tpu.memref_slice %arg25[%dma_wait3A_240, %dma_wait3A_241] : memref<10000x128xf32, #tpu.memory_space<vmem_shared>> -> memref<10000x128xf32, #tpu.memory_space<vmem_shared>>
      tpu.wait_indirect_dma semaphore(%arg23 : memref<!tpu.dma_semaphore, #tpu.memory_space<semaphore_mem>>) src(%arg13 : memref<40x128xf32, #tpu.memory_space<vmem>>) dst(%dma_wait3A_242 : memref<10000x128xf32, #tpu.memory_space<vmem_shared>>)
      %add3A_243 = arith.constant 5 : i32
      %add3A_244 = arith.addi %add3A_216, %add3A_243 : i32
      %sub3A_245 = arith.constant 1 : i32
      %sub3A_246 = arith.subi %add3A_244, %sub3A_245 : i32
      %lt3A_247 = arith.constant 250 : i32
      %lt3A_248 = arith.cmpi slt, %sub3A_246, %lt3A_247 : i32
      %convert_element_type3A_249 = arith.extui %lt3A_248 : i1 to i32
      %cond3A_250 = arith.constant 0 : i32
      %cond3A_251 = arith.cmpi ne, %convert_element_type3A_249, %cond3A_250 : i32
      scf.if %cond3A_251 {
        %add3A_252 = arith.constant 5 : i32
        %add3A_253 = arith.addi %add3A_216, %add3A_252 : i32
        %sub3A_254 = arith.constant 1 : i32
        %sub3A_255 = arith.subi %add3A_253, %sub3A_254 : i32
        %dma_start3A_256 = arith.constant 0 : i32
        %dma_start3A_257 = tpu.memref_slice %arg8[%sub3A_255, %dma_start3A_256] : memref<250x40xi32, #tpu.memory_space<vmem>> -> memref<1x40xi32, #tpu.memory_space<vmem>>
        %dma_start3A_258 = tpu.memref_squeeze %dma_start3A_257 : memref<1x40xi32, #tpu.memory_space<vmem>> -> memref<40xi32, #tpu.memory_space<vmem>>
        %dma_start3A_259 = arith.constant 0 : i32
        %dma_start3A_260 = arith.constant 0 : i32
        %dma_start3A_261 = tpu.memref_slice %arg2[%dma_start3A_259, %dma_start3A_260] : memref<10000x128xf32, #tpu.memory_space<hbm>> -> memref<10000x128xf32, #tpu.memory_space<hbm>>
        tpu.enqueue_indirect_dma source(%dma_start3A_261 : memref<10000x128xf32, #tpu.memory_space<hbm>>) target(%arg13 : memref<40x128xf32, #tpu.memory_space<vmem>>) offsets(%dma_start3A_258 : memref<40xi32, #tpu.memory_space<vmem>>) semaphore(%arg18 : memref<!tpu.dma_semaphore, #tpu.memory_space<semaphore_mem>>)
      } else {
      }
    }
    %scan3A_58 = arith.constant 50 : i32
    %dma_wait3A = arith.constant 249 : i32
    %dma_wait3A_59 = arith.constant 0 : i32
    %dma_wait3A_60 = tpu.memref_slice %arg9[%dma_wait3A, %dma_wait3A_59] : memref<250x40xi32, #tpu.memory_space<vmem>> -> memref<1x40xi32, #tpu.memory_space<vmem>>
    %dma_wait3A_61 = tpu.memref_squeeze %dma_wait3A_60 : memref<1x40xi32, #tpu.memory_space<vmem>> -> memref<40xi32, #tpu.memory_space<vmem>>
    %dma_wait3A_62 = arith.constant 0 : i32
    %dma_wait3A_63 = arith.constant 0 : i32
    %dma_wait3A_64 = tpu.memref_slice %arg25[%dma_wait3A_62, %dma_wait3A_63] : memref<10000x128xf32, #tpu.memory_space<vmem_shared>> -> memref<10000x128xf32, #tpu.memory_space<vmem_shared>>
    tpu.wait_indirect_dma semaphore(%arg24 : memref<!tpu.dma_semaphore, #tpu.memory_space<semaphore_mem>>) src(%arg14 : memref<40x128xf32, #tpu.memory_space<vmem>>) dst(%dma_wait3A_64 : memref<10000x128xf32, #tpu.memory_space<vmem_shared>>)
    %scan3A_65 = arith.constant 0 : i32
    %scan3A_66 = arith.constant 0 : i32
    %scan3A_67 = arith.constant 250 : i32
    %scan3A_68 = arith.addi %scan3A_66, %scan3A_67 : i32
    %scan3A_69 = arith.constant 1 : i32
    scf.for %scan3A_72 = %scan3A_66 to %scan3A_68 step %scan3A_69  : i32 {
      %dma_wait3A_73 = arith.constant 0 : i32
      %dma_wait3A_74 = tpu.memref_slice %arg9[%scan3A_72, %dma_wait3A_73] : memref<250x40xi32, #tpu.memory_space<vmem>> -> memref<1x40xi32, #tpu.memory_space<vmem>>
      %dma_wait3A_75 = tpu.memref_squeeze %dma_wait3A_74 : memref<1x40xi32, #tpu.memory_space<vmem>> -> memref<40xi32, #tpu.memory_space<vmem>>
      %dma_wait3A_76 = arith.constant 0 : i32
      %dma_wait3A_77 = arith.constant 0 : i32
      %dma_wait3A_78 = tpu.memref_slice %arg27[%dma_wait3A_76, %dma_wait3A_77] : memref<10000x8xf32, #tpu.memory_space<vmem_shared>> -> memref<10000x8xf32, #tpu.memory_space<vmem_shared>>
      tpu.wait_indirect_dma semaphore(%arg28 : memref<!tpu.dma_semaphore, #tpu.memory_space<semaphore_mem>>) src(%arg26 : memref<40x8xf32, #tpu.memory_space<vmem>>) dst(%dma_wait3A_78 : memref<10000x8xf32, #tpu.memory_space<vmem_shared>>)
    }
    %scan3A_70 = arith.constant 250 : i32
    %barrier3A_71 = arith.constant 0 : index
    tpu.barrier barrier_id(%barrier3A_71)
    "tpu.region"() ({
      %run_scoped3A_72 = tpu.sem_alloc : memref<!tpu.dma_semaphore, #tpu.memory_space<semaphore_mem>>
      %dma_start3A_73 = arith.constant 0 : i32
      %dma_start3A_74 = tpu.memref_slice %arg6[%arg0, %mul3A_2, %dma_start3A_73] : memref<2x10000x128xf32, #tpu.memory_space<hbm>> -> memref<1x625x128xf32, #tpu.memory_space<hbm>>
      %dma_start3A_75 = tpu.memref_squeeze %dma_start3A_74 : memref<1x625x128xf32, #tpu.memory_space<hbm>> -> memref<625x128xf32, #tpu.memory_space<hbm>>
      %dma_start3A_76 = arith.constant 0 : i32
      %dma_start3A_77 = tpu.memref_slice %arg25[%mul3A_2, %dma_start3A_76] : memref<10000x128xf32, #tpu.memory_space<vmem_shared>> -> memref<625x128xf32, #tpu.memory_space<vmem_shared>>
      tpu.enqueue_dma source(%dma_start3A_77 : memref<625x128xf32, #tpu.memory_space<vmem_shared>>) target(%dma_start3A_75 : memref<625x128xf32, #tpu.memory_space<hbm>>) target_semaphore(%run_scoped3A_72 : memref<!tpu.dma_semaphore, #tpu.memory_space<semaphore_mem>>)
      %dma_wait3A_78 = arith.constant 0 : i32
      %dma_wait3A_79 = tpu.memref_slice %arg6[%arg0, %mul3A_2, %dma_wait3A_78] : memref<2x10000x128xf32, #tpu.memory_space<hbm>> -> memref<1x625x128xf32, #tpu.memory_space<hbm>>
      %dma_wait3A_80 = tpu.memref_squeeze %dma_wait3A_79 : memref<1x625x128xf32, #tpu.memory_space<hbm>> -> memref<625x128xf32, #tpu.memory_space<hbm>>
      %dma_wait3A_81 = arith.constant 0 : i32
      %dma_wait3A_82 = tpu.memref_slice %arg25[%mul3A_2, %dma_wait3A_81] : memref<10000x128xf32, #tpu.memory_space<vmem_shared>> -> memref<625x128xf32, #tpu.memory_space<vmem_shared>>
      tpu.wait_dma2 semaphore(%run_scoped3A_72 : memref<!tpu.dma_semaphore, #tpu.memory_space<semaphore_mem>>) src(%dma_wait3A_82 : memref<625x128xf32, #tpu.memory_space<vmem_shared>>) dst(%dma_wait3A_80 : memref<625x128xf32, #tpu.memory_space<hbm>>)
      tpu.yield
    }) : () -> ()
    "tpu.region"() ({
      %run_scoped3A_72 = tpu.sem_alloc : memref<!tpu.dma_semaphore, #tpu.memory_space<semaphore_mem>>
      %dma_start3A_73 = arith.constant 0 : i32
      %dma_start3A_74 = tpu.memref_slice %arg7[%arg0, %mul3A_2, %dma_start3A_73] : memref<2x10000x8xf32, #tpu.memory_space<hbm>> -> memref<1x625x8xf32, #tpu.memory_space<hbm>>
      %dma_start3A_75 = tpu.memref_squeeze %dma_start3A_74 : memref<1x625x8xf32, #tpu.memory_space<hbm>> -> memref<625x8xf32, #tpu.memory_space<hbm>>
      %dma_start3A_76 = arith.constant 0 : i32
      %dma_start3A_77 = tpu.memref_slice %arg27[%mul3A_2, %dma_start3A_76] : memref<10000x8xf32, #tpu.memory_space<vmem_shared>> -> memref<625x8xf32, #tpu.memory_space<vmem_shared>>
      tpu.enqueue_dma source(%dma_start3A_77 : memref<625x8xf32, #tpu.memory_space<vmem_shared>>) target(%dma_start3A_75 : memref<625x8xf32, #tpu.memory_space<hbm>>) target_semaphore(%run_scoped3A_72 : memref<!tpu.dma_semaphore, #tpu.memory_space<semaphore_mem>>)
      %dma_wait3A_78 = arith.constant 0 : i32
      %dma_wait3A_79 = tpu.memref_slice %arg7[%arg0, %mul3A_2, %dma_wait3A_78] : memref<2x10000x8xf32, #tpu.memory_space<hbm>> -> memref<1x625x8xf32, #tpu.memory_space<hbm>>
      %dma_wait3A_80 = tpu.memref_squeeze %dma_wait3A_79 : memref<1x625x8xf32, #tpu.memory_space<hbm>> -> memref<625x8xf32, #tpu.memory_space<hbm>>
      %dma_wait3A_81 = arith.constant 0 : i32
      %dma_wait3A_82 = tpu.memref_slice %arg27[%mul3A_2, %dma_wait3A_81] : memref<10000x8xf32, #tpu.memory_space<vmem_shared>> -> memref<625x8xf32, #tpu.memory_space<vmem_shared>>
      tpu.wait_dma2 semaphore(%run_scoped3A_72 : memref<!tpu.dma_semaphore, #tpu.memory_space<semaphore_mem>>) src(%dma_wait3A_82 : memref<625x8xf32, #tpu.memory_space<vmem_shared>>) dst(%dma_wait3A_80 : memref<625x8xf32, #tpu.memory_space<hbm>>)
      tpu.yield
    }) : () -> ()
    return
  }
}

#map = affine_map<(d0, d1) -> (0, 0)>
#map1 = affine_map<(d0, d1) -> (0, 0, 0)>
module attributes {stable_mosaic.version = 14 : i64} {
  func.func @agg_body(%arg0: i32, %arg1: i32, %arg2: memref<10000x128xf32, #tpu.memory_space<hbm>>, %arg3: memref<32x250x40xi32, #tpu.memory_space<hbm>>, %arg4: memref<32x250x40xi32, #tpu.memory_space<hbm>>, %arg5: memref<2x10000x128xf32, #tpu.memory_space<hbm>>, %arg6: memref<250x40xi32, #tpu.memory_space<vmem>>, %arg7: memref<250x40xi32, #tpu.memory_space<vmem>>, %arg8: memref<40x128xf32, #tpu.memory_space<vmem>>, %arg9: memref<40x128xf32, #tpu.memory_space<vmem>>, %arg10: memref<40x128xf32, #tpu.memory_space<vmem>>, %arg11: memref<40x128xf32, #tpu.memory_space<vmem>>, %arg12: memref<40x128xf32, #tpu.memory_space<vmem>>, %arg13: memref<!tpu.dma_semaphore, #tpu.memory_space<semaphore_mem>>, %arg14: memref<!tpu.dma_semaphore, #tpu.memory_space<semaphore_mem>>, %arg15: memref<!tpu.dma_semaphore, #tpu.memory_space<semaphore_mem>>, %arg16: memref<!tpu.dma_semaphore, #tpu.memory_space<semaphore_mem>>, %arg17: memref<!tpu.dma_semaphore, #tpu.memory_space<semaphore_mem>>, %arg18: memref<!tpu.dma_semaphore, #tpu.memory_space<semaphore_mem>>, %arg19: memref<!tpu.dma_semaphore, #tpu.memory_space<semaphore_mem>>, %arg20: memref<!tpu.dma_semaphore, #tpu.memory_space<semaphore_mem>>, %arg21: memref<!tpu.dma_semaphore, #tpu.memory_space<semaphore_mem>>, %arg22: memref<!tpu.dma_semaphore, #tpu.memory_space<semaphore_mem>>, %arg23: memref<10000x128xf32, #tpu.memory_space<vmem_shared>>) attributes {dimension_semantics = [#tpu.dimension_semantics<core_parallel>, #tpu.dimension_semantics<subcore_parallel>], iteration_bounds = array<i64: 2, 16>, scalar_prefetch = 0 : i64, scratch_operands = 18 : i64, tpu.core_type = #tpu.core_type<sc_vector_subcore>, window_params = [{transform_indices = #map}, {transform_indices = #map1}, {transform_indices = #map1}, {transform_indices = #map1}]} {
    %mul3A = arith.constant 16 : i32
    %mul3A_0 = arith.muli %arg0, %mul3A : i32
    %add3A = arith.addi %mul3A_0, %arg1 : i32
    "tpu.region"() ({
      %run_scoped3A = tpu.sem_alloc : memref<!tpu.dma_semaphore, #tpu.memory_space<semaphore_mem>>
      %dma_start3A_57 = arith.constant 0 : i32
      %dma_start3A_58 = arith.constant 0 : i32
      %dma_start3A_59 = tpu.memref_slice %arg3[%add3A, %dma_start3A_57, %dma_start3A_58] : memref<32x250x40xi32, #tpu.memory_space<hbm>> -> memref<1x250x40xi32, #tpu.memory_space<hbm>>
      %dma_start3A_60 = tpu.memref_squeeze %dma_start3A_59 : memref<1x250x40xi32, #tpu.memory_space<hbm>> -> memref<250x40xi32, #tpu.memory_space<hbm>>
      %dma_start3A_61 = arith.constant 0 : i32
      %dma_start3A_62 = arith.constant 0 : i32
      %dma_start3A_63 = tpu.memref_slice %arg3[%add3A, %dma_start3A_61, %dma_start3A_62] : memref<32x250x40xi32, #tpu.memory_space<hbm>> -> memref<1x250x40xi32, #tpu.memory_space<hbm>>
      %dma_start3A_64 = tpu.memref_squeeze %dma_start3A_63 : memref<1x250x40xi32, #tpu.memory_space<hbm>> -> memref<250x40xi32, #tpu.memory_space<hbm>>
      tpu.enqueue_dma source(%dma_start3A_64 : memref<250x40xi32, #tpu.memory_space<hbm>>) target(%arg6 : memref<250x40xi32, #tpu.memory_space<vmem>>) target_semaphore(%run_scoped3A : memref<!tpu.dma_semaphore, #tpu.memory_space<semaphore_mem>>)
      %dma_wait3A_65 = arith.constant 0 : i32
      %dma_wait3A_66 = arith.constant 0 : i32
      %dma_wait3A_67 = tpu.memref_slice %arg3[%add3A, %dma_wait3A_65, %dma_wait3A_66] : memref<32x250x40xi32, #tpu.memory_space<hbm>> -> memref<1x250x40xi32, #tpu.memory_space<hbm>>
      %dma_wait3A_68 = tpu.memref_squeeze %dma_wait3A_67 : memref<1x250x40xi32, #tpu.memory_space<hbm>> -> memref<250x40xi32, #tpu.memory_space<hbm>>
      %dma_wait3A_69 = arith.constant 0 : i32
      %dma_wait3A_70 = arith.constant 0 : i32
      %dma_wait3A_71 = tpu.memref_slice %arg3[%add3A, %dma_wait3A_69, %dma_wait3A_70] : memref<32x250x40xi32, #tpu.memory_space<hbm>> -> memref<1x250x40xi32, #tpu.memory_space<hbm>>
      %dma_wait3A_72 = tpu.memref_squeeze %dma_wait3A_71 : memref<1x250x40xi32, #tpu.memory_space<hbm>> -> memref<250x40xi32, #tpu.memory_space<hbm>>
      tpu.wait_dma2 semaphore(%run_scoped3A : memref<!tpu.dma_semaphore, #tpu.memory_space<semaphore_mem>>) src(%dma_wait3A_72 : memref<250x40xi32, #tpu.memory_space<hbm>>) dst(%arg6 : memref<250x40xi32, #tpu.memory_space<vmem>>)
      tpu.yield
    }) : () -> ()
    "tpu.region"() ({
      %run_scoped3A = tpu.sem_alloc : memref<!tpu.dma_semaphore, #tpu.memory_space<semaphore_mem>>
      %dma_start3A_57 = arith.constant 0 : i32
      %dma_start3A_58 = arith.constant 0 : i32
      %dma_start3A_59 = tpu.memref_slice %arg4[%add3A, %dma_start3A_57, %dma_start3A_58] : memref<32x250x40xi32, #tpu.memory_space<hbm>> -> memref<1x250x40xi32, #tpu.memory_space<hbm>>
      %dma_start3A_60 = tpu.memref_squeeze %dma_start3A_59 : memref<1x250x40xi32, #tpu.memory_space<hbm>> -> memref<250x40xi32, #tpu.memory_space<hbm>>
      %dma_start3A_61 = arith.constant 0 : i32
      %dma_start3A_62 = arith.constant 0 : i32
      %dma_start3A_63 = tpu.memref_slice %arg4[%add3A, %dma_start3A_61, %dma_start3A_62] : memref<32x250x40xi32, #tpu.memory_space<hbm>> -> memref<1x250x40xi32, #tpu.memory_space<hbm>>
      %dma_start3A_64 = tpu.memref_squeeze %dma_start3A_63 : memref<1x250x40xi32, #tpu.memory_space<hbm>> -> memref<250x40xi32, #tpu.memory_space<hbm>>
      tpu.enqueue_dma source(%dma_start3A_64 : memref<250x40xi32, #tpu.memory_space<hbm>>) target(%arg7 : memref<250x40xi32, #tpu.memory_space<vmem>>) target_semaphore(%run_scoped3A : memref<!tpu.dma_semaphore, #tpu.memory_space<semaphore_mem>>)
      %dma_wait3A_65 = arith.constant 0 : i32
      %dma_wait3A_66 = arith.constant 0 : i32
      %dma_wait3A_67 = tpu.memref_slice %arg4[%add3A, %dma_wait3A_65, %dma_wait3A_66] : memref<32x250x40xi32, #tpu.memory_space<hbm>> -> memref<1x250x40xi32, #tpu.memory_space<hbm>>
      %dma_wait3A_68 = tpu.memref_squeeze %dma_wait3A_67 : memref<1x250x40xi32, #tpu.memory_space<hbm>> -> memref<250x40xi32, #tpu.memory_space<hbm>>
      %dma_wait3A_69 = arith.constant 0 : i32
      %dma_wait3A_70 = arith.constant 0 : i32
      %dma_wait3A_71 = tpu.memref_slice %arg4[%add3A, %dma_wait3A_69, %dma_wait3A_70] : memref<32x250x40xi32, #tpu.memory_space<hbm>> -> memref<1x250x40xi32, #tpu.memory_space<hbm>>
      %dma_wait3A_72 = tpu.memref_squeeze %dma_wait3A_71 : memref<1x250x40xi32, #tpu.memory_space<hbm>> -> memref<250x40xi32, #tpu.memory_space<hbm>>
      tpu.wait_dma2 semaphore(%run_scoped3A : memref<!tpu.dma_semaphore, #tpu.memory_space<semaphore_mem>>) src(%dma_wait3A_72 : memref<250x40xi32, #tpu.memory_space<hbm>>) dst(%arg7 : memref<250x40xi32, #tpu.memory_space<vmem>>)
      tpu.yield
    }) : () -> ()
    %mul3A_1 = arith.constant 625 : i32
    %mul3A_2 = arith.muli %arg1, %mul3A_1 : i32
    %dma_start3A = arith.constant 0 : i32
    %dma_start3A_3 = arith.constant 0 : i32
    %dma_start3A_4 = tpu.memref_slice %arg6[%dma_start3A, %dma_start3A_3] : memref<250x40xi32, #tpu.memory_space<vmem>> -> memref<1x40xi32, #tpu.memory_space<vmem>>
    %dma_start3A_5 = tpu.memref_squeeze %dma_start3A_4 : memref<1x40xi32, #tpu.memory_space<vmem>> -> memref<40xi32, #tpu.memory_space<vmem>>
    %dma_start3A_6 = arith.constant 0 : i32
    %dma_start3A_7 = arith.constant 0 : i32
    %dma_start3A_8 = tpu.memref_slice %arg2[%dma_start3A_6, %dma_start3A_7] : memref<10000x128xf32, #tpu.memory_space<hbm>> -> memref<10000x128xf32, #tpu.memory_space<hbm>>
    tpu.enqueue_indirect_dma source(%dma_start3A_8 : memref<10000x128xf32, #tpu.memory_space<hbm>>) target(%arg8 : memref<40x128xf32, #tpu.memory_space<vmem>>) offsets(%dma_start3A_5 : memref<40xi32, #tpu.memory_space<vmem>>) semaphore(%arg13 : memref<!tpu.dma_semaphore, #tpu.memory_space<semaphore_mem>>)
    %dma_start3A_9 = arith.constant 1 : i32
    %dma_start3A_10 = arith.constant 0 : i32
    %dma_start3A_11 = tpu.memref_slice %arg6[%dma_start3A_9, %dma_start3A_10] : memref<250x40xi32, #tpu.memory_space<vmem>> -> memref<1x40xi32, #tpu.memory_space<vmem>>
    %dma_start3A_12 = tpu.memref_squeeze %dma_start3A_11 : memref<1x40xi32, #tpu.memory_space<vmem>> -> memref<40xi32, #tpu.memory_space<vmem>>
    %dma_start3A_13 = arith.constant 0 : i32
    %dma_start3A_14 = arith.constant 0 : i32
    %dma_start3A_15 = tpu.memref_slice %arg2[%dma_start3A_13, %dma_start3A_14] : memref<10000x128xf32, #tpu.memory_space<hbm>> -> memref<10000x128xf32, #tpu.memory_space<hbm>>
    tpu.enqueue_indirect_dma source(%dma_start3A_15 : memref<10000x128xf32, #tpu.memory_space<hbm>>) target(%arg9 : memref<40x128xf32, #tpu.memory_space<vmem>>) offsets(%dma_start3A_12 : memref<40xi32, #tpu.memory_space<vmem>>) semaphore(%arg14 : memref<!tpu.dma_semaphore, #tpu.memory_space<semaphore_mem>>)
    %dma_start3A_16 = arith.constant 2 : i32
    %dma_start3A_17 = arith.constant 0 : i32
    %dma_start3A_18 = tpu.memref_slice %arg6[%dma_start3A_16, %dma_start3A_17] : memref<250x40xi32, #tpu.memory_space<vmem>> -> memref<1x40xi32, #tpu.memory_space<vmem>>
    %dma_start3A_19 = tpu.memref_squeeze %dma_start3A_18 : memref<1x40xi32, #tpu.memory_space<vmem>> -> memref<40xi32, #tpu.memory_space<vmem>>
    %dma_start3A_20 = arith.constant 0 : i32
    %dma_start3A_21 = arith.constant 0 : i32
    %dma_start3A_22 = tpu.memref_slice %arg2[%dma_start3A_20, %dma_start3A_21] : memref<10000x128xf32, #tpu.memory_space<hbm>> -> memref<10000x128xf32, #tpu.memory_space<hbm>>
    tpu.enqueue_indirect_dma source(%dma_start3A_22 : memref<10000x128xf32, #tpu.memory_space<hbm>>) target(%arg10 : memref<40x128xf32, #tpu.memory_space<vmem>>) offsets(%dma_start3A_19 : memref<40xi32, #tpu.memory_space<vmem>>) semaphore(%arg15 : memref<!tpu.dma_semaphore, #tpu.memory_space<semaphore_mem>>)
    %dma_start3A_23 = arith.constant 3 : i32
    %dma_start3A_24 = arith.constant 0 : i32
    %dma_start3A_25 = tpu.memref_slice %arg6[%dma_start3A_23, %dma_start3A_24] : memref<250x40xi32, #tpu.memory_space<vmem>> -> memref<1x40xi32, #tpu.memory_space<vmem>>
    %dma_start3A_26 = tpu.memref_squeeze %dma_start3A_25 : memref<1x40xi32, #tpu.memory_space<vmem>> -> memref<40xi32, #tpu.memory_space<vmem>>
    %dma_start3A_27 = arith.constant 0 : i32
    %dma_start3A_28 = arith.constant 0 : i32
    %dma_start3A_29 = tpu.memref_slice %arg2[%dma_start3A_27, %dma_start3A_28] : memref<10000x128xf32, #tpu.memory_space<hbm>> -> memref<10000x128xf32, #tpu.memory_space<hbm>>
    tpu.enqueue_indirect_dma source(%dma_start3A_29 : memref<10000x128xf32, #tpu.memory_space<hbm>>) target(%arg11 : memref<40x128xf32, #tpu.memory_space<vmem>>) offsets(%dma_start3A_26 : memref<40xi32, #tpu.memory_space<vmem>>) semaphore(%arg16 : memref<!tpu.dma_semaphore, #tpu.memory_space<semaphore_mem>>)
    %broadcast_in_dim3A = arith.constant 0.000000e+00 : f32
    %broadcast_in_dim3A_30 = vector.broadcast %broadcast_in_dim3A : f32 to vector<16xf32>
    %scan3A = arith.constant 0 : i32
    %scan3A_31 = arith.constant 0 : i32
    %scan3A_32 = arith.constant 40 : i32
    %scan3A_33 = arith.addi %scan3A_31, %scan3A_32 : i32
    %scan3A_34 = arith.constant 1 : i32
    scf.for %scan3A_57 = %scan3A_31 to %scan3A_33 step %scan3A_34  : i32 {
      %swap3A = arith.index_cast %scan3A_57 : i32 to index
      %swap3A_58 = arith.constant 0 : index
      %swap3A_59 = tpu.vector_load %arg12[%swap3A, %swap3A_58] {strides = array<i32>} : memref<40x128xf32, #tpu.memory_space<vmem>>, vector<1x16xf32>,
      %swap3A_60 = vector.shape_cast %swap3A_59 : vector<1x16xf32> to vector<16xf32>
      %swap3A_61 = vector.shape_cast %broadcast_in_dim3A_30 : vector<16xf32> to vector<1x16xf32>
      tpu.vector_store %arg12[%swap3A, %swap3A_58], %swap3A_61 {strides = array<i32>} : memref<40x128xf32, #tpu.memory_space<vmem>>, vector<1x16xf32>,
      %swap3A_62 = arith.index_cast %scan3A_57 : i32 to index
      %swap3A_63 = arith.constant 16 : index
      %swap3A_64 = tpu.vector_load %arg12[%swap3A_62, %swap3A_63] {strides = array<i32>} : memref<40x128xf32, #tpu.memory_space<vmem>>, vector<1x16xf32>,
      %swap3A_65 = vector.shape_cast %swap3A_64 : vector<1x16xf32> to vector<16xf32>
      %swap3A_66 = vector.shape_cast %broadcast_in_dim3A_30 : vector<16xf32> to vector<1x16xf32>
      tpu.vector_store %arg12[%swap3A_62, %swap3A_63], %swap3A_66 {strides = array<i32>} : memref<40x128xf32, #tpu.memory_space<vmem>>, vector<1x16xf32>,
      %swap3A_67 = arith.index_cast %scan3A_57 : i32 to index
      %swap3A_68 = arith.constant 32 : index
      %swap3A_69 = tpu.vector_load %arg12[%swap3A_67, %swap3A_68] {strides = array<i32>} : memref<40x128xf32, #tpu.memory_space<vmem>>, vector<1x16xf32>,
      %swap3A_70 = vector.shape_cast %swap3A_69 : vector<1x16xf32> to vector<16xf32>
      %swap3A_71 = vector.shape_cast %broadcast_in_dim3A_30 : vector<16xf32> to vector<1x16xf32>
      tpu.vector_store %arg12[%swap3A_67, %swap3A_68], %swap3A_71 {strides = array<i32>} : memref<40x128xf32, #tpu.memory_space<vmem>>, vector<1x16xf32>,
      %swap3A_72 = arith.index_cast %scan3A_57 : i32 to index
      %swap3A_73 = arith.constant 48 : index
      %swap3A_74 = tpu.vector_load %arg12[%swap3A_72, %swap3A_73] {strides = array<i32>} : memref<40x128xf32, #tpu.memory_space<vmem>>, vector<1x16xf32>,
      %swap3A_75 = vector.shape_cast %swap3A_74 : vector<1x16xf32> to vector<16xf32>
      %swap3A_76 = vector.shape_cast %broadcast_in_dim3A_30 : vector<16xf32> to vector<1x16xf32>
      tpu.vector_store %arg12[%swap3A_72, %swap3A_73], %swap3A_76 {strides = array<i32>} : memref<40x128xf32, #tpu.memory_space<vmem>>, vector<1x16xf32>,
      %swap3A_77 = arith.index_cast %scan3A_57 : i32 to index
      %swap3A_78 = arith.constant 64 : index
      %swap3A_79 = tpu.vector_load %arg12[%swap3A_77, %swap3A_78] {strides = array<i32>} : memref<40x128xf32, #tpu.memory_space<vmem>>, vector<1x16xf32>,
      %swap3A_80 = vector.shape_cast %swap3A_79 : vector<1x16xf32> to vector<16xf32>
      %swap3A_81 = vector.shape_cast %broadcast_in_dim3A_30 : vector<16xf32> to vector<1x16xf32>
      tpu.vector_store %arg12[%swap3A_77, %swap3A_78], %swap3A_81 {strides = array<i32>} : memref<40x128xf32, #tpu.memory_space<vmem>>, vector<1x16xf32>,
      %swap3A_82 = arith.index_cast %scan3A_57 : i32 to index
      %swap3A_83 = arith.constant 80 : index
      %swap3A_84 = tpu.vector_load %arg12[%swap3A_82, %swap3A_83] {strides = array<i32>} : memref<40x128xf32, #tpu.memory_space<vmem>>, vector<1x16xf32>,
      %swap3A_85 = vector.shape_cast %swap3A_84 : vector<1x16xf32> to vector<16xf32>
      %swap3A_86 = vector.shape_cast %broadcast_in_dim3A_30 : vector<16xf32> to vector<1x16xf32>
      tpu.vector_store %arg12[%swap3A_82, %swap3A_83], %swap3A_86 {strides = array<i32>} : memref<40x128xf32, #tpu.memory_space<vmem>>, vector<1x16xf32>,
      %swap3A_87 = arith.index_cast %scan3A_57 : i32 to index
      %swap3A_88 = arith.constant 96 : index
      %swap3A_89 = tpu.vector_load %arg12[%swap3A_87, %swap3A_88] {strides = array<i32>} : memref<40x128xf32, #tpu.memory_space<vmem>>, vector<1x16xf32>,
      %swap3A_90 = vector.shape_cast %swap3A_89 : vector<1x16xf32> to vector<16xf32>
      %swap3A_91 = vector.shape_cast %broadcast_in_dim3A_30 : vector<16xf32> to vector<1x16xf32>
      tpu.vector_store %arg12[%swap3A_87, %swap3A_88], %swap3A_91 {strides = array<i32>} : memref<40x128xf32, #tpu.memory_space<vmem>>, vector<1x16xf32>,
      %swap3A_92 = arith.index_cast %scan3A_57 : i32 to index
      %swap3A_93 = arith.constant 112 : index
      %swap3A_94 = tpu.vector_load %arg12[%swap3A_92, %swap3A_93] {strides = array<i32>} : memref<40x128xf32, #tpu.memory_space<vmem>>, vector<1x16xf32>,
      %swap3A_95 = vector.shape_cast %swap3A_94 : vector<1x16xf32> to vector<16xf32>
      %swap3A_96 = vector.shape_cast %broadcast_in_dim3A_30 : vector<16xf32> to vector<1x16xf32>
      tpu.vector_store %arg12[%swap3A_92, %swap3A_93], %swap3A_96 {strides = array<i32>} : memref<40x128xf32, #tpu.memory_space<vmem>>, vector<1x16xf32>,
    }
    %scan3A_35 = arith.constant 40 : i32
    %scan3A_36 = arith.constant 0 : i32
    %scan3A_37 = arith.constant 0 : i32
    %scan3A_38 = arith.constant 15 : i32
    %scan3A_39 = arith.addi %scan3A_37, %scan3A_38 : i32
    %scan3A_40 = arith.constant 1 : i32
    scf.for %scan3A_57 = %scan3A_37 to %scan3A_39 step %scan3A_40  : i32 {
      %mul3A_58 = arith.constant 40 : i32
      %mul3A_59 = arith.muli %scan3A_57, %mul3A_58 : i32
      %add3A_60 = arith.addi %mul3A_2, %mul3A_59 : i32
      "tpu.region"() ({
        %run_scoped3A = tpu.sem_alloc : memref<!tpu.dma_semaphore, #tpu.memory_space<semaphore_mem>>
        %dma_start3A_61 = arith.constant 0 : i32
        %dma_start3A_62 = tpu.memref_slice %arg23[%add3A_60, %dma_start3A_61] : memref<10000x128xf32, #tpu.memory_space<vmem_shared>> -> memref<40x128xf32, #tpu.memory_space<vmem_shared>>
        %dma_start3A_63 = arith.constant 0 : i32
        %dma_start3A_64 = tpu.memref_slice %arg23[%add3A_60, %dma_start3A_63] : memref<10000x128xf32, #tpu.memory_space<vmem_shared>> -> memref<40x128xf32, #tpu.memory_space<vmem_shared>>
        tpu.enqueue_dma source(%arg12 : memref<40x128xf32, #tpu.memory_space<vmem>>) target(%dma_start3A_64 : memref<40x128xf32, #tpu.memory_space<vmem_shared>>) target_semaphore(%run_scoped3A : memref<!tpu.dma_semaphore, #tpu.memory_space<semaphore_mem>>)
        %dma_wait3A_65 = arith.constant 0 : i32
        %dma_wait3A_66 = tpu.memref_slice %arg23[%add3A_60, %dma_wait3A_65] : memref<10000x128xf32, #tpu.memory_space<vmem_shared>> -> memref<40x128xf32, #tpu.memory_space<vmem_shared>>
        %dma_wait3A_67 = arith.constant 0 : i32
        %dma_wait3A_68 = tpu.memref_slice %arg23[%add3A_60, %dma_wait3A_67] : memref<10000x128xf32, #tpu.memory_space<vmem_shared>> -> memref<40x128xf32, #tpu.memory_space<vmem_shared>>
        tpu.wait_dma2 semaphore(%run_scoped3A : memref<!tpu.dma_semaphore, #tpu.memory_space<semaphore_mem>>) src(%arg12 : memref<40x128xf32, #tpu.memory_space<vmem>>) dst(%dma_wait3A_68 : memref<40x128xf32, #tpu.memory_space<vmem_shared>>)
        tpu.yield
      }) : () -> ()
    }
    %scan3A_41 = arith.constant 15 : i32
    %add3A_42 = arith.constant 600 : i32
    %add3A_43 = arith.addi %mul3A_2, %add3A_42 : i32
    "tpu.region"() ({
      %run_scoped3A = tpu.sem_alloc : memref<!tpu.dma_semaphore, #tpu.memory_space<semaphore_mem>>
      %dma_start3A_57 = arith.constant 0 : i32
      %dma_start3A_58 = arith.constant 0 : i32
      %dma_start3A_59 = tpu.memref_slice %arg12[%dma_start3A_57, %dma_start3A_58] : memref<40x128xf32, #tpu.memory_space<vmem>> -> memref<25x128xf32, #tpu.memory_space<vmem>>
      %dma_start3A_60 = arith.constant 0 : i32
      %dma_start3A_61 = tpu.memref_slice %arg23[%add3A_43, %dma_start3A_60] : memref<10000x128xf32, #tpu.memory_space<vmem_shared>> -> memref<25x128xf32, #tpu.memory_space<vmem_shared>>
      %dma_start3A_62 = arith.constant 0 : i32
      %dma_start3A_63 = tpu.memref_slice %arg23[%add3A_43, %dma_start3A_62] : memref<10000x128xf32, #tpu.memory_space<vmem_shared>> -> memref<25x128xf32, #tpu.memory_space<vmem_shared>>
      %dma_start3A_64 = arith.constant 0 : i32
      %dma_start3A_65 = arith.constant 0 : i32
      %dma_start3A_66 = tpu.memref_slice %arg12[%dma_start3A_64, %dma_start3A_65] : memref<40x128xf32, #tpu.memory_space<vmem>> -> memref<25x128xf32, #tpu.memory_space<vmem>>
      tpu.enqueue_dma source(%dma_start3A_66 : memref<25x128xf32, #tpu.memory_space<vmem>>) target(%dma_start3A_63 : memref<25x128xf32, #tpu.memory_space<vmem_shared>>) target_semaphore(%run_scoped3A : memref<!tpu.dma_semaphore, #tpu.memory_space<semaphore_mem>>)
      %dma_wait3A_67 = arith.constant 0 : i32
      %dma_wait3A_68 = arith.constant 0 : i32
      %dma_wait3A_69 = tpu.memref_slice %arg12[%dma_wait3A_67, %dma_wait3A_68] : memref<40x128xf32, #tpu.memory_space<vmem>> -> memref<25x128xf32, #tpu.memory_space<vmem>>
      %dma_wait3A_70 = arith.constant 0 : i32
      %dma_wait3A_71 = tpu.memref_slice %arg23[%add3A_43, %dma_wait3A_70] : memref<10000x128xf32, #tpu.memory_space<vmem_shared>> -> memref<25x128xf32, #tpu.memory_space<vmem_shared>>
      %dma_wait3A_72 = arith.constant 0 : i32
      %dma_wait3A_73 = tpu.memref_slice %arg23[%add3A_43, %dma_wait3A_72] : memref<10000x128xf32, #tpu.memory_space<vmem_shared>> -> memref<25x128xf32, #tpu.memory_space<vmem_shared>>
      %dma_wait3A_74 = arith.constant 0 : i32
      %dma_wait3A_75 = arith.constant 0 : i32
      %dma_wait3A_76 = tpu.memref_slice %arg12[%dma_wait3A_74, %dma_wait3A_75] : memref<40x128xf32, #tpu.memory_space<vmem>> -> memref<25x128xf32, #tpu.memory_space<vmem>>
      tpu.wait_dma2 semaphore(%run_scoped3A : memref<!tpu.dma_semaphore, #tpu.memory_space<semaphore_mem>>) src(%dma_wait3A_76 : memref<25x128xf32, #tpu.memory_space<vmem>>) dst(%dma_wait3A_73 : memref<25x128xf32, #tpu.memory_space<vmem_shared>>)
      tpu.yield
    }) : () -> ()
    %barrier3A = arith.constant 0 : index
    tpu.barrier barrier_id(%barrier3A)
    %scan3A_44 = arith.constant 0 : i32
    %scan3A_45 = arith.constant 0 : i32
    %scan3A_46 = arith.constant 50 : i32
    %scan3A_47 = arith.addi %scan3A_45, %scan3A_46 : i32
    %scan3A_48 = arith.constant 1 : i32
    scf.for %scan3A_57 = %scan3A_45 to %scan3A_47 step %scan3A_48  : i32 {
      %mul3A_58 = arith.constant 5 : i32
      %mul3A_59 = arith.muli %scan3A_57, %mul3A_58 : i32
      %add3A_60 = arith.constant 0 : i32
      %add3A_61 = arith.addi %mul3A_59, %add3A_60 : i32
      %dma_wait3A_62 = arith.constant 0 : i32
      %dma_wait3A_63 = tpu.memref_slice %arg6[%add3A_61, %dma_wait3A_62] : memref<250x40xi32, #tpu.memory_space<vmem>> -> memref<1x40xi32, #tpu.memory_space<vmem>>
      %dma_wait3A_64 = tpu.memref_squeeze %dma_wait3A_63 : memref<1x40xi32, #tpu.memory_space<vmem>> -> memref<40xi32, #tpu.memory_space<vmem>>
      %dma_wait3A_65 = arith.constant 0 : i32
      %dma_wait3A_66 = arith.constant 0 : i32
      %dma_wait3A_67 = tpu.memref_slice %arg2[%dma_wait3A_65, %dma_wait3A_66] : memref<10000x128xf32, #tpu.memory_space<hbm>> -> memref<10000x128xf32, #tpu.memory_space<hbm>>
      tpu.wait_indirect_dma semaphore(%arg13 : memref<!tpu.dma_semaphore, #tpu.memory_space<semaphore_mem>>) src(%dma_wait3A_67 : memref<10000x128xf32, #tpu.memory_space<hbm>>) dst(%arg8 : memref<40x128xf32, #tpu.memory_space<vmem>>)
      %dma_start3A_68 = arith.constant 0 : i32
      %dma_start3A_69 = tpu.memref_slice %arg7[%add3A_61, %dma_start3A_68] : memref<250x40xi32, #tpu.memory_space<vmem>> -> memref<1x40xi32, #tpu.memory_space<vmem>>
      %dma_start3A_70 = tpu.memref_squeeze %dma_start3A_69 : memref<1x40xi32, #tpu.memory_space<vmem>> -> memref<40xi32, #tpu.memory_space<vmem>>
      %dma_start3A_71 = arith.constant 0 : i32
      %dma_start3A_72 = arith.constant 0 : i32
      %dma_start3A_73 = tpu.memref_slice %arg23[%dma_start3A_71, %dma_start3A_72] : memref<10000x128xf32, #tpu.memory_space<vmem_shared>> -> memref<10000x128xf32, #tpu.memory_space<vmem_shared>>
      tpu.enqueue_indirect_dma source(%arg8 : memref<40x128xf32, #tpu.memory_space<vmem>>) target(%dma_start3A_73 : memref<10000x128xf32, #tpu.memory_space<vmem_shared>>) offsets(%dma_start3A_70 : memref<40xi32, #tpu.memory_space<vmem>>) semaphore(%arg18 : memref<!tpu.dma_semaphore, #tpu.memory_space<semaphore_mem>>) {add = true}
      %gt3A = arith.constant 0 : i32
      %gt3A_74 = arith.cmpi sgt, %scan3A_57, %gt3A : i32
      %convert_element_type3A = arith.extui %gt3A_74 : i1 to i32
      %cond3A = arith.constant 0 : i32
      %cond3A_75 = arith.cmpi ne, %convert_element_type3A, %cond3A : i32
      scf.if %cond3A_75 {
        %sub3A_207 = arith.constant 1 : i32
        %sub3A_208 = arith.subi %add3A_61, %sub3A_207 : i32
        %dma_wait3A_209 = arith.constant 0 : i32
        %dma_wait3A_210 = tpu.memref_slice %arg7[%sub3A_208, %dma_wait3A_209] : memref<250x40xi32, #tpu.memory_space<vmem>> -> memref<1x40xi32, #tpu.memory_space<vmem>>
        %dma_wait3A_211 = tpu.memref_squeeze %dma_wait3A_210 : memref<1x40xi32, #tpu.memory_space<vmem>> -> memref<40xi32, #tpu.memory_space<vmem>>
        %dma_wait3A_212 = arith.constant 0 : i32
        %dma_wait3A_213 = arith.constant 0 : i32
        %dma_wait3A_214 = tpu.memref_slice %arg23[%dma_wait3A_212, %dma_wait3A_213] : memref<10000x128xf32, #tpu.memory_space<vmem_shared>> -> memref<10000x128xf32, #tpu.memory_space<vmem_shared>>
        tpu.wait_indirect_dma semaphore(%arg22 : memref<!tpu.dma_semaphore, #tpu.memory_space<semaphore_mem>>) src(%arg12 : memref<40x128xf32, #tpu.memory_space<vmem>>) dst(%dma_wait3A_214 : memref<10000x128xf32, #tpu.memory_space<vmem_shared>>)
      } else {
      }
      %add3A_76 = arith.constant 5 : i32
      %add3A_77 = arith.addi %add3A_61, %add3A_76 : i32
      %sub3A = arith.constant 1 : i32
      %sub3A_78 = arith.subi %add3A_77, %sub3A : i32
      %lt3A = arith.constant 250 : i32
      %lt3A_79 = arith.cmpi slt, %sub3A_78, %lt3A : i32
      %convert_element_type3A_80 = arith.extui %lt3A_79 : i1 to i32
      %cond3A_81 = arith.constant 0 : i32
      %cond3A_82 = arith.cmpi ne, %convert_element_type3A_80, %cond3A_81 : i32
      scf.if %cond3A_82 {
        %add3A_207 = arith.constant 5 : i32
        %add3A_208 = arith.addi %add3A_61, %add3A_207 : i32
        %sub3A_209 = arith.constant 1 : i32
        %sub3A_210 = arith.subi %add3A_208, %sub3A_209 : i32
        %dma_start3A_211 = arith.constant 0 : i32
        %dma_start3A_212 = tpu.memref_slice %arg6[%sub3A_210, %dma_start3A_211] : memref<250x40xi32, #tpu.memory_space<vmem>> -> memref<1x40xi32, #tpu.memory_space<vmem>>
        %dma_start3A_213 = tpu.memref_squeeze %dma_start3A_212 : memref<1x40xi32, #tpu.memory_space<vmem>> -> memref<40xi32, #tpu.memory_space<vmem>>
        %dma_start3A_214 = arith.constant 0 : i32
        %dma_start3A_215 = arith.constant 0 : i32
        %dma_start3A_216 = tpu.memref_slice %arg2[%dma_start3A_214, %dma_start3A_215] : memref<10000x128xf32, #tpu.memory_space<hbm>> -> memref<10000x128xf32, #tpu.memory_space<hbm>>
        tpu.enqueue_indirect_dma source(%dma_start3A_216 : memref<10000x128xf32, #tpu.memory_space<hbm>>) target(%arg12 : memref<40x128xf32, #tpu.memory_space<vmem>>) offsets(%dma_start3A_213 : memref<40xi32, #tpu.memory_space<vmem>>) semaphore(%arg17 : memref<!tpu.dma_semaphore, #tpu.memory_space<semaphore_mem>>)
      } else {
      }
      %add3A_83 = arith.constant 1 : i32
      %add3A_84 = arith.addi %mul3A_59, %add3A_83 : i32
      %dma_wait3A_85 = arith.constant 0 : i32
      %dma_wait3A_86 = tpu.memref_slice %arg6[%add3A_84, %dma_wait3A_85] : memref<250x40xi32, #tpu.memory_space<vmem>> -> memref<1x40xi32, #tpu.memory_space<vmem>>
      %dma_wait3A_87 = tpu.memref_squeeze %dma_wait3A_86 : memref<1x40xi32, #tpu.memory_space<vmem>> -> memref<40xi32, #tpu.memory_space<vmem>>
      %dma_wait3A_88 = arith.constant 0 : i32
      %dma_wait3A_89 = arith.constant 0 : i32
      %dma_wait3A_90 = tpu.memref_slice %arg2[%dma_wait3A_88, %dma_wait3A_89] : memref<10000x128xf32, #tpu.memory_space<hbm>> -> memref<10000x128xf32, #tpu.memory_space<hbm>>
      tpu.wait_indirect_dma semaphore(%arg14 : memref<!tpu.dma_semaphore, #tpu.memory_space<semaphore_mem>>) src(%dma_wait3A_90 : memref<10000x128xf32, #tpu.memory_space<hbm>>) dst(%arg9 : memref<40x128xf32, #tpu.memory_space<vmem>>)
      %dma_start3A_91 = arith.constant 0 : i32
      %dma_start3A_92 = tpu.memref_slice %arg7[%add3A_84, %dma_start3A_91] : memref<250x40xi32, #tpu.memory_space<vmem>> -> memref<1x40xi32, #tpu.memory_space<vmem>>
      %dma_start3A_93 = tpu.memref_squeeze %dma_start3A_92 : memref<1x40xi32, #tpu.memory_space<vmem>> -> memref<40xi32, #tpu.memory_space<vmem>>
      %dma_start3A_94 = arith.constant 0 : i32
      %dma_start3A_95 = arith.constant 0 : i32
      %dma_start3A_96 = tpu.memref_slice %arg23[%dma_start3A_94, %dma_start3A_95] : memref<10000x128xf32, #tpu.memory_space<vmem_shared>> -> memref<10000x128xf32, #tpu.memory_space<vmem_shared>>
      tpu.enqueue_indirect_dma source(%arg9 : memref<40x128xf32, #tpu.memory_space<vmem>>) target(%dma_start3A_96 : memref<10000x128xf32, #tpu.memory_space<vmem_shared>>) offsets(%dma_start3A_93 : memref<40xi32, #tpu.memory_space<vmem>>) semaphore(%arg19 : memref<!tpu.dma_semaphore, #tpu.memory_space<semaphore_mem>>) {add = true}
      %sub3A_97 = arith.constant 1 : i32
      %sub3A_98 = arith.subi %add3A_84, %sub3A_97 : i32
      %dma_wait3A_99 = arith.constant 0 : i32
      %dma_wait3A_100 = tpu.memref_slice %arg7[%sub3A_98, %dma_wait3A_99] : memref<250x40xi32, #tpu.memory_space<vmem>> -> memref<1x40xi32, #tpu.memory_space<vmem>>
      %dma_wait3A_101 = tpu.memref_squeeze %dma_wait3A_100 : memref<1x40xi32, #tpu.memory_space<vmem>> -> memref<40xi32, #tpu.memory_space<vmem>>
      %dma_wait3A_102 = arith.constant 0 : i32
      %dma_wait3A_103 = arith.constant 0 : i32
      %dma_wait3A_104 = tpu.memref_slice %arg23[%dma_wait3A_102, %dma_wait3A_103] : memref<10000x128xf32, #tpu.memory_space<vmem_shared>> -> memref<10000x128xf32, #tpu.memory_space<vmem_shared>>
      tpu.wait_indirect_dma semaphore(%arg18 : memref<!tpu.dma_semaphore, #tpu.memory_space<semaphore_mem>>) src(%arg8 : memref<40x128xf32, #tpu.memory_space<vmem>>) dst(%dma_wait3A_104 : memref<10000x128xf32, #tpu.memory_space<vmem_shared>>)
      %add3A_105 = arith.constant 5 : i32
      %add3A_106 = arith.addi %add3A_84, %add3A_105 : i32
      %sub3A_107 = arith.constant 1 : i32
      %sub3A_108 = arith.subi %add3A_106, %sub3A_107 : i32
      %lt3A_109 = arith.constant 250 : i32
      %lt3A_110 = arith.cmpi slt, %sub3A_108, %lt3A_109 : i32
      %convert_element_type3A_111 = arith.extui %lt3A_110 : i1 to i32
      %cond3A_112 = arith.constant 0 : i32
      %cond3A_113 = arith.cmpi ne, %convert_element_type3A_111, %cond3A_112 : i32
      scf.if %cond3A_113 {
        %add3A_207 = arith.constant 5 : i32
        %add3A_208 = arith.addi %add3A_84, %add3A_207 : i32
        %sub3A_209 = arith.constant 1 : i32
        %sub3A_210 = arith.subi %add3A_208, %sub3A_209 : i32
        %dma_start3A_211 = arith.constant 0 : i32
        %dma_start3A_212 = tpu.memref_slice %arg6[%sub3A_210, %dma_start3A_211] : memref<250x40xi32, #tpu.memory_space<vmem>> -> memref<1x40xi32, #tpu.memory_space<vmem>>
        %dma_start3A_213 = tpu.memref_squeeze %dma_start3A_212 : memref<1x40xi32, #tpu.memory_space<vmem>> -> memref<40xi32, #tpu.memory_space<vmem>>
        %dma_start3A_214 = arith.constant 0 : i32
        %dma_start3A_215 = arith.constant 0 : i32
        %dma_start3A_216 = tpu.memref_slice %arg2[%dma_start3A_214, %dma_start3A_215] : memref<10000x128xf32, #tpu.memory_space<hbm>> -> memref<10000x128xf32, #tpu.memory_space<hbm>>
        tpu.enqueue_indirect_dma source(%dma_start3A_216 : memref<10000x128xf32, #tpu.memory_space<hbm>>) target(%arg8 : memref<40x128xf32, #tpu.memory_space<vmem>>) offsets(%dma_start3A_213 : memref<40xi32, #tpu.memory_space<vmem>>) semaphore(%arg13 : memref<!tpu.dma_semaphore, #tpu.memory_space<semaphore_mem>>)
      } else {
      }
      %add3A_114 = arith.constant 2 : i32
      %add3A_115 = arith.addi %mul3A_59, %add3A_114 : i32
      %dma_wait3A_116 = arith.constant 0 : i32
      %dma_wait3A_117 = tpu.memref_slice %arg6[%add3A_115, %dma_wait3A_116] : memref<250x40xi32, #tpu.memory_space<vmem>> -> memref<1x40xi32, #tpu.memory_space<vmem>>
      %dma_wait3A_118 = tpu.memref_squeeze %dma_wait3A_117 : memref<1x40xi32, #tpu.memory_space<vmem>> -> memref<40xi32, #tpu.memory_space<vmem>>
      %dma_wait3A_119 = arith.constant 0 : i32
      %dma_wait3A_120 = arith.constant 0 : i32
      %dma_wait3A_121 = tpu.memref_slice %arg2[%dma_wait3A_119, %dma_wait3A_120] : memref<10000x128xf32, #tpu.memory_space<hbm>> -> memref<10000x128xf32, #tpu.memory_space<hbm>>
      tpu.wait_indirect_dma semaphore(%arg15 : memref<!tpu.dma_semaphore, #tpu.memory_space<semaphore_mem>>) src(%dma_wait3A_121 : memref<10000x128xf32, #tpu.memory_space<hbm>>) dst(%arg10 : memref<40x128xf32, #tpu.memory_space<vmem>>)
      %dma_start3A_122 = arith.constant 0 : i32
      %dma_start3A_123 = tpu.memref_slice %arg7[%add3A_115, %dma_start3A_122] : memref<250x40xi32, #tpu.memory_space<vmem>> -> memref<1x40xi32, #tpu.memory_space<vmem>>
      %dma_start3A_124 = tpu.memref_squeeze %dma_start3A_123 : memref<1x40xi32, #tpu.memory_space<vmem>> -> memref<40xi32, #tpu.memory_space<vmem>>
      %dma_start3A_125 = arith.constant 0 : i32
      %dma_start3A_126 = arith.constant 0 : i32
      %dma_start3A_127 = tpu.memref_slice %arg23[%dma_start3A_125, %dma_start3A_126] : memref<10000x128xf32, #tpu.memory_space<vmem_shared>> -> memref<10000x128xf32, #tpu.memory_space<vmem_shared>>
      tpu.enqueue_indirect_dma source(%arg10 : memref<40x128xf32, #tpu.memory_space<vmem>>) target(%dma_start3A_127 : memref<10000x128xf32, #tpu.memory_space<vmem_shared>>) offsets(%dma_start3A_124 : memref<40xi32, #tpu.memory_space<vmem>>) semaphore(%arg20 : memref<!tpu.dma_semaphore, #tpu.memory_space<semaphore_mem>>) {add = true}
      %sub3A_128 = arith.constant 1 : i32
      %sub3A_129 = arith.subi %add3A_115, %sub3A_128 : i32
      %dma_wait3A_130 = arith.constant 0 : i32
      %dma_wait3A_131 = tpu.memref_slice %arg7[%sub3A_129, %dma_wait3A_130] : memref<250x40xi32, #tpu.memory_space<vmem>> -> memref<1x40xi32, #tpu.memory_space<vmem>>
      %dma_wait3A_132 = tpu.memref_squeeze %dma_wait3A_131 : memref<1x40xi32, #tpu.memory_space<vmem>> -> memref<40xi32, #tpu.memory_space<vmem>>
      %dma_wait3A_133 = arith.constant 0 : i32
      %dma_wait3A_134 = arith.constant 0 : i32
      %dma_wait3A_135 = tpu.memref_slice %arg23[%dma_wait3A_133, %dma_wait3A_134] : memref<10000x128xf32, #tpu.memory_space<vmem_shared>> -> memref<10000x128xf32, #tpu.memory_space<vmem_shared>>
      tpu.wait_indirect_dma semaphore(%arg19 : memref<!tpu.dma_semaphore, #tpu.memory_space<semaphore_mem>>) src(%arg9 : memref<40x128xf32, #tpu.memory_space<vmem>>) dst(%dma_wait3A_135 : memref<10000x128xf32, #tpu.memory_space<vmem_shared>>)
      %add3A_136 = arith.constant 5 : i32
      %add3A_137 = arith.addi %add3A_115, %add3A_136 : i32
      %sub3A_138 = arith.constant 1 : i32
      %sub3A_139 = arith.subi %add3A_137, %sub3A_138 : i32
      %lt3A_140 = arith.constant 250 : i32
      %lt3A_141 = arith.cmpi slt, %sub3A_139, %lt3A_140 : i32
      %convert_element_type3A_142 = arith.extui %lt3A_141 : i1 to i32
      %cond3A_143 = arith.constant 0 : i32
      %cond3A_144 = arith.cmpi ne, %convert_element_type3A_142, %cond3A_143 : i32
      scf.if %cond3A_144 {
        %add3A_207 = arith.constant 5 : i32
        %add3A_208 = arith.addi %add3A_115, %add3A_207 : i32
        %sub3A_209 = arith.constant 1 : i32
        %sub3A_210 = arith.subi %add3A_208, %sub3A_209 : i32
        %dma_start3A_211 = arith.constant 0 : i32
        %dma_start3A_212 = tpu.memref_slice %arg6[%sub3A_210, %dma_start3A_211] : memref<250x40xi32, #tpu.memory_space<vmem>> -> memref<1x40xi32, #tpu.memory_space<vmem>>
        %dma_start3A_213 = tpu.memref_squeeze %dma_start3A_212 : memref<1x40xi32, #tpu.memory_space<vmem>> -> memref<40xi32, #tpu.memory_space<vmem>>
        %dma_start3A_214 = arith.constant 0 : i32
        %dma_start3A_215 = arith.constant 0 : i32
        %dma_start3A_216 = tpu.memref_slice %arg2[%dma_start3A_214, %dma_start3A_215] : memref<10000x128xf32, #tpu.memory_space<hbm>> -> memref<10000x128xf32, #tpu.memory_space<hbm>>
        tpu.enqueue_indirect_dma source(%dma_start3A_216 : memref<10000x128xf32, #tpu.memory_space<hbm>>) target(%arg9 : memref<40x128xf32, #tpu.memory_space<vmem>>) offsets(%dma_start3A_213 : memref<40xi32, #tpu.memory_space<vmem>>) semaphore(%arg14 : memref<!tpu.dma_semaphore, #tpu.memory_space<semaphore_mem>>)
      } else {
      }
      %add3A_145 = arith.constant 3 : i32
      %add3A_146 = arith.addi %mul3A_59, %add3A_145 : i32
      %dma_wait3A_147 = arith.constant 0 : i32
      %dma_wait3A_148 = tpu.memref_slice %arg6[%add3A_146, %dma_wait3A_147] : memref<250x40xi32, #tpu.memory_space<vmem>> -> memref<1x40xi32, #tpu.memory_space<vmem>>
      %dma_wait3A_149 = tpu.memref_squeeze %dma_wait3A_148 : memref<1x40xi32, #tpu.memory_space<vmem>> -> memref<40xi32, #tpu.memory_space<vmem>>
      %dma_wait3A_150 = arith.constant 0 : i32
      %dma_wait3A_151 = arith.constant 0 : i32
      %dma_wait3A_152 = tpu.memref_slice %arg2[%dma_wait3A_150, %dma_wait3A_151] : memref<10000x128xf32, #tpu.memory_space<hbm>> -> memref<10000x128xf32, #tpu.memory_space<hbm>>
      tpu.wait_indirect_dma semaphore(%arg16 : memref<!tpu.dma_semaphore, #tpu.memory_space<semaphore_mem>>) src(%dma_wait3A_152 : memref<10000x128xf32, #tpu.memory_space<hbm>>) dst(%arg11 : memref<40x128xf32, #tpu.memory_space<vmem>>)
      %dma_start3A_153 = arith.constant 0 : i32
      %dma_start3A_154 = tpu.memref_slice %arg7[%add3A_146, %dma_start3A_153] : memref<250x40xi32, #tpu.memory_space<vmem>> -> memref<1x40xi32, #tpu.memory_space<vmem>>
      %dma_start3A_155 = tpu.memref_squeeze %dma_start3A_154 : memref<1x40xi32, #tpu.memory_space<vmem>> -> memref<40xi32, #tpu.memory_space<vmem>>
      %dma_start3A_156 = arith.constant 0 : i32
      %dma_start3A_157 = arith.constant 0 : i32
      %dma_start3A_158 = tpu.memref_slice %arg23[%dma_start3A_156, %dma_start3A_157] : memref<10000x128xf32, #tpu.memory_space<vmem_shared>> -> memref<10000x128xf32, #tpu.memory_space<vmem_shared>>
      tpu.enqueue_indirect_dma source(%arg11 : memref<40x128xf32, #tpu.memory_space<vmem>>) target(%dma_start3A_158 : memref<10000x128xf32, #tpu.memory_space<vmem_shared>>) offsets(%dma_start3A_155 : memref<40xi32, #tpu.memory_space<vmem>>) semaphore(%arg21 : memref<!tpu.dma_semaphore, #tpu.memory_space<semaphore_mem>>) {add = true}
      %sub3A_159 = arith.constant 1 : i32
      %sub3A_160 = arith.subi %add3A_146, %sub3A_159 : i32
      %dma_wait3A_161 = arith.constant 0 : i32
      %dma_wait3A_162 = tpu.memref_slice %arg7[%sub3A_160, %dma_wait3A_161] : memref<250x40xi32, #tpu.memory_space<vmem>> -> memref<1x40xi32, #tpu.memory_space<vmem>>
      %dma_wait3A_163 = tpu.memref_squeeze %dma_wait3A_162 : memref<1x40xi32, #tpu.memory_space<vmem>> -> memref<40xi32, #tpu.memory_space<vmem>>
      %dma_wait3A_164 = arith.constant 0 : i32
      %dma_wait3A_165 = arith.constant 0 : i32
      %dma_wait3A_166 = tpu.memref_slice %arg23[%dma_wait3A_164, %dma_wait3A_165] : memref<10000x128xf32, #tpu.memory_space<vmem_shared>> -> memref<10000x128xf32, #tpu.memory_space<vmem_shared>>
      tpu.wait_indirect_dma semaphore(%arg20 : memref<!tpu.dma_semaphore, #tpu.memory_space<semaphore_mem>>) src(%arg10 : memref<40x128xf32, #tpu.memory_space<vmem>>) dst(%dma_wait3A_166 : memref<10000x128xf32, #tpu.memory_space<vmem_shared>>)
      %add3A_167 = arith.constant 5 : i32
      %add3A_168 = arith.addi %add3A_146, %add3A_167 : i32
      %sub3A_169 = arith.constant 1 : i32
      %sub3A_170 = arith.subi %add3A_168, %sub3A_169 : i32
      %lt3A_171 = arith.constant 250 : i32
      %lt3A_172 = arith.cmpi slt, %sub3A_170, %lt3A_171 : i32
      %convert_element_type3A_173 = arith.extui %lt3A_172 : i1 to i32
      %cond3A_174 = arith.constant 0 : i32
      %cond3A_175 = arith.cmpi ne, %convert_element_type3A_173, %cond3A_174 : i32
      scf.if %cond3A_175 {
        %add3A_207 = arith.constant 5 : i32
        %add3A_208 = arith.addi %add3A_146, %add3A_207 : i32
        %sub3A_209 = arith.constant 1 : i32
        %sub3A_210 = arith.subi %add3A_208, %sub3A_209 : i32
        %dma_start3A_211 = arith.constant 0 : i32
        %dma_start3A_212 = tpu.memref_slice %arg6[%sub3A_210, %dma_start3A_211] : memref<250x40xi32, #tpu.memory_space<vmem>> -> memref<1x40xi32, #tpu.memory_space<vmem>>
        %dma_start3A_213 = tpu.memref_squeeze %dma_start3A_212 : memref<1x40xi32, #tpu.memory_space<vmem>> -> memref<40xi32, #tpu.memory_space<vmem>>
        %dma_start3A_214 = arith.constant 0 : i32
        %dma_start3A_215 = arith.constant 0 : i32
        %dma_start3A_216 = tpu.memref_slice %arg2[%dma_start3A_214, %dma_start3A_215] : memref<10000x128xf32, #tpu.memory_space<hbm>> -> memref<10000x128xf32, #tpu.memory_space<hbm>>
        tpu.enqueue_indirect_dma source(%dma_start3A_216 : memref<10000x128xf32, #tpu.memory_space<hbm>>) target(%arg10 : memref<40x128xf32, #tpu.memory_space<vmem>>) offsets(%dma_start3A_213 : memref<40xi32, #tpu.memory_space<vmem>>) semaphore(%arg15 : memref<!tpu.dma_semaphore, #tpu.memory_space<semaphore_mem>>)
      } else {
      }
      %add3A_176 = arith.constant 4 : i32
      %add3A_177 = arith.addi %mul3A_59, %add3A_176 : i32
      %dma_wait3A_178 = arith.constant 0 : i32
      %dma_wait3A_179 = tpu.memref_slice %arg6[%add3A_177, %dma_wait3A_178] : memref<250x40xi32, #tpu.memory_space<vmem>> -> memref<1x40xi32, #tpu.memory_space<vmem>>
      %dma_wait3A_180 = tpu.memref_squeeze %dma_wait3A_179 : memref<1x40xi32, #tpu.memory_space<vmem>> -> memref<40xi32, #tpu.memory_space<vmem>>
      %dma_wait3A_181 = arith.constant 0 : i32
      %dma_wait3A_182 = arith.constant 0 : i32
      %dma_wait3A_183 = tpu.memref_slice %arg2[%dma_wait3A_181, %dma_wait3A_182] : memref<10000x128xf32, #tpu.memory_space<hbm>> -> memref<10000x128xf32, #tpu.memory_space<hbm>>
      tpu.wait_indirect_dma semaphore(%arg17 : memref<!tpu.dma_semaphore, #tpu.memory_space<semaphore_mem>>) src(%dma_wait3A_183 : memref<10000x128xf32, #tpu.memory_space<hbm>>) dst(%arg12 : memref<40x128xf32, #tpu.memory_space<vmem>>)
      %dma_start3A_184 = arith.constant 0 : i32
      %dma_start3A_185 = tpu.memref_slice %arg7[%add3A_177, %dma_start3A_184] : memref<250x40xi32, #tpu.memory_space<vmem>> -> memref<1x40xi32, #tpu.memory_space<vmem>>
      %dma_start3A_186 = tpu.memref_squeeze %dma_start3A_185 : memref<1x40xi32, #tpu.memory_space<vmem>> -> memref<40xi32, #tpu.memory_space<vmem>>
      %dma_start3A_187 = arith.constant 0 : i32
      %dma_start3A_188 = arith.constant 0 : i32
      %dma_start3A_189 = tpu.memref_slice %arg23[%dma_start3A_187, %dma_start3A_188] : memref<10000x128xf32, #tpu.memory_space<vmem_shared>> -> memref<10000x128xf32, #tpu.memory_space<vmem_shared>>
      tpu.enqueue_indirect_dma source(%arg12 : memref<40x128xf32, #tpu.memory_space<vmem>>) target(%dma_start3A_189 : memref<10000x128xf32, #tpu.memory_space<vmem_shared>>) offsets(%dma_start3A_186 : memref<40xi32, #tpu.memory_space<vmem>>) semaphore(%arg22 : memref<!tpu.dma_semaphore, #tpu.memory_space<semaphore_mem>>) {add = true}
      %sub3A_190 = arith.constant 1 : i32
      %sub3A_191 = arith.subi %add3A_177, %sub3A_190 : i32
      %dma_wait3A_192 = arith.constant 0 : i32
      %dma_wait3A_193 = tpu.memref_slice %arg7[%sub3A_191, %dma_wait3A_192] : memref<250x40xi32, #tpu.memory_space<vmem>> -> memref<1x40xi32, #tpu.memory_space<vmem>>
      %dma_wait3A_194 = tpu.memref_squeeze %dma_wait3A_193 : memref<1x40xi32, #tpu.memory_space<vmem>> -> memref<40xi32, #tpu.memory_space<vmem>>
      %dma_wait3A_195 = arith.constant 0 : i32
      %dma_wait3A_196 = arith.constant 0 : i32
      %dma_wait3A_197 = tpu.memref_slice %arg23[%dma_wait3A_195, %dma_wait3A_196] : memref<10000x128xf32, #tpu.memory_space<vmem_shared>> -> memref<10000x128xf32, #tpu.memory_space<vmem_shared>>
      tpu.wait_indirect_dma semaphore(%arg21 : memref<!tpu.dma_semaphore, #tpu.memory_space<semaphore_mem>>) src(%arg11 : memref<40x128xf32, #tpu.memory_space<vmem>>) dst(%dma_wait3A_197 : memref<10000x128xf32, #tpu.memory_space<vmem_shared>>)
      %add3A_198 = arith.constant 5 : i32
      %add3A_199 = arith.addi %add3A_177, %add3A_198 : i32
      %sub3A_200 = arith.constant 1 : i32
      %sub3A_201 = arith.subi %add3A_199, %sub3A_200 : i32
      %lt3A_202 = arith.constant 250 : i32
      %lt3A_203 = arith.cmpi slt, %sub3A_201, %lt3A_202 : i32
      %convert_element_type3A_204 = arith.extui %lt3A_203 : i1 to i32
      %cond3A_205 = arith.constant 0 : i32
      %cond3A_206 = arith.cmpi ne, %convert_element_type3A_204, %cond3A_205 : i32
      scf.if %cond3A_206 {
        %add3A_207 = arith.constant 5 : i32
        %add3A_208 = arith.addi %add3A_177, %add3A_207 : i32
        %sub3A_209 = arith.constant 1 : i32
        %sub3A_210 = arith.subi %add3A_208, %sub3A_209 : i32
        %dma_start3A_211 = arith.constant 0 : i32
        %dma_start3A_212 = tpu.memref_slice %arg6[%sub3A_210, %dma_start3A_211] : memref<250x40xi32, #tpu.memory_space<vmem>> -> memref<1x40xi32, #tpu.memory_space<vmem>>
        %dma_start3A_213 = tpu.memref_squeeze %dma_start3A_212 : memref<1x40xi32, #tpu.memory_space<vmem>> -> memref<40xi32, #tpu.memory_space<vmem>>
        %dma_start3A_214 = arith.constant 0 : i32
        %dma_start3A_215 = arith.constant 0 : i32
        %dma_start3A_216 = tpu.memref_slice %arg2[%dma_start3A_214, %dma_start3A_215] : memref<10000x128xf32, #tpu.memory_space<hbm>> -> memref<10000x128xf32, #tpu.memory_space<hbm>>
        tpu.enqueue_indirect_dma source(%dma_start3A_216 : memref<10000x128xf32, #tpu.memory_space<hbm>>) target(%arg11 : memref<40x128xf32, #tpu.memory_space<vmem>>) offsets(%dma_start3A_213 : memref<40xi32, #tpu.memory_space<vmem>>) semaphore(%arg16 : memref<!tpu.dma_semaphore, #tpu.memory_space<semaphore_mem>>)
      } else {
      }
    }
    %scan3A_49 = arith.constant 50 : i32
    %dma_wait3A = arith.constant 249 : i32
    %dma_wait3A_50 = arith.constant 0 : i32
    %dma_wait3A_51 = tpu.memref_slice %arg7[%dma_wait3A, %dma_wait3A_50] : memref<250x40xi32, #tpu.memory_space<vmem>> -> memref<1x40xi32, #tpu.memory_space<vmem>>
    %dma_wait3A_52 = tpu.memref_squeeze %dma_wait3A_51 : memref<1x40xi32, #tpu.memory_space<vmem>> -> memref<40xi32, #tpu.memory_space<vmem>>
    %dma_wait3A_53 = arith.constant 0 : i32
    %dma_wait3A_54 = arith.constant 0 : i32
    %dma_wait3A_55 = tpu.memref_slice %arg23[%dma_wait3A_53, %dma_wait3A_54] : memref<10000x128xf32, #tpu.memory_space<vmem_shared>> -> memref<10000x128xf32, #tpu.memory_space<vmem_shared>>
    tpu.wait_indirect_dma semaphore(%arg22 : memref<!tpu.dma_semaphore, #tpu.memory_space<semaphore_mem>>) src(%arg12 : memref<40x128xf32, #tpu.memory_space<vmem>>) dst(%dma_wait3A_55 : memref<10000x128xf32, #tpu.memory_space<vmem_shared>>)
    %barrier3A_56 = arith.constant 0 : index
    tpu.barrier barrier_id(%barrier3A_56)
    "tpu.region"() ({
      %run_scoped3A = tpu.sem_alloc : memref<!tpu.dma_semaphore, #tpu.memory_space<semaphore_mem>>
      %dma_start3A_57 = arith.constant 0 : i32
      %dma_start3A_58 = tpu.memref_slice %arg5[%arg0, %mul3A_2, %dma_start3A_57] : memref<2x10000x128xf32, #tpu.memory_space<hbm>> -> memref<1x625x128xf32, #tpu.memory_space<hbm>>
      %dma_start3A_59 = tpu.memref_squeeze %dma_start3A_58 : memref<1x625x128xf32, #tpu.memory_space<hbm>> -> memref<625x128xf32, #tpu.memory_space<hbm>>
      %dma_start3A_60 = arith.constant 0 : i32
      %dma_start3A_61 = tpu.memref_slice %arg23[%mul3A_2, %dma_start3A_60] : memref<10000x128xf32, #tpu.memory_space<vmem_shared>> -> memref<625x128xf32, #tpu.memory_space<vmem_shared>>
      tpu.enqueue_dma source(%dma_start3A_61 : memref<625x128xf32, #tpu.memory_space<vmem_shared>>) target(%dma_start3A_59 : memref<625x128xf32, #tpu.memory_space<hbm>>) target_semaphore(%run_scoped3A : memref<!tpu.dma_semaphore, #tpu.memory_space<semaphore_mem>>)
      %dma_wait3A_62 = arith.constant 0 : i32
      %dma_wait3A_63 = tpu.memref_slice %arg5[%arg0, %mul3A_2, %dma_wait3A_62] : memref<2x10000x128xf32, #tpu.memory_space<hbm>> -> memref<1x625x128xf32, #tpu.memory_space<hbm>>
      %dma_wait3A_64 = tpu.memref_squeeze %dma_wait3A_63 : memref<1x625x128xf32, #tpu.memory_space<hbm>> -> memref<625x128xf32, #tpu.memory_space<hbm>>
      %dma_wait3A_65 = arith.constant 0 : i32
      %dma_wait3A_66 = tpu.memref_slice %arg23[%mul3A_2, %dma_wait3A_65] : memref<10000x128xf32, #tpu.memory_space<vmem_shared>> -> memref<625x128xf32, #tpu.memory_space<vmem_shared>>
      tpu.wait_dma2 semaphore(%run_scoped3A : memref<!tpu.dma_semaphore, #tpu.memory_space<semaphore_mem>>) src(%dma_wait3A_66 : memref<625x128xf32, #tpu.memory_space<vmem_shared>>) dst(%dma_wait3A_64 : memref<625x128xf32, #tpu.memory_space<hbm>>)
      tpu.yield
    }) : () -> ()
    return
  }
}

module attributes {stable_mosaic.version = 14 : i64} {
  func.func @_dense_body(%arg0: i32, %arg1: memref<2x2000x128xf32, #tpu.memory_space<vmem>>, %arg2: memref<2x2000x8xf32, #tpu.memory_space<vmem>>, %arg3: memref<2000x128xf32, #tpu.memory_space<vmem>>, %arg4: memref<128x128xf32, #tpu.memory_space<vmem>>, %arg5: memref<128xf32, #tpu.memory_space<vmem>>, %arg6: memref<128x128xf32, #tpu.memory_space<vmem>>, %arg7: memref<2000x128xf32, #tpu.memory_space<vmem>>) attributes {dimension_semantics = [#tpu.dimension_semantics<arbitrary>], iteration_bounds = array<i64: 5>, scalar_prefetch = 0 : i64, scratch_operands = 0 : i64, tpu.core_type = #tpu.core_type<tc>, window_params = [{transform_indices = @transform_0, window_bounds = array<i64: 2, 2000, 128>}, {transform_indices = @transform_1, window_bounds = array<i64: 2, 2000, 8>}, {transform_indices = @transform_2, window_bounds = array<i64: 2000, 128>}, {pipeline_mode = #tpu.pipeline_mode<synchronous>, transform_indices = @transform_3, window_bounds = array<i64: 128, 128>}, {pipeline_mode = #tpu.pipeline_mode<synchronous>, transform_indices = @transform_4, window_bounds = array<i64: 128>}, {pipeline_mode = #tpu.pipeline_mode<synchronous>, transform_indices = @transform_5, window_bounds = array<i64: 128, 128>}, {transform_indices = @transform_6, window_bounds = array<i64: 2000, 128>}]} {
    %get3A = arith.constant 0 : index
    %get3A_0 = arith.constant 0 : index
    %get3A_1 = arith.constant 0 : index
    %get3A_2 = vector.load %arg1[%get3A, %get3A_0, %get3A_1] : memref<2x2000x128xf32, #tpu.memory_space<vmem>>, vector<1x2000x128xf32>
    %get3A_3 = vector.shape_cast %get3A_2 : vector<1x2000x128xf32> to vector<2000x128xf32>
    %get3A_4 = arith.constant 1 : index
    %get3A_5 = arith.constant 0 : index
    %get3A_6 = arith.constant 0 : index
    %get3A_7 = vector.load %arg1[%get3A_4, %get3A_5, %get3A_6] : memref<2x2000x128xf32, #tpu.memory_space<vmem>>, vector<1x2000x128xf32>
    %get3A_8 = vector.shape_cast %get3A_7 : vector<1x2000x128xf32> to vector<2000x128xf32>
    %add3A = arith.addf %get3A_3, %get3A_8 : vector<2000x128xf32>
    %get3A_9 = arith.constant 0 : index
    %get3A_10 = arith.constant 0 : index
    %get3A_11 = arith.constant 0 : index
    %get3A_12 = vector.load %arg2[%get3A_9, %get3A_10, %get3A_11] : memref<2x2000x8xf32, #tpu.memory_space<vmem>>, vector<1x2000x1xf32>
    %get3A_13 = vector.shape_cast %get3A_12 : vector<1x2000x1xf32> to vector<2000x1xf32>
    %get3A_14 = arith.constant 1 : index
    %get3A_15 = arith.constant 0 : index
    %get3A_16 = arith.constant 0 : index
    %get3A_17 = vector.load %arg2[%get3A_14, %get3A_15, %get3A_16] : memref<2x2000x8xf32, #tpu.memory_space<vmem>>, vector<1x2000x1xf32>
    %get3A_18 = vector.shape_cast %get3A_17 : vector<1x2000x1xf32> to vector<2000x1xf32>
    %add3A_19 = arith.addf %get3A_13, %get3A_18 : vector<2000x1xf32>
    %max3A = arith.constant 1.000000e+00 : f32
    %max3A_20 = vector.broadcast %max3A : f32 to vector<2000x1xf32>
    %max3A_21 = arith.maximumf %add3A_19, %max3A_20 : vector<2000x1xf32>
    %div3A = arith.constant 1.000000e+00 : f32
    %div3A_22 = vector.broadcast %div3A : f32 to vector<2000x1xf32>
    %div3A_23 = arith.divf %div3A_22, %max3A_21 : vector<2000x1xf32>
    %mul3A = vector.broadcast %div3A_23 : vector<2000x1xf32> to vector<2000x128xf32>
    %mul3A_24 = arith.mulf %add3A, %mul3A : vector<2000x128xf32>
    %get3A_25 = arith.constant 0 : index
    %get3A_26 = arith.constant 0 : index
    %get3A_27 = vector.load %arg4[%get3A_25, %get3A_26] : memref<128x128xf32, #tpu.memory_space<vmem>>, vector<128x128xf32>
    %dot_general3A = arith.constant dense<0.000000e+00> : vector<2000x128xf32>
    %dot_general3A_28 = tpu.matmul %mul3A_24, %get3A_27, %dot_general3A {dimension_numbers = #tpu.dot_dimension_numbers<[1], [1], [0], [0], [0, 0, 1, 0], [], []>, transpose_lhs_hint = false} : vector<2000x128xf32>, vector<128x128xf32>, vector<2000x128xf32> -> vector<2000x128xf32>
    %get3A_29 = arith.constant 0 : index
    %get3A_30 = arith.constant 0 : index
    %get3A_31 = vector.load %arg3[%get3A_29, %get3A_30] : memref<2000x128xf32, #tpu.memory_space<vmem>>, vector<2000x128xf32>
    %get3A_32 = arith.constant 0 : index
    %get3A_33 = arith.constant 0 : index
    %get3A_34 = vector.load %arg6[%get3A_32, %get3A_33] : memref<128x128xf32, #tpu.memory_space<vmem>>, vector<128x128xf32>
    %dot_general3A_35 = arith.constant dense<0.000000e+00> : vector<2000x128xf32>
    %dot_general3A_36 = tpu.matmul %get3A_31, %get3A_34, %dot_general3A_35 {dimension_numbers = #tpu.dot_dimension_numbers<[1], [1], [0], [0], [0, 0, 1, 0], [], []>, transpose_lhs_hint = false} : vector<2000x128xf32>, vector<128x128xf32>, vector<2000x128xf32> -> vector<2000x128xf32>
    %add3A_37 = arith.addf %dot_general3A_28, %dot_general3A_36 : vector<2000x128xf32>
    %get3A_38 = arith.constant 0 : index
    %get3A_39 = vector.load %arg5[%get3A_38] : memref<128xf32, #tpu.memory_space<vmem>>, vector<128xf32>
    %broadcast_in_dim3A = vector.shape_cast %get3A_39 : vector<128xf32> to vector<1x128xf32>
    %add3A_40 = vector.broadcast %broadcast_in_dim3A : vector<1x128xf32> to vector<2000x128xf32>
    %add3A_41 = arith.addf %add3A_37, %add3A_40 : vector<2000x128xf32>
    %ge3A = arith.constant 0.000000e+00 : f32
    %ge3A_42 = vector.broadcast %ge3A : f32 to vector<2000x128xf32>
    %ge3A_43 = arith.cmpf oge, %add3A_41, %ge3A_42 : vector<2000x128xf32>
    %mul3A_44 = arith.constant 0.00999999977 : f32
    %mul3A_45 = vector.broadcast %mul3A_44 : f32 to vector<2000x128xf32>
    %mul3A_46 = arith.mulf %mul3A_45, %add3A_41 : vector<2000x128xf32>
    %select_n3A = arith.select %ge3A_43, %add3A_41, %mul3A_46 : vector<2000x128xi1>, vector<2000x128xf32>
    %swap3A = arith.constant 0 : index
    %swap3A_47 = arith.constant 0 : index
    %swap3A_48 = vector.load %arg7[%swap3A, %swap3A_47] : memref<2000x128xf32, #tpu.memory_space<vmem>>, vector<2000x128xf32>
    tpu.vector_store %arg7[%swap3A, %swap3A_47], %select_n3A {strides = array<i32>} : memref<2000x128xf32, #tpu.memory_space<vmem>>, vector<2000x128xf32>,
    return
  }
  func.func @transform_0(%arg0: i32) -> (i32, i32, i32) {
    %c0_i32 = arith.constant 0 : i32
    %c0_i32_0 = arith.constant 0 : i32
    %c0_i32_1 = arith.constant 0 : i32
    return %c0_i32, %arg0, %c0_i32_0 : i32, i32, i32
  }
  func.func @transform_1(%arg0: i32) -> (i32, i32, i32) {
    %c0_i32 = arith.constant 0 : i32
    %c0_i32_0 = arith.constant 0 : i32
    %c0_i32_1 = arith.constant 0 : i32
    return %c0_i32, %arg0, %c0_i32_0 : i32, i32, i32
  }
  func.func @transform_2(%arg0: i32) -> (i32, i32) {
    %c0_i32 = arith.constant 0 : i32
    %c0_i32_0 = arith.constant 0 : i32
    return %arg0, %c0_i32 : i32, i32
  }
  func.func @transform_3(%arg0: i32) -> (i32, i32) {
    %c0_i32 = arith.constant 0 : i32
    %c0_i32_0 = arith.constant 0 : i32
    %c0_i32_1 = arith.constant 0 : i32
    return %c0_i32, %c0_i32_0 : i32, i32
  }
  func.func @transform_4(%arg0: i32) -> i32 {
    %c0_i32 = arith.constant 0 : i32
    %c0_i32_0 = arith.constant 0 : i32
    return %c0_i32 : i32
  }
  func.func @transform_5(%arg0: i32) -> (i32, i32) {
    %c0_i32 = arith.constant 0 : i32
    %c0_i32_0 = arith.constant 0 : i32
    %c0_i32_1 = arith.constant 0 : i32
    return %c0_i32, %c0_i32_0 : i32, i32
  }
  func.func @transform_6(%arg0: i32) -> (i32, i32) {
    %c0_i32 = arith.constant 0 : i32
    %c0_i32_0 = arith.constant 0 : i32
    return %arg0, %c0_i32 : i32, i32
  }
}

module attributes {stable_mosaic.version = 14 : i64} {
  func.func @_dense_body(%arg0: i32, %arg1: memref<2x2000x128xf32, #tpu.memory_space<vmem>>, %arg2: memref<2x2000x8xf32, #tpu.memory_space<vmem>>, %arg3: memref<2000x128xf32, #tpu.memory_space<vmem>>, %arg4: memref<128x128xf32, #tpu.memory_space<vmem>>, %arg5: memref<128xf32, #tpu.memory_space<vmem>>, %arg6: memref<128x128xf32, #tpu.memory_space<vmem>>, %arg7: memref<2000x128xf32, #tpu.memory_space<vmem>>) attributes {dimension_semantics = [#tpu.dimension_semantics<arbitrary>], iteration_bounds = array<i64: 5>, scalar_prefetch = 0 : i64, scratch_operands = 0 : i64, tpu.core_type = #tpu.core_type<tc>, window_params = [{transform_indices = @transform_0, window_bounds = array<i64: 2, 2000, 128>}, {transform_indices = @transform_1, window_bounds = array<i64: 2, 2000, 8>}, {transform_indices = @transform_2, window_bounds = array<i64: 2000, 128>}, {pipeline_mode = #tpu.pipeline_mode<synchronous>, transform_indices = @transform_3, window_bounds = array<i64: 128, 128>}, {pipeline_mode = #tpu.pipeline_mode<synchronous>, transform_indices = @transform_4, window_bounds = array<i64: 128>}, {pipeline_mode = #tpu.pipeline_mode<synchronous>, transform_indices = @transform_5, window_bounds = array<i64: 128, 128>}, {transform_indices = @transform_6, window_bounds = array<i64: 2000, 128>}]} {
    %get3A = arith.constant 0 : index
    %get3A_0 = arith.constant 0 : index
    %get3A_1 = arith.constant 0 : index
    %get3A_2 = vector.load %arg1[%get3A, %get3A_0, %get3A_1] : memref<2x2000x128xf32, #tpu.memory_space<vmem>>, vector<1x2000x128xf32>
    %get3A_3 = vector.shape_cast %get3A_2 : vector<1x2000x128xf32> to vector<2000x128xf32>
    %get3A_4 = arith.constant 1 : index
    %get3A_5 = arith.constant 0 : index
    %get3A_6 = arith.constant 0 : index
    %get3A_7 = vector.load %arg1[%get3A_4, %get3A_5, %get3A_6] : memref<2x2000x128xf32, #tpu.memory_space<vmem>>, vector<1x2000x128xf32>
    %get3A_8 = vector.shape_cast %get3A_7 : vector<1x2000x128xf32> to vector<2000x128xf32>
    %add3A = arith.addf %get3A_3, %get3A_8 : vector<2000x128xf32>
    %get3A_9 = arith.constant 0 : index
    %get3A_10 = arith.constant 0 : index
    %get3A_11 = arith.constant 0 : index
    %get3A_12 = vector.load %arg2[%get3A_9, %get3A_10, %get3A_11] : memref<2x2000x8xf32, #tpu.memory_space<vmem>>, vector<1x2000x1xf32>
    %get3A_13 = vector.shape_cast %get3A_12 : vector<1x2000x1xf32> to vector<2000x1xf32>
    %get3A_14 = arith.constant 1 : index
    %get3A_15 = arith.constant 0 : index
    %get3A_16 = arith.constant 0 : index
    %get3A_17 = vector.load %arg2[%get3A_14, %get3A_15, %get3A_16] : memref<2x2000x8xf32, #tpu.memory_space<vmem>>, vector<1x2000x1xf32>
    %get3A_18 = vector.shape_cast %get3A_17 : vector<1x2000x1xf32> to vector<2000x1xf32>
    %add3A_19 = arith.addf %get3A_13, %get3A_18 : vector<2000x1xf32>
    %max3A = arith.constant 1.000000e+00 : f32
    %max3A_20 = vector.broadcast %max3A : f32 to vector<2000x1xf32>
    %max3A_21 = arith.maximumf %add3A_19, %max3A_20 : vector<2000x1xf32>
    %div3A = arith.constant 1.000000e+00 : f32
    %div3A_22 = vector.broadcast %div3A : f32 to vector<2000x1xf32>
    %div3A_23 = arith.divf %div3A_22, %max3A_21 : vector<2000x1xf32>
    %mul3A = vector.broadcast %div3A_23 : vector<2000x1xf32> to vector<2000x128xf32>
    %mul3A_24 = arith.mulf %add3A, %mul3A : vector<2000x128xf32>
    %get3A_25 = arith.constant 0 : index
    %get3A_26 = arith.constant 0 : index
    %get3A_27 = vector.load %arg4[%get3A_25, %get3A_26] : memref<128x128xf32, #tpu.memory_space<vmem>>, vector<128x128xf32>
    %dot_general3A = arith.constant dense<0.000000e+00> : vector<2000x128xf32>
    %dot_general3A_28 = tpu.matmul %mul3A_24, %get3A_27, %dot_general3A {dimension_numbers = #tpu.dot_dimension_numbers<[1], [1], [0], [0], [0, 0, 1, 0], [], []>, transpose_lhs_hint = false} : vector<2000x128xf32>, vector<128x128xf32>, vector<2000x128xf32> -> vector<2000x128xf32>
    %get3A_29 = arith.constant 0 : index
    %get3A_30 = arith.constant 0 : index
    %get3A_31 = vector.load %arg3[%get3A_29, %get3A_30] : memref<2000x128xf32, #tpu.memory_space<vmem>>, vector<2000x128xf32>
    %get3A_32 = arith.constant 0 : index
    %get3A_33 = arith.constant 0 : index
    %get3A_34 = vector.load %arg6[%get3A_32, %get3A_33] : memref<128x128xf32, #tpu.memory_space<vmem>>, vector<128x128xf32>
    %dot_general3A_35 = arith.constant dense<0.000000e+00> : vector<2000x128xf32>
    %dot_general3A_36 = tpu.matmul %get3A_31, %get3A_34, %dot_general3A_35 {dimension_numbers = #tpu.dot_dimension_numbers<[1], [1], [0], [0], [0, 0, 1, 0], [], []>, transpose_lhs_hint = false} : vector<2000x128xf32>, vector<128x128xf32>, vector<2000x128xf32> -> vector<2000x128xf32>
    %add3A_37 = arith.addf %dot_general3A_28, %dot_general3A_36 : vector<2000x128xf32>
    %get3A_38 = arith.constant 0 : index
    %get3A_39 = vector.load %arg5[%get3A_38] : memref<128xf32, #tpu.memory_space<vmem>>, vector<128xf32>
    %broadcast_in_dim3A = vector.shape_cast %get3A_39 : vector<128xf32> to vector<1x128xf32>
    %add3A_40 = vector.broadcast %broadcast_in_dim3A : vector<1x128xf32> to vector<2000x128xf32>
    %add3A_41 = arith.addf %add3A_37, %add3A_40 : vector<2000x128xf32>
    %ge3A = arith.constant 0.000000e+00 : f32
    %ge3A_42 = vector.broadcast %ge3A : f32 to vector<2000x128xf32>
    %ge3A_43 = arith.cmpf oge, %add3A_41, %ge3A_42 : vector<2000x128xf32>
    %mul3A_44 = arith.constant 0.00999999977 : f32
    %mul3A_45 = vector.broadcast %mul3A_44 : f32 to vector<2000x128xf32>
    %mul3A_46 = arith.mulf %mul3A_45, %add3A_41 : vector<2000x128xf32>
    %select_n3A = arith.select %ge3A_43, %add3A_41, %mul3A_46 : vector<2000x128xi1>, vector<2000x128xf32>
    %swap3A = arith.constant 0 : index
    %swap3A_47 = arith.constant 0 : index
    %swap3A_48 = vector.load %arg7[%swap3A, %swap3A_47] : memref<2000x128xf32, #tpu.memory_space<vmem>>, vector<2000x128xf32>
    tpu.vector_store %arg7[%swap3A, %swap3A_47], %select_n3A {strides = array<i32>} : memref<2000x128xf32, #tpu.memory_space<vmem>>, vector<2000x128xf32>,
    return
  }
  func.func @transform_0(%arg0: i32) -> (i32, i32, i32) {
    %c0_i32 = arith.constant 0 : i32
    %c0_i32_0 = arith.constant 0 : i32
    %c0_i32_1 = arith.constant 0 : i32
    return %c0_i32, %arg0, %c0_i32_0 : i32, i32, i32
  }
  func.func @transform_1(%arg0: i32) -> (i32, i32, i32) {
    %c0_i32 = arith.constant 0 : i32
    %c0_i32_0 = arith.constant 0 : i32
    %c0_i32_1 = arith.constant 0 : i32
    return %c0_i32, %arg0, %c0_i32_0 : i32, i32, i32
  }
  func.func @transform_2(%arg0: i32) -> (i32, i32) {
    %c0_i32 = arith.constant 0 : i32
    %c0_i32_0 = arith.constant 0 : i32
    return %arg0, %c0_i32 : i32, i32
  }
  func.func @transform_3(%arg0: i32) -> (i32, i32) {
    %c0_i32 = arith.constant 0 : i32
    %c0_i32_0 = arith.constant 0 : i32
    %c0_i32_1 = arith.constant 0 : i32
    return %c0_i32, %c0_i32_0 : i32, i32
  }
  func.func @transform_4(%arg0: i32) -> i32 {
    %c0_i32 = arith.constant 0 : i32
    %c0_i32_0 = arith.constant 0 : i32
    return %c0_i32 : i32
  }
  func.func @transform_5(%arg0: i32) -> (i32, i32) {
    %c0_i32 = arith.constant 0 : i32
    %c0_i32_0 = arith.constant 0 : i32
    %c0_i32_1 = arith.constant 0 : i32
    return %c0_i32, %c0_i32_0 : i32, i32
  }
  func.func @transform_6(%arg0: i32) -> (i32, i32) {
    %c0_i32 = arith.constant 0 : i32
    %c0_i32_0 = arith.constant 0 : i32
    return %arg0, %c0_i32 : i32, i32
  }
}

</mosaic_0001>

<sc_bundles>
// kernel: kernel.6.cloned.1.call-start
scs
__scs_entry_jumppad:
0x0: {  	(pc) =	sbr.rel $0x88, $3  }
0x1: {  	(tag) =	ssettag $0x0;
	lr =	simm.s32 $0x1  }
0x2: {  	[smem:$0x3F99] =	sst lr;
	_ =	strace $0xD0000000  }
0x3: {  	_ = 	snop  }
0x4: {  	_ = 	snop  }
0x5: {  	_ = 	snop  }
0x6: {  	_ = 	snop  }
0x7: {  	_ = 	snop  }
__scs_overlays_trampoline_lowered:
0x8: {  	[smem:$0x3FA8] =	sst s0  }
0x9: {  	[smem:$0x3FA9] =	sst s1  }
0xa: {  	[smem:$0x3FAA] =	sst s2  }
0xb: {  	[smem:$0x3FAB] =	sst s3  }
0xc: {  	[smem:$0x3FAC] =	sst s4  }
0xd: {  	[smem:$0x3FAD] =	sst s5  }
0xe: {  	[smem:$0x3FAE] =	sst s6  }
0xf: {  	[smem:$0x3FAF] =	sst s7  }
0x10: {  	[smem:$0x3FB0] =	sst s8  }
0x11: {  	[smem:$0x3FB1] =	sst s9;
	s0 =	simm.s32 @!p0 $0x0  }
0x12: {  	s1 =	sld [smem:$0x3F97];
	s0 =	simm.s32 @p0 $0x1  }
0x13: {  	[smem:$0x3FB2] =	sst s0;
	s0 =	simm.s32 @!p1 $0x0  }
0x14: {  	s2 =	sld [smem:$0x3F96];
	s0 =	simm.s32 @p1 $0x1  }
0x15: {  	[smem:$0x3FB3] =	sst s0;
	s0 =	simm.s32 @!p2 $0x0  }
0x16: {  	s3 =	sld [smem:$0x3FDB];
	s0 =	simm.s32 @p2 $0x1  }
0x17: {  	s4 =	simm.s32 $0x1BF5;
	[smem:$0x3FB5] =	sst s0  }
0x18: {  	s0 =	sld [smem:$0x3F98];
	_ =	swait.ge [sflag:s4], $0x0  }
0x19: {  	s7 =	sld [smem:$0x3F99]  }
0x1a: {  	s8 =	sadd.s32 $0xFFFFE003, lr  }
0x1b: {  	s9 =	sadd.s32 $0xFFFFFEF7, lr;
	s5 =	simm.s32 $0xFFFFFFFF;
	p2 =	slt.u32 s8, $0xFFFFF086  }
0x1c: {  	p1 =	slt.u32 s9, $0xF7A;
	s5 =	simm.s32 @!p2 $0x0  }
0x1d: {  	s5 =	simm.s32 @p1 $0x1;
	p0 =	seq.s32 s7, s2  }
0x1e: {  	s7 =	smul.u32 @!p0 $0xF7A, s2;
	p2 =	seq.s32 @!p0 s5, $0x0  }
0x1f: {  	s9 =	smul.u32 $0xF7A, s1;
	s8 =	simm.s32 @!p0 $0x1BF5;
	p2 =	por !p2, p0  }
0x20: {  	[sflag:s8] =	ssyncset.s32 @!p0 $0xFFFFF086;
	s6 =	sadd.s32 @!p0 s3, s7;
	s7 =	simm.s32 @!p0 $0x108  }
0x21: {  	s3 =	sadd.s32 s3, s9;
	s6 =	sadd.s32 @!p0 $0x88, s6;
	s7 =	simm.s32 @p2 $0x1082  }
0x22: {  	[simem:s7], [sflag:s8] =	dma.local @!p0 [hbm:s6], $0xF7A  }
0x23: {  	s9 =	sor.u32 $0xD0000000, s2;
	s6 =	simm.s32 $0x108;
	_ =	swait.ge @!p0 [sflag:s8], $0x0  }
0x24: {  	s3 =	sadd.s32 $0x88, s3;
	s6 =	simm.s32 @!p1 $0x1082;
	[sflag:s4] =	ssyncset.s32 $0xFFFFF086  }
0x25: {  	[simem:s6], [sflag:s4] =	dma.local [hbm:s3], $0xF7A  }
0x26: {  	[smem:$0x3F99] =	sst s1;
	(tag) =	ssettag s2;
	_ =	strace s9  }
0x27: {  	s1 =	sld [smem:$0x3FA9]  }
0x28: {  	s2 =	sld [smem:$0x3FAA]  }
0x29: {  	s4 =	sld [smem:$0x3FAC]  }
0x2a: {  	p0 =	seq.s32 s5, $0x0;
	s5 =	sld [smem:$0x3FAD]  }
0x2b: {  	s6 =	sld [smem:$0x3FAE]  }
0x2c: {  	s7 =	sld [smem:$0x3FAF]  }
0x2d: {  	s3 =	simm.s32 $0x108;
	s8 =	sld [smem:$0x3FB0]  }
0x2e: {  	s3 =	simm.s32 @!p0 $0x1082;
	s9 =	sld [smem:$0x3FB1]  }
0x2f: {  	lr =	sadd.s32 s0, s3;
	s0 =	sld [smem:$0x3FA8]  }
0x30: {  	s3 =	sld [smem:$0x3FAB]  }
0x31: {  	[smem:$0x3FB4] =	sst s10  }
0x32: {  	s10 =	sld [smem:$0x3FB2];
	_ =	sdelay $0x3  }
0x33: {  	p0 =	seq.s32 s10, $0x1;
	s10 =	sld [smem:$0x3FB4];
	_ =	sdelay $0x3  }
0x34: {  	[smem:$0x3FB4] =	sst s10  }
0x35: {  	s10 =	sld [smem:$0x3FB3];
	_ =	sdelay $0x3  }
0x36: {  	p1 =	seq.s32 s10, $0x1;
	s10 =	sld [smem:$0x3FB4];
	_ =	sdelay $0x3  }
0x37: {  	[smem:$0x3FB4] =	sst s10  }
0x38: {  	s10 =	sld [smem:$0x3FB5]  }
0x39: {  	_ = 	snop;
	(pc) =	sbr.ind lr, $3  }
0x3a: {  	_ = 	snop  }
0x3b: {  	_ = 	snop  }
0x3c: {  	p2 =	seq.s32 s10, $0x1;
	s10 =	sld [smem:$0x3FB4]  }
0x3d: {  	_ =	shalt  }
0x3e: {  	_ =	shalt  }
0x3f: {  	_ =	shalt  }
0x40: {  	_ =	shalt  }
0x41: {  	_ =	shalt  }
0x42: {  	_ =	shalt  }
0x43: {  	_ =	shalt  }
0x44: {  	_ =	shalt  }
0x45: {  	_ =	shalt  }
0x46: {  	_ =	shalt  }
0x47: {  	_ =	shalt  }
0x48: {  	_ =	shalt  }
0x49: {  	_ =	shalt  }
0x4a: {  	_ =	shalt  }
0x4b: {  	_ =	shalt  }
0x4c: {  	_ =	shalt  }
0x4d: {  	_ =	shalt  }
0x4e: {  	_ =	shalt  }
0x4f: {  	_ =	shalt  }
0x50: {  	_ =	shalt  }
0x51: {  	_ =	shalt  }
0x52: {  	_ =	shalt  }
0x53: {  	_ =	shalt  }
0x54: {  	_ =	shalt  }
0x55: {  	_ =	shalt  }
0x56: {  	_ =	shalt  }
0x57: {  	_ =	shalt  }
0x58: {  	_ =	shalt  }
0x59: {  	_ =	shalt  }
0x5a: {  	_ =	shalt  }
0x5b: {  	_ =	shalt  }
0x5c: {  	_ =	shalt  }
0x5d: {  	_ =	shalt  }
0x5e: {  	_ =	shalt  }
0x5f: {  	_ =	shalt  }
0x60: {  	_ =	shalt  }
0x61: {  	_ =	shalt  }
0x62: {  	_ =	shalt  }
0x63: {  	_ =	shalt  }
0x64: {  	_ =	shalt  }
0x65: {  	_ =	shalt  }
0x66: {  	_ =	shalt  }
0x67: {  	_ =	shalt  }
0x68: {  	_ =	shalt  }
0x69: {  	_ =	shalt  }
0x6a: {  	_ =	shalt  }
0x6b: {  	_ =	shalt  }
0x6c: {  	_ =	shalt  }
0x6d: {  	_ =	shalt  }
0x6e: {  	_ =	shalt  }
0x6f: {  	_ =	shalt  }
0x70: {  	_ =	shalt  }
0x71: {  	_ =	shalt  }
0x72: {  	_ =	shalt  }
0x73: {  	_ =	shalt  }
0x74: {  	_ =	shalt  }
0x75: {  	_ =	shalt  }
0x76: {  	_ =	shalt  }
0x77: {  	_ =	shalt  }
0x78: {  	_ =	shalt  }
0x79: {  	_ =	shalt  }
0x7a: {  	_ =	shalt  }
0x7b: {  	_ =	shalt  }
0x7c: {  	_ =	shalt  }
0x7d: {  	_ =	shalt  }
0x7e: {  	_ =	shalt  }
0x7f: {  	_ =	shalt  }
0x80: {  	_ =	shalt  }
0x81: {  	_ =	shalt  }
0x82: {  	_ =	shalt  }
0x83: {  	_ =	shalt  }
0x84: {  	_ =	shalt  }
0x85: {  	_ =	shalt  }
0x86: {  	_ =	shalt  }
0x87: {  	_ =	shalt  }
.Lfunc_end0:
.L_simem_size_0:
called_computation_lowered:
.L_overlay_start_0:
0x88: {  	s2 =	sld [smem:$0x3FD9]  }
0x89: {  	s3 =	sld [smem:$0x3FFE];
	_ =	sdelay $0x1  }
0x8a: {  	s1 =	srdreg.scid  }
0x8b: {  	s0 =	sand.u32 $0x1, s1  }
0x8c: {  	s17 =	sshll.u32 s0, $0xA;
	s2 =	sadd.s32 s3, s2  }
0x8d: {  	s2 =	sadd.s32 s2, s17  }
0x8e: {  	[smem:$0x3FC0] =	sst s2  }
0x8f: {  	_ = 	snop  }
0x90: {  	s2 =	sld [smem:$0x3FC9]  }
0x91: {  	s18 =	sld [smem:$0x3FD0];
	(tm) =	ssettm $0x1  }
0x92: {  	s4 =	sld [smem:$0x3FFB];
	_ =	sdelay $0x3  }
0x93: {  	_ =	strace s4  }
0x94: {  	s4 =	sld [smem:$0x3FFC];
	_ =	sdelay $0x3  }
0x95: {  	_ =	strace s4  }
0x96: {  	s4 =	sld [smem:$0x3FFD];
	_ =	sdelay $0x3  }
0x97: {  	_ =	strace s4  }
0x98: {  	_ =	strace $0x8FFFFFFF  }
0x99: {  	s19 =	sld [smem:$0x3FDB];
	_ =	sdelay $0x1  }
0x9a: {  	s5 =	simm.s32 $_scs_section_size  }
0x9b: {  	s6 =	simm.s32 $_size__tile_overlayer_lowered;
	s7 =	simm.s32 $_tile_overlayer_lowered  }
0x9c: {  	s22 =	simm.s32 $0x1BFF;
	s21 =	sshll.u32 s7, $0x1;
	s4 =	sadd.s32 s5, s19  }
0x9d: {  	s8 =	simm.s32 $0x0;
	s20 =	sshll.u32 s6, $0x1;
	s6 =	sadd.s32 s21, s4  }
0x9e: {  	[timem:s8], [sflag:s22] =	dma.local [hbm:s6], s20  }
0x9f: {  	_ =	swait.ge [sflag:s22], s20  }
0xa0: {  	s5 =	ssub.s32 $0x0, s20;
	[sflag:s22] =	ssyncset.done $0x0  }
0xa1: {  	[sflag:s22] =	ssyncadd.s32 s5;
	_ =	sdelay $0x1  }
0xa2: {  	s23 =	simm.s32 $0x1B8B  }
0xa3: {  	_ =	swait.ge [sflag:s23], $0x1  }
0xa4: {  	[sflag:s23] =	ssyncset.done $0x0  }
0xa5: {  	s25 =	simm.s32 $0x1B8E;
	s24 =	sld [smem:$0x3FFE];
	[sflag:s23] =	ssyncadd.s32 $0xFFFFFFFF  }
0xa6: {  	s26 =	simm.s32 $execute0_lowered;
	[smem:$0x3FD2] =	sst s25  }
0xa7: {  	s6 =	sshll.u32 s26, $0x1;
	_ =	strace $0x80000046;
	[dreg:$0x1] =	wrdreg $0xFFFFFFFF  }
0xa8: {  	s28 =	simm.s32 $_size_execute0_lowered;
	s4 =	sadd.s32 s4, s6;
	[dreg:$0x0] =	wrdreg $0x0  }
0xa9: {  	s6 =	sshll.u32 s28, $0x1;
	[dreg:$0x2] =	wrdreg s4  }
0xaa: {  	[dreg:$0x3] =	wrdreg s6  }
0xab: {  	[dreg:$0x4] =	wrdreg $0xC0  }
0xac: {  	_ =	task [dreg:s8], $0x5FFFF  }
0xad: {  	[dreg:$0x1] =	wrdreg $0xFFFFFFFF  }
0xae: {  	[dreg:$0x0] =	wrdreg $0x60  }
0xaf: {  	[dreg:$0x2] =	wrdreg s2  }
0xb0: {  	[dreg:$0x3] =	wrdreg s24  }
0xb1: {  	[dreg:$0x4] =	wrdreg s18  }
0xb2: {  	[dreg:$0x5] =	wrdreg $0xB2200  }
0xb3: {  	[dreg:$0x6] =	wrdreg $0x1EBE00  }
0xb4: {  	[dreg:$0x7] =	wrdreg $0x9  }
0xb5: {  	_ =	task.clear_ibuf [dreg:s8], $0x8FFFF;
	_ =	strace $0x90000046  }
0xb6: {  	s29 =	simm.s32 $0x9;
	_ =	strace $0x80000048  }
0xb7: {  	_ =	swait.ge [sflag:s29], $0x1  }
0xb8: {  	[sflag:s29] =	ssyncadd.s32 $0xFFFFFFFF  }
0xb9: {  	_ =	strace $0x90000048  }
0xba: {  	_ =	sfence  }
0xbb: {  	s30 =	sld [smem:$0x0];
	_ =	sdelay $0x2  }
0xbc: {  	s31 =	sshll.u32 s1, $0xD;
	s1 =	sshrl.u32 s1, $0x2  }
0xbd: {  	s3 =	sand.u32 $0x4000, s31;
	s1 =	sadd.s32 s1, s30  }
0xbe: {  	s0 =	sor.u32 s3, s0;
	s1 =	sshll.u32 s1, $0x11  }
0xbf: {  	s0 =	sor.u32 s1, s0  }
0xc0: {  	s0 =	sadd.s32 $0x8F2B, s0  }
0xc1: {  	[sflag:s0] =	ssyncadd.remote.s32 $0x1  }
0xc2: {  	_ =	sfence.sel $0xFFFF  }
0xc3: {  	[dreg:$0x0] =	wrdreg $0xFFFFFFFF;
	(pc) =	sbr.abs _section_cstart, $3  }
0xc4: {  	[dreg:$0x1] =	wrdreg $0xFFFFFFFF  }
0xc5: {  	_ =	task.clear_ibuf [dreg:s8], $0x2FFFF;
	_ =	strace $0x9FFFFFFF  }
0xc6: {  	(tm) =	ssettm $0x7FFFFFFF  }
0xc7: {  	_ =	shalt  }
tec
execute0_lowered:
.L_overlay_start_1:
0x0: {  	(tag) =	ssettag $0x1  }
0x1: {  	s0 =	rddreg [dreg:$0x0]  }
0x2: {  	s1 =	srdreg.scid;
	s2 =	rddreg [dreg:$0x1]  }
0x3: {  	s6 =	rddreg [dreg:$0x2];
	s21 =	stileid.u32  }
0x4: {  	s3 =	rddreg [dreg:$0x3];
	s28 =	simm.s32 $0x9E20;
	s9 =	smul.u32 $0x13880, s21  }
0x5: {  	s29 =	simm.s32 $0x1EAA0;
	s30 =	simm.s32 $0x1;
	s12 =	smul.u32 $0x271, s21  }
0x6: {  	s31 =	simm.s32 $0x2;
	s1 =	sand.u32 $0x1, s1;
	s13 =	smul.u32 $0x1388, s21  }
0x7: {  	s10 =	sadd.s32 $0x2600, s2;
	s4 =	sshll.u32 s1, $0x4;
	s8 =	smul.u32 $0x138800, s1  }
0x8: {  	s22 =	ssub.s32 $0x2, s1;
	s1 =	smul.u32 $0x13880, s1;
	s5 =	sor.u32 s21, s4  }
0x9: {  	s4 =	rddreg [dreg:$0x4];
	s11 =	sshrl.u32 s22, $0x1;
	s24 =	sadd.s32 $0x258, s12  }
0xa: {  	s7 =	smul.u32 $0x4E2, s5;
	s5 =	simm.s32 $0x0;
	s8 =	sadd.s32 s9, s8  }
0xb: {  	s25 =	sshll.u32 s24, $0x7;
	s1 =	sadd.s32 s13, s1;
	[smem:$0x7FF] =	sst s5  }
0xc: {  	s8 =	sshrl.u32 s8, $0x3;
	_ =	strace $0x80000047;
	s7 =	sadd.s32 s7, s2  }
0xd: {  	[dreg:$0x6] =	wrdreg s10;
	s8 =	sadd.s32 s8, s2;
	s2 =	sadd.s32 $0x2628, s2  }
0xe: {  	s10 =	ssub.s32 s22, s11;
	s23 =	sadd.s32 $0xC600, s7;
	[dreg:$0xb] =	wrdreg s2  }
0xf: {  	s11 =	sshll.u32 s24, $0x3;
	s7 =	sadd.s32 $0x2800, s7;
	[dreg:$0x7] =	wrdreg s23  }
0x10: {  	s26 =	sadd.s32 s11, s4;
	s11 =	smul.u32 $0x4E200, s21;
	[dreg:$0x8] =	wrdreg s7  }
0x11: {  	s21 =	smul.u32 $0x4E20, s21;
	s7 =	sadd.s32 s25, s3;
	[dreg:$0xa] =	wrdreg s26  }
0x12: {  	[dreg:$0x9] =	wrdreg s7;
	s7 =	sadd.s32 $0x16400, s8;
	s8 =	sshrl.u32 s1, $0x3  }
0x13: {  	s1 =	sadd.s32 s9, s3;
	s9 =	sadd.s32 $0x50, s12;
	[dreg:$0xc] =	wrdreg s7  }
0x14: {  	s2 =	sadd.s32 s6, s8;
	s7 =	sadd.s32 $0x28, s12;
	s6 =	sshrl.u32 s11, $0x2  }
0x15: {  	s16 =	sshll.u32 s9, $0x7;
	s8 =	sadd.s32 $0xA0, s12;
	s11 =	sadd.s32 $0x118, s12  }
0x16: {  	s9 =	sshll.u32 s9, $0x3;
	s1 =	sshrl.u32 s1, $0x3;
	[dreg:$0xd] =	wrdreg s2  }
0x17: {  	s2 =	sadd.s32 s13, s4;
	s13 =	smax.u32 s10, $0x1;
	s14 =	sshll.u32 s7, $0x7  }
0x18: {  	s6 =	sadd.s32 s6, s3;
	s18 =	sshll.u32 s8, $0x7;
	[smem:$0x7FC] =	sst s1  }
0x19: {  	s7 =	sshll.u32 s7, $0x3;
	s1 =	simm.s32 $0x6;
	[dreg:$0xe] =	wrdreg s13  }
0x1a: {  	[dreg:$0xf] =	wrdreg s6;
	s15 =	sadd.s32 s14, s3;
	s6 =	sadd.s32 s16, s3  }
0x1b: {  	s13 =	sadd.s32 $0xC8, s12;
	s19 =	sadd.s32 s18, s3;
	[dreg:$0x10] =	wrdreg s15  }
0x1c: {  	s16 =	sadd.s32 $0x140, s12;
	s7 =	sadd.s32 s7, s4;
	[dreg:$0x11] =	wrdreg s6  }
0x1d: {  	s6 =	sadd.s32 $0x78, s12;
	[dreg:$0x13] =	wrdreg s19;
	s20 =	sshll.u32 s13, $0x7  }
0x1e: {  	s15 =	sshll.u32 s11, $0x7;
	s23 =	sshll.u32 s16, $0x7;
	s19 =	sadd.s32 $0x1B8, s12  }
0x1f: {  	[dreg:$0x1f] =	wrdreg s7;
	s17 =	sshll.u32 s6, $0x7;
	s22 =	sadd.s32 s15, s3  }
0x20: {  	s6 =	sshll.u32 s6, $0x3;
	s10 =	sadd.s32 s17, s3;
	[dreg:$0x16] =	wrdreg s22  }
0x21: {  	s15 =	sadd.s32 $0x190, s12;
	s6 =	sadd.s32 s6, s4;
	[dreg:$0x12] =	wrdreg s10  }
0x22: {  	s18 =	sshll.u32 s15, $0x7;
	s10 =	sadd.s32 s20, s3;
	[smem:$0x7F0] =	sst s6  }
0x23: {  	s25 =	sshll.u32 s19, $0x7;
	s24 =	sadd.s32 s18, s3;
	[dreg:$0x14] =	wrdreg s10  }
0x24: {  	s18 =	sadd.s32 $0x208, s12;
	s10 =	sadd.s32 $0xF0, s12;
	[dreg:$0x19] =	wrdreg s24  }
0x25: {  	s26 =	sshll.u32 s18, $0x7;
	s24 =	sadd.s32 s9, s4;
	s14 =	sshll.u32 s10, $0x7  }
0x26: {  	[smem:$0x7EF] =	sst s24;
	s9 =	sshll.u32 s10, $0x3;
	s14 =	sadd.s32 s14, s3  }
0x27: {  	s10 =	sshll.u32 s11, $0x3;
	[dreg:$0x15] =	wrdreg s14;
	s14 =	sadd.s32 s23, s3  }
0x28: {  	s11 =	sshll.u32 s16, $0x3;
	[dreg:$0x17] =	wrdreg s14;
	s14 =	sadd.s32 $0x168, s12  }
0x29: {  	s16 =	sshll.u32 s15, $0x3;
	s15 =	simm.s32 $0xA;
	s17 =	sshll.u32 s14, $0x7  }
0x2a: {  	s23 =	sshrl.u32 s21, $0x2;
	s14 =	sshll.u32 s14, $0x3;
	s17 =	sadd.s32 s17, s3  }
0x2b: {  	[dreg:$0x18] =	wrdreg s17;
	s17 =	sadd.s32 s25, s3;
	s25 =	sshll.u32 s8, $0x3  }
0x2c: {  	[dreg:$0x1a] =	wrdreg s17;
	s17 =	sadd.s32 $0x1E0, s12;
	s12 =	sadd.s32 $0x230, s12  }
0x2d: {  	s6 =	sadd.s32 s25, s4;
	s20 =	sshll.u32 s17, $0x7;
	s22 =	sshll.u32 s12, $0x7  }
0x2e: {  	[smem:$0x7F1] =	sst s6;
	s6 =	sadd.s32 s9, s4;
	s24 =	sshll.u32 s12, $0x3  }
0x2f: {  	s9 =	simm.s32 $0x4;
	s20 =	sadd.s32 s20, s3;
	[smem:$0x7F3] =	sst s6  }
0x30: {  	s12 =	simm.s32 $0x5;
	s22 =	sadd.s32 s22, s3;
	[dreg:$0x1b] =	wrdreg s20  }
0x31: {  	s6 =	sadd.s32 s10, s4;
	s25 =	sadd.s32 s24, s4;
	[dreg:$0x1d] =	wrdreg s22  }
0x32: {  	s24 =	simm.s32 $0x6220;
	s20 =	sadd.s32 s26, s3;
	[smem:$0x7F4] =	sst s6  }
0x33: {  	s26 =	sshll.u32 s13, $0x3;
	s13 =	sadd.s32 s11, s4;
	[smem:$0x7FB] =	sst s25  }
0x34: {  	s6 =	sadd.s32 s14, s4;
	s22 =	sshll.u32 s17, $0x3;
	[dreg:$0x1c] =	wrdreg s20  }
0x35: {  	s25 =	simm.s32 $0x7620;
	s11 =	simm.s32 $0x8;
	[smem:$0x7F5] =	sst s13  }
0x36: {  	s14 =	simm.s32 $0x9;
	s20 =	sadd.s32 s23, s4;
	[smem:$0x7F6] =	sst s6  }
0x37: {  	s17 =	simm.s32 $0x0;
	s8 =	sadd.s32 s26, s4;
	[dreg:$0x1e] =	wrdreg s20  }
0x38: {  	s6 =	sadd.s32 s16, s4;
	s23 =	sshll.u32 s18, $0x3;
	[smem:$0x7F2] =	sst s8  }
0x39: {  	s26 =	sshrl.u32 s2, $0x3;
	s16 =	simm.s32 $0xB;
	[smem:$0x7F7] =	sst s6  }
0x3a: {  	s20 =	sshll.u32 s19, $0x3;
	s6 =	sadd.s32 s22, s4;
	[smem:$0x7FD] =	sst s26  }
0x3b: {  	s22 =	simm.s32 $0x28;
	s26 =	simm.s32 $0x8A20;
	s8 =	simm.s32 $0x7  }
0x3c: {  	s21 =	sadd.s32 s20, s4;
	[smem:$0x7F9] =	sst s6;
	s6 =	sadd.s32 s23, s4  }
0x3d: {  	s20 =	simm.s32 $0xC;
	s23 =	simm.s32 $0x4E20;
	[smem:$0x7F8] =	sst s21  }
0x3e: {  	v0 =	vimm.f32 $0.0e+00;
	[smem:$0x7FA] =	sst s6;
	s21 =	simm.s32 $0x2710;
	s6 =	simm.s32 $0x3  }
.LBB2_1:
0x3f: {  	s2 =	rddreg [dreg:$0x7]  }
0x40: {  	[tilespmem:s5], [sflag:$0xC] =	stream.linear.gather [hbm4b:s2+s5], $0x2710, $0x38;
	[tilespmem:$0x1FF68] =	vst v63  }
0x41: {  	_ =	swait.ge [sflag:s20], $0x2710  }
0x42: {  	[sflag:s20] =	ssyncset.done $0x0  }
0x43: {  	s13 =	rddreg [dreg:$0x8];
	[sflag:s20] =	ssyncadd.s32 $0xFFFFD8F0  }
0x44: {  	[tilespmem:s21], [sflag:$0xC] =	stream.linear.gather [hbm4b:s13+s5], $0x2710, $0x38;
	[tilespmem:$0x1FF68] =	vst v63  }
0x45: {  	_ =	swait.ge [sflag:s20], $0x2710  }
0x46: {  	[sflag:s20] =	ssyncset.done $0x0  }
0x47: {  	[sflag:s20] =	ssyncadd.s32 $0xFFFFD8F0  }
0x48: {  	[tilespmem:s23], [sflag:$0x1] =	stream.indirect.gather [hbm4b:s0+s22], $0x80, s5, s22, $0xb8;
	[tilespmem:$0x1FF68] =	vst v63  }
0x49: {  	_ = 	snop  }
0x4a: {  	[tilespmem:s24], [sflag:$0x2] =	stream.indirect.gather [hbm4b:s0+s22], $0x80, s22, s22, $0xb8;
	[tilespmem:$0x1FF68] =	vst v63  }
0x4b: {  	s18 =	simm.s32 $0x50  }
0x4c: {  	[tilespmem:s25], [sflag:$0x3] =	stream.indirect.gather [hbm4b:s0+s22], $0x80, s18, s22, $0xb8;
	[tilespmem:$0x1FF68] =	vst v63  }
0x4d: {  	s19 =	simm.s32 $0x78  }
0x4e: {  	[tilespmem:s26], [sflag:$0x4] =	stream.indirect.gather [hbm4b:s0+s22], $0x80, s19, s22, $0xb8;
	[tilespmem:$0x1FF68] =	vst v63  }
0x4f: {  	s18 =	simm.s32 $0x0;
	s19 =	simm.s32 $0x200  }
.LBB2_2:
0x50: {  	p0 =	sne.s32 s19, $0x4E00;
	[tilespmem:s18+$0x9E90] =	vst v0  }
0x51: {  	[tilespmem:s18+$0x9E20] =	vst v0  }
0x52: {  	[tilespmem:s18+$0x9E30] =	vst v0  }
.Ltmp0:
0x53: {  	[tilespmem:s18+$0x9E40] =	vst v0;
	(pc) =	sbr.rel @p0 .LBB2_2-.Ltmp0, $4  }
0x54: {  	[tilespmem:s18+$0x9E50] =	vst v0  }
0x55: {  	[tilespmem:s18+$0x9E60] =	vst v0  }
0x56: {  	[tilespmem:s18+$0x9E70] =	vst v0  }
0x57: {  	[tilespmem:s18+$0x9E80] =	vst v0;
	s18 =	sshra.s32 s19, $0x2;
	s19 =	sadd.s32 $0x200, s19  }
0x58: {  	[tilespmem:s18+$0x9E90] =	vst v0  }
0x59: {  	[tilespmem:s18+$0x9E20] =	vst v0  }
0x5a: {  	[tilespmem:s18+$0x9E30] =	vst v0  }
0x5b: {  	[tilespmem:s18+$0x9E40] =	vst v0  }
0x5c: {  	[tilespmem:s18+$0x9E50] =	vst v0  }
0x5d: {  	[tilespmem:s18+$0x9E60] =	vst v0  }
0x5e: {  	[tilespmem:s18+$0x9E70] =	vst v0  }
0x5f: {  	[tilespmem:s18+$0x9E80] =	vst v0;
	s2 =	rddreg [dreg:$0xf]  }
0x60: {  	[spmem:s2] =	stream.linear.scatter [tilespmem:s28], [sflag:$0xC], $0x1400, $0x38;
	[tilespmem:$0x1FF68] =	vst v63  }
0x61: {  	_ =	swait.ge [sflag:s20], $0x1400  }
0x62: {  	[sflag:s20] =	ssyncset.done $0x0  }
0x63: {  	s10 =	rddreg [dreg:$0x10];
	[sflag:s20] =	ssyncadd.s32 $0xFFFFEC00  }
0x64: {  	[spmem:s10] =	stream.linear.scatter [tilespmem:s28], [sflag:$0xC], $0x1400, $0x38;
	[tilespmem:$0x1FF68] =	vst v63  }
0x65: {  	_ =	swait.ge [sflag:s20], $0x1400  }
0x66: {  	[sflag:s20] =	ssyncset.done $0x0  }
0x67: {  	s13 =	rddreg [dreg:$0x11];
	[sflag:s20] =	ssyncadd.s32 $0xFFFFEC00  }
0x68: {  	[spmem:s13] =	stream.linear.scatter [tilespmem:s28], [sflag:$0xC], $0x1400, $0x38;
	[tilespmem:$0x1FF68] =	vst v63  }
0x69: {  	_ =	swait.ge [sflag:s20], $0x1400  }
0x6a: {  	[sflag:s20] =	ssyncset.done $0x0  }
0x6b: {  	s18 =	rddreg [dreg:$0x12];
	[sflag:s20] =	ssyncadd.s32 $0xFFFFEC00  }
0x6c: {  	[spmem:s18] =	stream.linear.scatter [tilespmem:s28], [sflag:$0xC], $0x1400, $0x38;
	[tilespmem:$0x1FF68] =	vst v63  }
0x6d: {  	_ =	swait.ge [sflag:s20], $0x1400  }
0x6e: {  	[sflag:s20] =	ssyncset.done $0x0  }
0x6f: {  	s19 =	rddreg [dreg:$0x13];
	[sflag:s20] =	ssyncadd.s32 $0xFFFFEC00  }
0x70: {  	[spmem:s19] =	stream.linear.scatter [tilespmem:s28], [sflag:$0xC], $0x1400, $0x38;
	[tilespmem:$0x1FF68] =	vst v63  }
0x71: {  	_ =	swait.ge [sflag:s20], $0x1400  }
0x72: {  	[sflag:s20] =	ssyncset.done $0x0  }
0x73: {  	s7 =	rddreg [dreg:$0x14];
	[sflag:s20] =	ssyncadd.s32 $0xFFFFEC00  }
0x74: {  	[spmem:s7] =	stream.linear.scatter [tilespmem:s28], [sflag:$0xC], $0x1400, $0x38;
	[tilespmem:$0x1FF68] =	vst v63  }
0x75: {  	_ =	swait.ge [sflag:s20], $0x1400  }
0x76: {  	[sflag:s20] =	ssyncset.done $0x0  }
0x77: {  	s10 =	rddreg [dreg:$0x15];
	[sflag:s20] =	ssyncadd.s32 $0xFFFFEC00  }
0x78: {  	[spmem:s10] =	stream.linear.scatter [tilespmem:s28], [sflag:$0xC], $0x1400, $0x38;
	[tilespmem:$0x1FF68] =	vst v63  }
0x79: {  	_ =	swait.ge [sflag:s20], $0x1400  }
0x7a: {  	[sflag:s20] =	ssyncset.done $0x0  }
0x7b: {  	s13 =	rddreg [dreg:$0x16];
	[sflag:s20] =	ssyncadd.s32 $0xFFFFEC00  }
0x7c: {  	[spmem:s13] =	stream.linear.scatter [tilespmem:s28], [sflag:$0xC], $0x1400, $0x38;
	[tilespmem:$0x1FF68] =	vst v63  }
0x7d: {  	_ =	swait.ge [sflag:s20], $0x1400  }
0x7e: {  	[sflag:s20] =	ssyncset.done $0x0  }
0x7f: {  	s18 =	rddreg [dreg:$0x17];
	[sflag:s20] =	ssyncadd.s32 $0xFFFFEC00  }
0x80: {  	[spmem:s18] =	stream.linear.scatter [tilespmem:s28], [sflag:$0xC], $0x1400, $0x38;
	[tilespmem:$0x1FF68] =	vst v63  }
0x81: {  	_ =	swait.ge [sflag:s20], $0x1400  }
0x82: {  	[sflag:s20] =	ssyncset.done $0x0  }
0x83: {  	s19 =	rddreg [dreg:$0x18];
	[sflag:s20] =	ssyncadd.s32 $0xFFFFEC00  }
0x84: {  	[spmem:s19] =	stream.linear.scatter [tilespmem:s28], [sflag:$0xC], $0x1400, $0x38;
	[tilespmem:$0x1FF68] =	vst v63  }
0x85: {  	_ =	swait.ge [sflag:s20], $0x1400  }
0x86: {  	[sflag:s20] =	ssyncset.done $0x0  }
0x87: {  	s7 =	rddreg [dreg:$0x19];
	[sflag:s20] =	ssyncadd.s32 $0xFFFFEC00  }
0x88: {  	[spmem:s7] =	stream.linear.scatter [tilespmem:s28], [sflag:$0xC], $0x1400, $0x38;
	[tilespmem:$0x1FF68] =	vst v63  }
0x89: {  	_ =	swait.ge [sflag:s20], $0x1400  }
0x8a: {  	[sflag:s20] =	ssyncset.done $0x0  }
0x8b: {  	s10 =	rddreg [dreg:$0x1a];
	[sflag:s20] =	ssyncadd.s32 $0xFFFFEC00  }
0x8c: {  	[spmem:s10] =	stream.linear.scatter [tilespmem:s28], [sflag:$0xC], $0x1400, $0x38;
	[tilespmem:$0x1FF68] =	vst v63  }
0x8d: {  	_ =	swait.ge [sflag:s20], $0x1400  }
0x8e: {  	[sflag:s20] =	ssyncset.done $0x0  }
0x8f: {  	s13 =	rddreg [dreg:$0x1b];
	[sflag:s20] =	ssyncadd.s32 $0xFFFFEC00  }
0x90: {  	[spmem:s13] =	stream.linear.scatter [tilespmem:s28], [sflag:$0xC], $0x1400, $0x38;
	[tilespmem:$0x1FF68] =	vst v63  }
0x91: {  	_ =	swait.ge [sflag:s20], $0x1400  }
0x92: {  	[sflag:s20] =	ssyncset.done $0x0  }
0x93: {  	s18 =	rddreg [dreg:$0x1c];
	[sflag:s20] =	ssyncadd.s32 $0xFFFFEC00  }
0x94: {  	[spmem:s18] =	stream.linear.scatter [tilespmem:s28], [sflag:$0xC], $0x1400, $0x38;
	[tilespmem:$0x1FF68] =	vst v63  }
0x95: {  	_ =	swait.ge [sflag:s20], $0x1400  }
0x96: {  	[sflag:s20] =	ssyncset.done $0x0  }
0x97: {  	s19 =	rddreg [dreg:$0x1d];
	[sflag:s20] =	ssyncadd.s32 $0xFFFFEC00  }
0x98: {  	[spmem:s19] =	stream.linear.scatter [tilespmem:s28], [sflag:$0xC], $0x1400, $0x38;
	[tilespmem:$0x1FF68] =	vst v63  }
0x99: {  	_ =	swait.ge [sflag:s20], $0x1400  }
0x9a: {  	[sflag:s20] =	ssyncset.done $0x0  }
0x9b: {  	s7 =	rddreg [dreg:$0x9];
	[sflag:s20] =	ssyncadd.s32 $0xFFFFEC00  }
0x9c: {  	[spmem:s7] =	stream.linear.scatter [tilespmem:s28], [sflag:$0xC], $0xC80, $0x38;
	[tilespmem:$0x1FF68] =	vst v63  }
0x9d: {  	_ =	swait.ge [sflag:s20], $0xC80  }
0x9e: {  	[sflag:s20] =	ssyncset.done $0x0  }
0x9f: {  	s18 =	simm.s32 $0x0;
	s10 =	rddreg [dreg:$0x6];
	[sflag:s20] =	ssyncadd.s32 $0xFFFFF380  }
0xa0: {  	[tilespmem:s29], [sflag:$0xC] =	stream.linear.gather [hbm4b:s10+s18], $0x140, $0x38;
	[tilespmem:$0x1FF68] =	vst v63  }
0xa1: {  	_ =	swait.ge [sflag:s20], $0x140  }
0xa2: {  	[sflag:s20] =	ssyncset.done $0x0  }
0xa3: {  	s13 =	rddreg [dreg:$0x1e];
	[sflag:s20] =	ssyncadd.s32 $0xFFFFFEC0  }
0xa4: {  	[spmem:s13] =	stream.linear.scatter [tilespmem:s29], [sflag:$0xC], $0x140, $0x38;
	[tilespmem:$0x1FF68] =	vst v63  }
0xa5: {  	_ =	swait.ge [sflag:s20], $0x140  }
0xa6: {  	[sflag:s20] =	ssyncset.done $0x0  }
0xa7: {  	s19 =	rddreg [dreg:$0x1f];
	[sflag:s20] =	ssyncadd.s32 $0xFFFFFEC0  }
0xa8: {  	[spmem:s19] =	stream.linear.scatter [tilespmem:s29], [sflag:$0xC], $0x140, $0x38;
	[tilespmem:$0x1FF68] =	vst v63  }
0xa9: {  	_ =	swait.ge [sflag:s20], $0x140  }
0xaa: {  	s7 =	sld [smem:$0x7EF]  }
0xab: {  	[sflag:s20] =	ssyncset.done $0x0  }
0xac: {  	[sflag:s20] =	ssyncadd.s32 $0xFFFFFEC0  }
0xad: {  	[spmem:s7] =	stream.linear.scatter [tilespmem:s29], [sflag:$0xC], $0x140, $0x38;
	[tilespmem:$0x1FF68] =	vst v63  }
0xae: {  	_ =	swait.ge [sflag:s20], $0x140  }
0xaf: {  	s10 =	sld [smem:$0x7F0]  }
0xb0: {  	[sflag:s20] =	ssyncset.done $0x0  }
0xb1: {  	[sflag:s20] =	ssyncadd.s32 $0xFFFFFEC0  }
0xb2: {  	[spmem:s10] =	stream.linear.scatter [tilespmem:s29], [sflag:$0xC], $0x140, $0x38;
	[tilespmem:$0x1FF68] =	vst v63  }
0xb3: {  	_ =	swait.ge [sflag:s20], $0x140  }
0xb4: {  	s13 =	sld [smem:$0x7F1]  }
0xb5: {  	[sflag:s20] =	ssyncset.done $0x0  }
0xb6: {  	[sflag:s20] =	ssyncadd.s32 $0xFFFFFEC0  }
0xb7: {  	[spmem:s13] =	stream.linear.scatter [tilespmem:s29], [sflag:$0xC], $0x140, $0x38;
	[tilespmem:$0x1FF68] =	vst v63  }
0xb8: {  	_ =	swait.ge [sflag:s20], $0x140  }
0xb9: {  	s19 =	sld [smem:$0x7F2]  }
0xba: {  	[sflag:s20] =	ssyncset.done $0x0  }
0xbb: {  	[sflag:s20] =	ssyncadd.s32 $0xFFFFFEC0  }
0xbc: {  	[spmem:s19] =	stream.linear.scatter [tilespmem:s29], [sflag:$0xC], $0x140, $0x38;
	[tilespmem:$0x1FF68] =	vst v63  }
0xbd: {  	_ =	swait.ge [sflag:s20], $0x140  }
0xbe: {  	s7 =	sld [smem:$0x7F3]  }
0xbf: {  	[sflag:s20] =	ssyncset.done $0x0  }
0xc0: {  	[sflag:s20] =	ssyncadd.s32 $0xFFFFFEC0  }
0xc1: {  	[spmem:s7] =	stream.linear.scatter [tilespmem:s29], [sflag:$0xC], $0x140, $0x38;
	[tilespmem:$0x1FF68] =	vst v63  }
0xc2: {  	_ =	swait.ge [sflag:s20], $0x140  }
0xc3: {  	s10 =	sld [smem:$0x7F4]  }
0xc4: {  	[sflag:s20] =	ssyncset.done $0x0  }
0xc5: {  	[sflag:s20] =	ssyncadd.s32 $0xFFFFFEC0  }
0xc6: {  	[spmem:s10] =	stream.linear.scatter [tilespmem:s29], [sflag:$0xC], $0x140, $0x38;
	[tilespmem:$0x1FF68] =	vst v63  }
0xc7: {  	_ =	swait.ge [sflag:s20], $0x140  }
0xc8: {  	s13 =	sld [smem:$0x7F5]  }
0xc9: {  	[sflag:s20] =	ssyncset.done $0x0  }
0xca: {  	[sflag:s20] =	ssyncadd.s32 $0xFFFFFEC0  }
0xcb: {  	[spmem:s13] =	stream.linear.scatter [tilespmem:s29], [sflag:$0xC], $0x140, $0x38;
	[tilespmem:$0x1FF68] =	vst v63  }
0xcc: {  	_ =	swait.ge [sflag:s20], $0x140  }
0xcd: {  	s19 =	sld [smem:$0x7F6]  }
0xce: {  	[sflag:s20] =	ssyncset.done $0x0  }
0xcf: {  	[sflag:s20] =	ssyncadd.s32 $0xFFFFFEC0  }
0xd0: {  	[spmem:s19] =	stream.linear.scatter [tilespmem:s29], [sflag:$0xC], $0x140, $0x38;
	[tilespmem:$0x1FF68] =	vst v63  }
0xd1: {  	_ =	swait.ge [sflag:s20], $0x140  }
0xd2: {  	s7 =	sld [smem:$0x7F7]  }
0xd3: {  	[sflag:s20] =	ssyncset.done $0x0  }
0xd4: {  	[sflag:s20] =	ssyncadd.s32 $0xFFFFFEC0  }
0xd5: {  	[spmem:s7] =	stream.linear.scatter [tilespmem:s29], [sflag:$0xC], $0x140, $0x38;
	[tilespmem:$0x1FF68] =	vst v63  }
0xd6: {  	_ =	swait.ge [sflag:s20], $0x140  }
0xd7: {  	s10 =	sld [smem:$0x7F8]  }
0xd8: {  	[sflag:s20] =	ssyncset.done $0x0  }
0xd9: {  	[sflag:s20] =	ssyncadd.s32 $0xFFFFFEC0  }
0xda: {  	[spmem:s10] =	stream.linear.scatter [tilespmem:s29], [sflag:$0xC], $0x140, $0x38;
	[tilespmem:$0x1FF68] =	vst v63  }
0xdb: {  	_ =	swait.ge [sflag:s20], $0x140  }
0xdc: {  	s13 =	sld [smem:$0x7F9]  }
0xdd: {  	[sflag:s20] =	ssyncset.done $0x0  }
0xde: {  	[sflag:s20] =	ssyncadd.s32 $0xFFFFFEC0  }
0xdf: {  	[spmem:s13] =	stream.linear.scatter [tilespmem:s29], [sflag:$0xC], $0x140, $0x38;
	[tilespmem:$0x1FF68] =	vst v63  }
0xe0: {  	_ =	swait.ge [sflag:s20], $0x140  }
0xe1: {  	s19 =	sld [smem:$0x7FA]  }
0xe2: {  	[sflag:s20] =	ssyncset.done $0x0  }
0xe3: {  	[sflag:s20] =	ssyncadd.s32 $0xFFFFFEC0  }
0xe4: {  	[spmem:s19] =	stream.linear.scatter [tilespmem:s29], [sflag:$0xC], $0x140, $0x38;
	[tilespmem:$0x1FF68] =	vst v63  }
0xe5: {  	_ =	swait.ge [sflag:s20], $0x140  }
0xe6: {  	s7 =	sld [smem:$0x7FB]  }
0xe7: {  	[sflag:s20] =	ssyncset.done $0x0  }
0xe8: {  	[sflag:s20] =	ssyncadd.s32 $0xFFFFFEC0  }
0xe9: {  	[spmem:s7] =	stream.linear.scatter [tilespmem:s29], [sflag:$0xC], $0x140, $0x38;
	[tilespmem:$0x1FF68] =	vst v63  }
0xea: {  	_ =	swait.ge [sflag:s20], $0x140  }
0xeb: {  	[sflag:s20] =	ssyncset.done $0x0  }
0xec: {  	s10 =	rddreg [dreg:$0xa];
	[sflag:s20] =	ssyncadd.s32 $0xFFFFFEC0  }
0xed: {  	[spmem:s10] =	stream.linear.scatter [tilespmem:s29], [sflag:$0xC], $0xC8, $0x38;
	[tilespmem:$0x1FF68] =	vst v63  }
0xee: {  	_ =	swait.ge [sflag:s20], $0xC8  }
0xef: {  	[sflag:s20] =	ssyncset.done $0x0  }
0xf0: {  	s13 =	rddreg [dreg:$0xb];
	[sflag:s20] =	ssyncadd.s32 $0xFFFFFF38  }
0xf1: {  	[tilespmem:s29], [sflag:$0xC] =	stream.linear.gather [hbm4b:s13+s18], $0x140, $0x38;
	[tilespmem:$0x1FF68] =	vst v63  }
0xf2: {  	_ =	swait.ge [sflag:s20], $0x140  }
0xf3: {  	[sflag:s20] =	ssyncset.done $0x0  }
0xf4: {  	[sflag:s20] =	ssyncadd.s32 $0xFFFFFEC0  }
0xf5: {  	[bflag:$0x0] =	sbarrier.arrive $0xFFFF  }
0xf6: {  	_ =	swait.ge [sflag:s30], $0x1400  }
0xf7: {  	[sflag:s30] =	ssyncset.done $0x0  }
0xf8: {  	[sflag:s30] =	ssyncadd.s32 $0xFFFFEC00  }
0xf9: {  	[spmem:s3] =	stream.indirect.scatter.add.f32 [tilespmem:s23], [sflag:$0x6], $0x80, s21, s22, $0xb8;
	[tilespmem:$0x1FF68] =	vst v63  }
0xfa: {  	_ = 	snop  }
0xfb: {  	[spmem:s4] =	stream.indirect.scatter.add.f32 [tilespmem:s29], [sflag:$0xB], $0x8, s21, s22, $0xb8;
	[tilespmem:$0x1FF68] =	vst v63  }
0xfc: {  	s19 =	simm.s32 $0xA0  }
0xfd: {  	[tilespmem:s28], [sflag:$0x5] =	stream.indirect.gather [hbm4b:s0+s22], $0x80, s19, s22, $0xb8;
	[tilespmem:$0x1FF68] =	vst v63  }
0xfe: {  	_ =	swait.ge [sflag:s31], $0x1400  }
0xff: {  	[sflag:s31] =	ssyncset.done $0x0  }
0x100: {  	s7 =	simm.s32 $0x2738;
	[sflag:s31] =	ssyncadd.s32 $0xFFFFEC00  }
0x101: {  	[spmem:s3] =	stream.indirect.scatter.add.f32 [tilespmem:s24], [sflag:$0x7], $0x80, s7, s22, $0xb8;
	[tilespmem:$0x1FF68] =	vst v63  }
0x102: {  	_ = 	snop  }
0x103: {  	[spmem:s4] =	stream.indirect.scatter.add.f32 [tilespmem:s29], [sflag:$0xB], $0x8, s7, s22, $0xb8;
	[tilespmem:$0x1FF68] =	vst v63  }
0x104: {  	_ =	swait.ge [sflag:s1], $0x1400  }
0x105: {  	[sflag:s1] =	ssyncset.done $0x0  }
0x106: {  	s10 =	simm.s32 $0xC8;
	[sflag:s1] =	ssyncadd.s32 $0xFFFFEC00  }
0x107: {  	[tilespmem:s23], [sflag:$0x1] =	stream.indirect.gather [hbm4b:s0+s22], $0x80, s10, s22, $0xb8;
	[tilespmem:$0x1FF68] =	vst v63  }
0x108: {  	_ =	swait.ge [sflag:s6], $0x1400  }
0x109: {  	[sflag:s6] =	ssyncset.done $0x0  }
0x10a: {  	s13 =	simm.s32 $0x2760;
	[sflag:s6] =	ssyncadd.s32 $0xFFFFEC00  }
0x10b: {  	[spmem:s3] =	stream.indirect.scatter.add.f32 [tilespmem:s25], [sflag:$0x8], $0x80, s13, s22, $0xb8;
	[tilespmem:$0x1FF68] =	vst v63  }
0x10c: {  	_ = 	snop  }
0x10d: {  	[spmem:s4] =	stream.indirect.scatter.add.f32 [tilespmem:s29], [sflag:$0xB], $0x8, s13, s22, $0xb8;
	[tilespmem:$0x1FF68] =	vst v63  }
0x10e: {  	_ =	swait.ge [sflag:s8], $0x1400  }
0x10f: {  	[sflag:s8] =	ssyncset.done $0x0  }
0x110: {  	s19 =	simm.s32 $0xF0;
	[sflag:s8] =	ssyncadd.s32 $0xFFFFEC00  }
0x111: {  	[tilespmem:s24], [sflag:$0x2] =	stream.indirect.gather [hbm4b:s0+s22], $0x80, s19, s22, $0xb8;
	[tilespmem:$0x1FF68] =	vst v63  }
0x112: {  	_ =	swait.ge [sflag:s9], $0x1400  }
0x113: {  	[sflag:s9] =	ssyncset.done $0x0  }
0x114: {  	s7 =	simm.s32 $0x2788;
	[sflag:s9] =	ssyncadd.s32 $0xFFFFEC00  }
0x115: {  	[spmem:s3] =	stream.indirect.scatter.add.f32 [tilespmem:s26], [sflag:$0x9], $0x80, s7, s22, $0xb8;
	[tilespmem:$0x1FF68] =	vst v63  }
0x116: {  	_ = 	snop  }
0x117: {  	[spmem:s4] =	stream.indirect.scatter.add.f32 [tilespmem:s29], [sflag:$0xB], $0x8, s7, s22, $0xb8;
	[tilespmem:$0x1FF68] =	vst v63  }
0x118: {  	_ =	swait.ge [sflag:s11], $0x1400  }
0x119: {  	[sflag:s11] =	ssyncset.done $0x0  }
0x11a: {  	s10 =	simm.s32 $0x118;
	[sflag:s11] =	ssyncadd.s32 $0xFFFFEC00  }
0x11b: {  	[tilespmem:s25], [sflag:$0x3] =	stream.indirect.gather [hbm4b:s0+s22], $0x80, s10, s22, $0xb8;
	[tilespmem:$0x1FF68] =	vst v63  }
0x11c: {  	_ =	swait.ge [sflag:s12], $0x1400  }
0x11d: {  	[sflag:s12] =	ssyncset.done $0x0  }
0x11e: {  	s13 =	simm.s32 $0x27B0;
	[sflag:s12] =	ssyncadd.s32 $0xFFFFEC00  }
0x11f: {  	[spmem:s3] =	stream.indirect.scatter.add.f32 [tilespmem:s28], [sflag:$0xA], $0x80, s13, s22, $0xb8;
	[tilespmem:$0x1FF68] =	vst v63  }
0x120: {  	_ = 	snop  }
0x121: {  	[spmem:s4] =	stream.indirect.scatter.add.f32 [tilespmem:s29], [sflag:$0xB], $0x8, s13, s22, $0xb8;
	[tilespmem:$0x1FF68] =	vst v63  }
0x122: {  	_ =	swait.ge [sflag:s14], $0x1400  }
0x123: {  	[sflag:s14] =	ssyncset.done $0x0  }
0x124: {  	s19 =	simm.s32 $0x140;
	[sflag:s14] =	ssyncadd.s32 $0xFFFFEC00  }
0x125: {  	[tilespmem:s26], [sflag:$0x4] =	stream.indirect.gather [hbm4b:s0+s22], $0x80, s19, s22, $0xb8;
	[tilespmem:$0x1FF68] =	vst v63  }
.LBB2_4:
0x126: {  	_ =	swait.ge [sflag:s30], $0x1400  }
0x127: {  	s19 =	sshra.s32 s18, $0x2;
	[sflag:s30] =	ssyncset.done $0x0  }
0x128: {  	s2 =	sadd.s32 $0x27D8, s19;
	[sflag:s30] =	ssyncadd.s32 $0xFFFFEC00  }
0x129: {  	[spmem:s3] =	stream.indirect.scatter.add.f32 [tilespmem:s23], [sflag:$0x6], $0x80, s2, s22, $0xb8;
	[tilespmem:$0x1FF68] =	vst v63  }
0x12a: {  	_ = 	snop  }
0x12b: {  	[spmem:s4] =	stream.indirect.scatter.add.f32 [tilespmem:s29], [sflag:$0xB], $0x8, s2, s22, $0xb8;
	[tilespmem:$0x1FF68] =	vst v63  }
0x12c: {  	_ =	swait.ge [sflag:s15], $0x1400  }
0x12d: {  	[sflag:s15] =	ssyncset.done $0x0  }
0x12e: {  	s7 =	sadd.s32 $0x168, s19;
	[sflag:s15] =	ssyncadd.s32 $0xFFFFEC00  }
0x12f: {  	[tilespmem:s28], [sflag:$0x5] =	stream.indirect.gather [hbm4b:s0+s22], $0x80, s7, s22, $0xb8;
	[tilespmem:$0x1FF68] =	vst v63  }
0x130: {  	_ =	swait.ge [sflag:s31], $0x1400  }
0x131: {  	[sflag:s31] =	ssyncset.done $0x0  }
0x132: {  	s10 =	sadd.s32 $0x2800, s19;
	[sflag:s31] =	ssyncadd.s32 $0xFFFFEC00  }
0x133: {  	[spmem:s3] =	stream.indirect.scatter.add.f32 [tilespmem:s24], [sflag:$0x7], $0x80, s10, s22, $0xb8;
	[tilespmem:$0x1FF68] =	vst v63  }
0x134: {  	_ = 	snop  }
0x135: {  	[spmem:s4] =	stream.indirect.scatter.add.f32 [tilespmem:s29], [sflag:$0xB], $0x8, s10, s22, $0xb8;
	[tilespmem:$0x1FF68] =	vst v63  }
0x136: {  	_ =	swait.ge [sflag:s1], $0x1400  }
0x137: {  	p0 =	seq.s32 s18, $0x9600;
	[sflag:s1] =	ssyncset.done $0x0  }
0x138: {  	s2 =	simm.s32 @p0 $0x3;
	[sflag:s1] =	ssyncadd.s32 $0xFFFFEC00  }
0x139: {  	_ =	swait.ge @p0 [sflag:s2], $0x1400  }
0x13a: {  	[sflag:s2] =	ssyncset.done @p0 $0x0  }
0x13b: {  	[sflag:s2] =	ssyncadd.s32 @p0 $0xFFFFEC00;
	s2 =	sshra.s32 @p0 s18, $0x2  }
0x13c: {  	s7 =	simm.s32 @p0 $0x28;
	s10 =	simm.s32 @p0 $0x7620;
	s2 =	sadd.s32 @p0 $0x2828, s2  }
0x13d: {  	[spmem:s3] =	stream.indirect.scatter.add.f32 @p0 [tilespmem:s10], [sflag:$0x8], $0x80, s2, s7, $0xb8;
	[tilespmem:$0x1FF68] =	vst v63  }
0x13e: {  	s10 =	simm.s32 @p0 $0x1EAA0  }
0x13f: {  	[spmem:s4] =	stream.indirect.scatter.add.f32 @p0 [tilespmem:s10], [sflag:$0xB], $0x8, s2, s7, $0xb8;
	[tilespmem:$0x1FF68] =	vst v63  }
0x140: {  	s2 =	simm.s32 @p0 $0x7  }
0x141: {  	_ =	swait.ge @p0 [sflag:s2], $0x1400  }
0x142: {  	[sflag:s2] =	ssyncset.done @p0 $0x0  }
0x143: {  	[sflag:s2] =	ssyncadd.s32 @p0 $0xFFFFEC00;
	s2 =	sshra.s32 @!p0 s18, $0x2  }
0x144: {  	s13 =	simm.s32 @!p0 $0x4E20;
	s10 =	simm.s32 @!p0 $0x28;
	s7 =	sadd.s32 @!p0 $0x190, s2  }
0x145: {  	[tilespmem:s13], [sflag:$0x1] =	stream.indirect.gather @!p0 [hbm4b:s0+s10], $0x80, s7, s10, $0xb8;
	[tilespmem:$0x1FF68] =	vst v63  }
0x146: {  	s7 =	simm.s32 @!p0 $0x3  }
0x147: {  	_ =	swait.ge @!p0 [sflag:s7], $0x1400  }
0x148: {  	[sflag:s7] =	ssyncset.done @!p0 $0x0  }
0x149: {  	s13 =	simm.s32 @!p0 $0x7620;
	[sflag:s7] =	ssyncadd.s32 @!p0 $0xFFFFEC00;
	s7 =	sadd.s32 @!p0 $0x2828, s2  }
0x14a: {  	[spmem:s3] =	stream.indirect.scatter.add.f32 @!p0 [tilespmem:s13], [sflag:$0x8], $0x80, s7, s10, $0xb8;
	[tilespmem:$0x1FF68] =	vst v63  }
0x14b: {  	s13 =	simm.s32 @!p0 $0x1EAA0  }
0x14c: {  	[spmem:s4] =	stream.indirect.scatter.add.f32 @!p0 [tilespmem:s13], [sflag:$0xB], $0x8, s7, s10, $0xb8;
	[tilespmem:$0x1FF68] =	vst v63  }
0x14d: {  	s7 =	simm.s32 @!p0 $0x7  }
0x14e: {  	_ =	swait.ge @!p0 [sflag:s7], $0x1400  }
0x14f: {  	[sflag:s7] =	ssyncset.done @!p0 $0x0  }
0x150: {  	s2 =	sadd.s32 @!p0 $0x1B8, s2;
	[sflag:s7] =	ssyncadd.s32 @!p0 $0xFFFFEC00;
	s7 =	simm.s32 @!p0 $0x6220  }
0x151: {  	[tilespmem:s7], [sflag:$0x2] =	stream.indirect.gather @!p0 [hbm4b:s0+s10], $0x80, s2, s10, $0xb8;
	[tilespmem:$0x1FF68] =	vst v63  }
0x152: {  	_ =	swait.ge [sflag:s9], $0x1400  }
0x153: {  	[sflag:s9] =	ssyncset.done $0x0  }
0x154: {  	s13 =	sadd.s32 $0x2850, s19;
	[sflag:s9] =	ssyncadd.s32 $0xFFFFEC00  }
0x155: {  	[spmem:s3] =	stream.indirect.scatter.add.f32 [tilespmem:s26], [sflag:$0x9], $0x80, s13, s22, $0xb8;
	[tilespmem:$0x1FF68] =	vst v63  }
.Ltmp1:
0x156: {  	_ = 	snop;
	(pc) =	sbr.rel @p0 .LBB2_6-.Ltmp1, $4  }
0x157: {  	[spmem:s4] =	stream.indirect.scatter.add.f32 [tilespmem:s29], [sflag:$0xB], $0x8, s13, s22, $0xb8;
	[tilespmem:$0x1FF68] =	vst v63  }
0x158: {  	_ =	swait.ge [sflag:s11], $0x1400  }
0x159: {  	[sflag:s11] =	ssyncset.done $0x0  }
0x15a: {  	s2 =	sadd.s32 $0x2878, s19;
	[sflag:s11] =	ssyncadd.s32 $0xFFFFEC00  }
0x15b: {  	s7 =	sadd.s32 $0x1E0, s19  }
0x15c: {  	[tilespmem:s25], [sflag:$0x3] =	stream.indirect.gather [hbm4b:s0+s22], $0x80, s7, s22, $0xb8;
	[tilespmem:$0x1FF68] =	vst v63  }
0x15d: {  	_ =	swait.ge [sflag:s12], $0x1400  }
0x15e: {  	[sflag:s12] =	ssyncset.done $0x0  }
0x15f: {  	[sflag:s12] =	ssyncadd.s32 $0xFFFFEC00  }
0x160: {  	[spmem:s3] =	stream.indirect.scatter.add.f32 [tilespmem:s28], [sflag:$0xA], $0x80, s2, s22, $0xb8;
	[tilespmem:$0x1FF68] =	vst v63  }
0x161: {  	_ = 	snop  }
0x162: {  	[spmem:s4] =	stream.indirect.scatter.add.f32 [tilespmem:s29], [sflag:$0xB], $0x8, s2, s22, $0xb8;
	[tilespmem:$0x1FF68] =	vst v63  }
.Ltmp2:
0x163: {  	_ = 	snop;
	(pc) =	sbr.rel .LBB2_4-.Ltmp2, $4  }
0x164: {  	_ =	swait.ge [sflag:s14], $0x1400  }
0x165: {  	[sflag:s14] =	ssyncset.done $0x0  }
0x166: {  	s19 =	sadd.s32 $0x208, s19;
	s18 =	sadd.s32 $0x320, s18;
	[sflag:s14] =	ssyncadd.s32 $0xFFFFEC00  }
0x167: {  	[tilespmem:s26], [sflag:$0x4] =	stream.indirect.gather [hbm4b:s0+s22], $0x80, s19, s22, $0xb8;
	[tilespmem:$0x1FF68] =	vst v63  }
.LBB2_6:
0x168: {  	_ =	swait.ge [sflag:s12], $0x1400  }
0x169: {  	[sflag:s12] =	ssyncset.done $0x0  }
0x16a: {  	[sflag:s12] =	ssyncadd.s32 $0xFFFFEC00  }
0x16b: {  	[spmem:s3] =	stream.indirect.scatter.add.f32 [tilespmem:s28], [sflag:$0xA], $0x80, s2, s22, $0xb8;
	[tilespmem:$0x1FF68] =	vst v63  }
0x16c: {  	_ = 	snop  }
0x16d: {  	[spmem:s4] =	stream.indirect.scatter.add.f32 [tilespmem:s29], [sflag:$0xB], $0x8, s2, s22, $0xb8;
	[tilespmem:$0x1FF68] =	vst v63  }
0x16e: {  	_ =	swait.ge [sflag:s14], $0x1400  }
0x16f: {  	[sflag:s14] =	ssyncset.done $0x0  }
0x170: {  	[sflag:s14] =	ssyncadd.s32 $0xFFFFEC00  }
0x171: {  	_ =	swait.ge [sflag:s15], $0x1400  }
0x172: {  	[sflag:s15] =	ssyncset.done $0x0  }
0x173: {  	[sflag:s15] =	ssyncadd.s32 $0xFFFFEC00  }
0x174: {  	_ =	swait.ge [sflag:s16], $0x140  }
0x175: {  	s18 =	simm.s32 $0xF9;
	[sflag:s16] =	ssyncset.done $0x0  }
.LBB2_7:
0x176: {  	p0 =	sne.s32 s18, $0x1;
	s18 =	sadd.s32 $0xFFFFFFFF, s18;
	[sflag:s16] =	ssyncadd.s32 $0xFFFFFEC0  }
.Ltmp3:
0x177: {  	(pc) =	sbr.rel @p0 .LBB2_7-.Ltmp3, $3  }
0x178: {  	_ =	sdelay $0x1  }
0x179: {  	_ =	swait.ge [sflag:s16], $0x140  }
0x17a: {  	[sflag:s16] =	ssyncset.done $0x0  }
0x17b: {  	[sflag:s16] =	ssyncadd.s32 $0xFFFFFEC0  }
0x17c: {  	[bflag:$0x0] =	sbarrier.arrive $0xFFFF  }
0x17d: {  	s2 =	stileid.u32;
	s10 =	sld [smem:$0x7FC]  }
0x17e: {  	s2 =	sshll.u32 s2, $0x6  }
0x17f: {  	s2 =	sor.u32 $0x1C0C, s2;
	s7 =	rddreg [dreg:$0xc]  }
0x180: {  	[hbm:s7], [sflag:s2] =	dma.local [spmem:s10], $0x2710  }
0x181: {  	_ =	swait.ge [sflag:s20], $0x2710  }
0x182: {  	s18 =	sld [smem:$0x7FD]  }
0x183: {  	[sflag:s20] =	ssyncset.done $0x0  }
0x184: {  	s13 =	rddreg [dreg:$0xd];
	[sflag:s20] =	ssyncadd.s32 $0xFFFFD8F0  }
0x185: {  	[hbm:s13], [sflag:s2] =	dma.local [spmem:s18], $0x271  }
0x186: {  	_ =	swait.ge [sflag:s20], $0x271  }
0x187: {  	s17 =	sadd.s32 $0x1, s17;
	s19 =	rddreg [dreg:$0xe]  }
0x188: {  	p0 =	sne.s32 s17, s19  }
.Ltmp4:
0x189: {  	_ = 	snop;
	(pc) =	sbr.rel @p0 .LBB2_1-.Ltmp4, $3  }
0x18a: {  	_ =	sdelay $0x1  }
0x18b: {  	[sflag:s20] =	ssyncset.done $0x0  }
0x18c: {  	[sflag:s20] =	ssyncadd.s32 $0xFFFFFD8F  }
0x18d: {  	_ =	sfence.sel $0x180000  }
0x18e: {  	[bflag:$0x0] =	sbarrier.arrive $0xFFFF  }
0x18f: {  	_ =	strace $0x90000047  }
0x190: {  	s0 =	stileid.u32;
	[bflag:$0x2] =	sbarrier.arrive $0xFFFF  }
0x191: {  	p0 =	sne.s32 s0, $0x0;
	s0 =	rddreg [dreg:$0x5]  }
0x192: {  	s0 =	sadd.s32 @!p0 $0x100000, s0  }
0x193: {  	[sflag:s0] =	ssyncadd.tile.s32 @!p0 $0x1;
	_ =	shalt  }
.Lfunc_end2:
_tile_overlayer_lowered:
.L_overlay_start_2:
0x194: {  	(tag) =	ssettag $0x2  }
0x195: {  	s0 =	rddreg [dreg:$0x0];
	s2 =	stileid.u32  }
0x196: {  	s1 =	rddreg [dreg:$0x1];
	p0 =	sne.s32 s2, $0x0  }
0x197: {  	s3 =	rddreg [dreg:$0x2];
	[bflag:$0x3] =	sbarrier.arrive $0xFFFF;
	s2 =	simm.s32 @!p0 $0x1C0C  }
0x198: {  	[timem:s3], [sflag:s2] =	dma.local @!p0 [hbm:s0], s1  }
0x199: {  	s0 =	simm.s32 @!p0 $0xC  }
0x19a: {  	_ =	swait.ge @!p0 [sflag:s0], s1  }
0x19b: {  	s1 =	ssub.s32 @!p0 $0x0, s1;
	[sflag:s0] =	ssyncset.done @!p0 $0x0  }
0x19c: {  	[sflag:s0] =	ssyncadd.s32 @!p0 s1  }
0x19d: {  	[bflag:$0x3] =	sbarrier.arrive $0xFFFF  }
0x19e: {  	_ =	shalt  }

// kernel: kernel.9.cloned.1.call-start
scs
__scs_entry_jumppad:
0x0: {  	(pc) =	sbr.rel $0x88, $3  }
0x1: {  	(tag) =	ssettag $0x0;
	lr =	simm.s32 $0x1  }
0x2: {  	[smem:$0x3F99] =	sst lr;
	_ =	strace $0xD0000000  }
0x3: {  	_ = 	snop  }
0x4: {  	_ = 	snop  }
0x5: {  	_ = 	snop  }
0x6: {  	_ = 	snop  }
0x7: {  	_ = 	snop  }
__scs_overlays_trampoline_lowered:
0x8: {  	[smem:$0x3FA8] =	sst s0  }
0x9: {  	[smem:$0x3FA9] =	sst s1  }
0xa: {  	[smem:$0x3FAA] =	sst s2  }
0xb: {  	[smem:$0x3FAB] =	sst s3  }
0xc: {  	[smem:$0x3FAC] =	sst s4  }
0xd: {  	[smem:$0x3FAD] =	sst s5  }
0xe: {  	[smem:$0x3FAE] =	sst s6  }
0xf: {  	[smem:$0x3FAF] =	sst s7  }
0x10: {  	[smem:$0x3FB0] =	sst s8  }
0x11: {  	[smem:$0x3FB1] =	sst s9;
	s0 =	simm.s32 @!p0 $0x0  }
0x12: {  	s1 =	sld [smem:$0x3F97];
	s0 =	simm.s32 @p0 $0x1  }
0x13: {  	[smem:$0x3FB2] =	sst s0;
	s0 =	simm.s32 @!p1 $0x0  }
0x14: {  	s2 =	sld [smem:$0x3F96];
	s0 =	simm.s32 @p1 $0x1  }
0x15: {  	[smem:$0x3FB3] =	sst s0;
	s0 =	simm.s32 @!p2 $0x0  }
0x16: {  	s3 =	sld [smem:$0x3FDB];
	s0 =	simm.s32 @p2 $0x1  }
0x17: {  	s4 =	simm.s32 $0x1BF5;
	[smem:$0x3FB5] =	sst s0  }
0x18: {  	s0 =	sld [smem:$0x3F98];
	_ =	swait.ge [sflag:s4], $0x0  }
0x19: {  	s7 =	sld [smem:$0x3F99]  }
0x1a: {  	s8 =	sadd.s32 $0xFFFFE003, lr  }
0x1b: {  	s9 =	sadd.s32 $0xFFFFFEF7, lr;
	s5 =	simm.s32 $0xFFFFFFFF;
	p2 =	slt.u32 s8, $0xFFFFF086  }
0x1c: {  	p1 =	slt.u32 s9, $0xF7A;
	s5 =	simm.s32 @!p2 $0x0  }
0x1d: {  	s5 =	simm.s32 @p1 $0x1;
	p0 =	seq.s32 s7, s2  }
0x1e: {  	s7 =	smul.u32 @!p0 $0xF7A, s2;
	p2 =	seq.s32 @!p0 s5, $0x0  }
0x1f: {  	s9 =	smul.u32 $0xF7A, s1;
	s8 =	simm.s32 @!p0 $0x1BF5;
	p2 =	por !p2, p0  }
0x20: {  	[sflag:s8] =	ssyncset.s32 @!p0 $0xFFFFF086;
	s6 =	sadd.s32 @!p0 s3, s7;
	s7 =	simm.s32 @!p0 $0x108  }
0x21: {  	s3 =	sadd.s32 s3, s9;
	s6 =	sadd.s32 @!p0 $0x88, s6;
	s7 =	simm.s32 @p2 $0x1082  }
0x22: {  	[simem:s7], [sflag:s8] =	dma.local @!p0 [hbm:s6], $0xF7A  }
0x23: {  	s9 =	sor.u32 $0xD0000000, s2;
	s6 =	simm.s32 $0x108;
	_ =	swait.ge @!p0 [sflag:s8], $0x0  }
0x24: {  	s3 =	sadd.s32 $0x88, s3;
	s6 =	simm.s32 @!p1 $0x1082;
	[sflag:s4] =	ssyncset.s32 $0xFFFFF086  }
0x25: {  	[simem:s6], [sflag:s4] =	dma.local [hbm:s3], $0xF7A  }
0x26: {  	[smem:$0x3F99] =	sst s1;
	(tag) =	ssettag s2;
	_ =	strace s9  }
0x27: {  	s1 =	sld [smem:$0x3FA9]  }
0x28: {  	s2 =	sld [smem:$0x3FAA]  }
0x29: {  	s4 =	sld [smem:$0x3FAC]  }
0x2a: {  	p0 =	seq.s32 s5, $0x0;
	s5 =	sld [smem:$0x3FAD]  }
0x2b: {  	s6 =	sld [smem:$0x3FAE]  }
0x2c: {  	s7 =	sld [smem:$0x3FAF]  }
0x2d: {  	s3 =	simm.s32 $0x108;
	s8 =	sld [smem:$0x3FB0]  }
0x2e: {  	s3 =	simm.s32 @!p0 $0x1082;
	s9 =	sld [smem:$0x3FB1]  }
0x2f: {  	lr =	sadd.s32 s0, s3;
	s0 =	sld [smem:$0x3FA8]  }
0x30: {  	s3 =	sld [smem:$0x3FAB]  }
0x31: {  	[smem:$0x3FB4] =	sst s10  }
0x32: {  	s10 =	sld [smem:$0x3FB2];
	_ =	sdelay $0x3  }
0x33: {  	p0 =	seq.s32 s10, $0x1;
	s10 =	sld [smem:$0x3FB4];
	_ =	sdelay $0x3  }
0x34: {  	[smem:$0x3FB4] =	sst s10  }
0x35: {  	s10 =	sld [smem:$0x3FB3];
	_ =	sdelay $0x3  }
0x36: {  	p1 =	seq.s32 s10, $0x1;
	s10 =	sld [smem:$0x3FB4];
	_ =	sdelay $0x3  }
0x37: {  	[smem:$0x3FB4] =	sst s10  }
0x38: {  	s10 =	sld [smem:$0x3FB5]  }
0x39: {  	_ = 	snop;
	(pc) =	sbr.ind lr, $3  }
0x3a: {  	_ = 	snop  }
0x3b: {  	_ = 	snop  }
0x3c: {  	p2 =	seq.s32 s10, $0x1;
	s10 =	sld [smem:$0x3FB4]  }
0x3d: {  	_ =	shalt  }
0x3e: {  	_ =	shalt  }
0x3f: {  	_ =	shalt  }
0x40: {  	_ =	shalt  }
0x41: {  	_ =	shalt  }
0x42: {  	_ =	shalt  }
0x43: {  	_ =	shalt  }
0x44: {  	_ =	shalt  }
0x45: {  	_ =	shalt  }
0x46: {  	_ =	shalt  }
0x47: {  	_ =	shalt  }
0x48: {  	_ =	shalt  }
0x49: {  	_ =	shalt  }
0x4a: {  	_ =	shalt  }
0x4b: {  	_ =	shalt  }
0x4c: {  	_ =	shalt  }
0x4d: {  	_ =	shalt  }
0x4e: {  	_ =	shalt  }
0x4f: {  	_ =	shalt  }
0x50: {  	_ =	shalt  }
0x51: {  	_ =	shalt  }
0x52: {  	_ =	shalt  }
0x53: {  	_ =	shalt  }
0x54: {  	_ =	shalt  }
0x55: {  	_ =	shalt  }
0x56: {  	_ =	shalt  }
0x57: {  	_ =	shalt  }
0x58: {  	_ =	shalt  }
0x59: {  	_ =	shalt  }
0x5a: {  	_ =	shalt  }
0x5b: {  	_ =	shalt  }
0x5c: {  	_ =	shalt  }
0x5d: {  	_ =	shalt  }
0x5e: {  	_ =	shalt  }
0x5f: {  	_ =	shalt  }
0x60: {  	_ =	shalt  }
0x61: {  	_ =	shalt  }
0x62: {  	_ =	shalt  }
0x63: {  	_ =	shalt  }
0x64: {  	_ =	shalt  }
0x65: {  	_ =	shalt  }
0x66: {  	_ =	shalt  }
0x67: {  	_ =	shalt  }
0x68: {  	_ =	shalt  }
0x69: {  	_ =	shalt  }
0x6a: {  	_ =	shalt  }
0x6b: {  	_ =	shalt  }
0x6c: {  	_ =	shalt  }
0x6d: {  	_ =	shalt  }
0x6e: {  	_ =	shalt  }
0x6f: {  	_ =	shalt  }
0x70: {  	_ =	shalt  }
0x71: {  	_ =	shalt  }
0x72: {  	_ =	shalt  }
0x73: {  	_ =	shalt  }
0x74: {  	_ =	shalt  }
0x75: {  	_ =	shalt  }
0x76: {  	_ =	shalt  }
0x77: {  	_ =	shalt  }
0x78: {  	_ =	shalt  }
0x79: {  	_ =	shalt  }
0x7a: {  	_ =	shalt  }
0x7b: {  	_ =	shalt  }
0x7c: {  	_ =	shalt  }
0x7d: {  	_ =	shalt  }
0x7e: {  	_ =	shalt  }
0x7f: {  	_ =	shalt  }
0x80: {  	_ =	shalt  }
0x81: {  	_ =	shalt  }
0x82: {  	_ =	shalt  }
0x83: {  	_ =	shalt  }
0x84: {  	_ =	shalt  }
0x85: {  	_ =	shalt  }
0x86: {  	_ =	shalt  }
0x87: {  	_ =	shalt  }
.Lfunc_end0:
.L_simem_size_0:
called_computation.1_lowered:
.L_overlay_start_0:
0x88: {  	s2 =	sld [smem:$0x3FD9]  }
0x89: {  	s3 =	sld [smem:$0x3FFE];
	_ =	sdelay $0x1  }
0x8a: {  	s1 =	srdreg.scid  }
0x8b: {  	s0 =	sand.u32 $0x1, s1  }
0x8c: {  	s17 =	sshll.u32 s0, $0xA;
	s2 =	sadd.s32 s3, s2  }
0x8d: {  	s2 =	sadd.s32 s2, s17  }
0x8e: {  	[smem:$0x3FC0] =	sst s2  }
0x8f: {  	_ = 	snop  }
0x90: {  	s2 =	sld [smem:$0x3FD0];
	(tm) =	ssettm $0x1  }
0x91: {  	s18 =	sld [smem:$0x3FFB];
	_ =	sdelay $0x3  }
0x92: {  	_ =	strace s18  }
0x93: {  	s3 =	sld [smem:$0x3FFC];
	_ =	sdelay $0x3  }
0x94: {  	_ =	strace s3  }
0x95: {  	s3 =	sld [smem:$0x3FFD];
	_ =	sdelay $0x3  }
0x96: {  	_ =	strace s3  }
0x97: {  	_ =	strace $0x8FFFFFFF  }
0x98: {  	s19 =	sld [smem:$0x3FDB];
	_ =	sdelay $0x1  }
0x99: {  	s4 =	simm.s32 $_scs_section_size  }
0x9a: {  	s5 =	simm.s32 $_size__tile_overlayer_lowered;
	s6 =	simm.s32 $_tile_overlayer_lowered  }
0x9b: {  	s22 =	simm.s32 $0x1BFF;
	s21 =	sshll.u32 s6, $0x1;
	s3 =	sadd.s32 s4, s19  }
0x9c: {  	s7 =	simm.s32 $0x0;
	s20 =	sshll.u32 s5, $0x1;
	s5 =	sadd.s32 s21, s3  }
0x9d: {  	[timem:s7], [sflag:s22] =	dma.local [hbm:s5], s20  }
0x9e: {  	_ =	swait.ge [sflag:s22], s20  }
0x9f: {  	s4 =	ssub.s32 $0x0, s20;
	[sflag:s22] =	ssyncset.done $0x0  }
0xa0: {  	[sflag:s22] =	ssyncadd.s32 s4;
	_ =	sdelay $0x1  }
0xa1: {  	s23 =	simm.s32 $0x1B8B  }
0xa2: {  	_ =	swait.ge [sflag:s23], $0x1  }
0xa3: {  	[sflag:s23] =	ssyncset.done $0x0  }
0xa4: {  	s25 =	simm.s32 $0x1B8E;
	s24 =	sld [smem:$0x3FFE];
	[sflag:s23] =	ssyncadd.s32 $0xFFFFFFFF  }
0xa5: {  	s26 =	simm.s32 $execute0_lowered;
	[smem:$0x3FD2] =	sst s25  }
0xa6: {  	s5 =	sshll.u32 s26, $0x1;
	_ =	strace $0x80000049;
	[dreg:$0x1] =	wrdreg $0xFFFFFFFF  }
0xa7: {  	s28 =	simm.s32 $_size_execute0_lowered;
	s3 =	sadd.s32 s3, s5;
	[dreg:$0x0] =	wrdreg $0x0  }
0xa8: {  	s5 =	sshll.u32 s28, $0x1;
	[dreg:$0x2] =	wrdreg s3  }
0xa9: {  	[dreg:$0x3] =	wrdreg s5  }
0xaa: {  	[dreg:$0x4] =	wrdreg $0xC0  }
0xab: {  	_ =	task [dreg:s7], $0x5FFFF  }
0xac: {  	[dreg:$0x1] =	wrdreg $0xFFFFFFFF  }
0xad: {  	[dreg:$0x0] =	wrdreg $0x60  }
0xae: {  	[dreg:$0x2] =	wrdreg s2  }
0xaf: {  	[dreg:$0x3] =	wrdreg s24  }
0xb0: {  	[dreg:$0x4] =	wrdreg $0xB2200  }
0xb1: {  	[dreg:$0x5] =	wrdreg $0x9  }
0xb2: {  	_ =	task.clear_ibuf [dreg:s7], $0x6FFFF;
	_ =	strace $0x90000049  }
0xb3: {  	s29 =	simm.s32 $0x9;
	_ =	strace $0x8000004B  }
0xb4: {  	_ =	swait.ge [sflag:s29], $0x1  }
0xb5: {  	[sflag:s29] =	ssyncadd.s32 $0xFFFFFFFF  }
0xb6: {  	_ =	strace $0x9000004B  }
0xb7: {  	_ =	sfence  }
0xb8: {  	s30 =	sld [smem:$0x0];
	_ =	sdelay $0x2  }
0xb9: {  	s31 =	sshll.u32 s1, $0xD;
	s1 =	sshrl.u32 s1, $0x2  }
0xba: {  	s3 =	sand.u32 $0x4000, s31;
	s1 =	sadd.s32 s1, s30  }
0xbb: {  	s0 =	sor.u32 s3, s0;
	s1 =	sshll.u32 s1, $0x11  }
0xbc: {  	s0 =	sor.u32 s1, s0  }
0xbd: {  	s0 =	sadd.s32 $0x8F2B, s0  }
0xbe: {  	[sflag:s0] =	ssyncadd.remote.s32 $0x1  }
0xbf: {  	_ =	sfence.sel $0xFFFF  }
0xc0: {  	[dreg:$0x0] =	wrdreg $0xFFFFFFFF;
	(pc) =	sbr.abs _section_cstart, $3  }
0xc1: {  	[dreg:$0x1] =	wrdreg $0xFFFFFFFF  }
0xc2: {  	_ =	task.clear_ibuf [dreg:s7], $0x2FFFF;
	_ =	strace $0x9FFFFFFF  }
0xc3: {  	(tm) =	ssettm $0x7FFFFFFF  }
tec
execute0_lowered:
.L_overlay_start_1:
0x0: {  	(tag) =	ssettag $0x1  }
0x1: {  	s1 =	rddreg [dreg:$0x0]  }
0x2: {  	s0 =	srdreg.scid;
	s5 =	rddreg [dreg:$0x1]  }
0x3: {  	s8 =	stileid.u32;
	s3 =	rddreg [dreg:$0x2]  }
0x4: {  	s4 =	simm.s32 $0x0;
	s0 =	sand.u32 $0x1, s0;
	s7 =	smul.u32 $0x13880, s8  }
0x5: {  	[smem:$0x7FF] =	sst s4;
	s2 =	sshll.u32 s0, $0x4;
	s6 =	smul.u32 $0x138800, s0  }
0x6: {  	s0 =	ssub.s32 $0x2, s0;
	s2 =	sor.u32 s8, s2;
	s8 =	smul.u32 $0x4E200, s8  }
0x7: {  	s9 =	sshrl.u32 s0, $0x1;
	s2 =	smul.u32 $0x4E2, s2;
	s6 =	sadd.s32 s7, s6  }
0x8: {  	_ =	strace $0x8000004A;
	s0 =	ssub.s32 s0, s9;
	s6 =	sshrl.u32 s6, $0x3  }
0x9: {  	s8 =	sshrl.u32 s8, $0x2;
	s0 =	smax.u32 s0, $0x1;
	s2 =	sadd.s32 s2, s5  }
0xa: {  	s6 =	sadd.s32 s6, s5;
	[dreg:$0x8] =	wrdreg s0;
	s12 =	sadd.s32 $0xC600, s2  }
0xb: {  	s5 =	sadd.s32 s8, s3;
	s2 =	sadd.s32 $0x2800, s2;
	[dreg:$0x4] =	wrdreg s12  }
0xc: {  	s13 =	sadd.s32 $0x12C00, s5;
	[dreg:$0x5] =	wrdreg s2  }
0xd: {  	s14 =	sadd.s32 $0x16400, s6;
	[dreg:$0x6] =	wrdreg s13  }
0xe: {  	s16 =	sadd.s32 $0x1400, s5;
	[dreg:$0x7] =	wrdreg s14  }
0xf: {  	s17 =	sadd.s32 $0x2800, s5;
	[dreg:$0x9] =	wrdreg s16  }
0x10: {  	s29 =	simm.s32 $0x28;
	s18 =	sadd.s32 $0x3C00, s5;
	[dreg:$0xa] =	wrdreg s17  }
0x11: {  	s30 =	simm.s32 $0x4E20;
	s19 =	sadd.s32 $0x5000, s5;
	[dreg:$0xb] =	wrdreg s18  }
0x12: {  	s31 =	simm.s32 $0x6220;
	s20 =	sadd.s32 $0x6400, s5;
	[dreg:$0xc] =	wrdreg s19  }
0x13: {  	s10 =	simm.s32 $0x3;
	s21 =	sadd.s32 $0x7800, s5;
	[dreg:$0xd] =	wrdreg s20  }
0x14: {  	s11 =	simm.s32 $0x7;
	s22 =	sadd.s32 $0x8C00, s5;
	[dreg:$0xe] =	wrdreg s21  }
0x15: {  	s15 =	sadd.s32 s7, s3;
	s23 =	sadd.s32 $0xA000, s5;
	[dreg:$0xf] =	wrdreg s22  }
0x16: {  	s7 =	simm.s32 $0x1;
	s24 =	sadd.s32 $0xB400, s5;
	[dreg:$0x10] =	wrdreg s23  }
0x17: {  	s9 =	simm.s32 $0x6;
	s25 =	sadd.s32 $0xC800, s5;
	[dreg:$0x11] =	wrdreg s24  }
0x18: {  	s0 =	simm.s32 $0x7620;
	s26 =	sadd.s32 $0xDC00, s5;
	[dreg:$0x12] =	wrdreg s25  }
0x19: {  	s8 =	simm.s32 $0x2;
	s28 =	sadd.s32 $0xF000, s5;
	[dreg:$0x13] =	wrdreg s26  }
.Ltmp0:
0x1a: {  	s6 =	simm.s32 $0x9E20;
	[dreg:$0x14] =	wrdreg s28;
	(pc) =	sbr.rel .LBB2_1-.Ltmp0, $4  }
0x1b: {  	s23 =	sadd.s32 $0x10400, s5;
	s24 =	sadd.s32 $0x11800, s5;
	s25 =	sshrl.u32 s15, $0x3  }
0x1c: {  	s26 =	simm.s32 $0xB;
	s20 =	simm.s32 $0x2710;
	s2 =	simm.s32 $0x8A20  }
0x1d: {  	s12 =	simm.s32 $0x4;
	s13 =	simm.s32 $0x8;
	s14 =	simm.s32 $0x5  }
0x1e: {  	v0 =	vimm.f32 $0.0e+00;
	s15 =	simm.s32 $0x9;
	s16 =	simm.s32 $0xA;
	s17 =	simm.s32 $0x0  }
.LBB2_6:
0x1f: {  	_ =	swait.ge [sflag:s14], $0x1400  }
0x20: {  	[sflag:s14] =	ssyncset.done $0x0  }
0x21: {  	[sflag:s14] =	ssyncadd.s32 $0xFFFFEC00  }
0x22: {  	[spmem:s3] =	stream.indirect.scatter.add.f32 [tilespmem:s6], [sflag:$0xA], $0x80, s20, s29, $0xb8;
	[tilespmem:$0x1EAA0] =	vst v63  }
0x23: {  	_ =	swait.ge [sflag:s15], $0x1400  }
0x24: {  	[sflag:s15] =	ssyncset.done $0x0  }
0x25: {  	[sflag:s15] =	ssyncadd.s32 $0xFFFFEC00  }
0x26: {  	_ =	swait.ge [sflag:s16], $0x1400  }
0x27: {  	[sflag:s16] =	ssyncset.done $0x0  }
0x28: {  	s18 =	stileid.u32;
	[sflag:s16] =	ssyncadd.s32 $0xFFFFEC00  }
0x29: {  	s18 =	sshll.u32 s18, $0x6;
	[bflag:$0x0] =	sbarrier.arrive $0xFFFF  }
0x2a: {  	s18 =	sor.u32 $0x1C0B, s18;
	s19 =	rddreg [dreg:$0x7]  }
0x2b: {  	[hbm:s19], [sflag:s18] =	dma.local [spmem:s25], $0x2710  }
0x2c: {  	_ =	swait.ge [sflag:s26], $0x2710  }
0x2d: {  	s17 =	sadd.s32 $0x1, s17;
	s28 =	rddreg [dreg:$0x8]  }
0x2e: {  	p0 =	sne.s32 s17, s28  }
.Ltmp1:
0x2f: {  	_ = 	snop;
	(pc) =	sbr.rel @!p0 .LBB2_7-.Ltmp1, $3  }
0x30: {  	_ =	sdelay $0x1  }
0x31: {  	[sflag:s26] =	ssyncset.done $0x0  }
0x32: {  	s20 =	simm.s32 $0x2710;
	[sflag:s26] =	ssyncadd.s32 $0xFFFFD8F0  }
.LBB2_1:
0x33: {  	s18 =	rddreg [dreg:$0x4]  }
0x34: {  	[tilespmem:s4], [sflag:$0xB] =	stream.linear.gather [hbm4b:s18+s4], $0x2710, $0x38;
	[tilespmem:$0x1EAA0] =	vst v63  }
0x35: {  	_ =	swait.ge [sflag:s26], $0x2710  }
0x36: {  	[sflag:s26] =	ssyncset.done $0x0  }
0x37: {  	s21 =	rddreg [dreg:$0x5];
	[sflag:s26] =	ssyncadd.s32 $0xFFFFD8F0  }
0x38: {  	[tilespmem:s20], [sflag:$0xB] =	stream.linear.gather [hbm4b:s21+s4], $0x2710, $0x38;
	[tilespmem:$0x1EAA0] =	vst v63  }
0x39: {  	_ =	swait.ge [sflag:s26], $0x2710  }
0x3a: {  	[sflag:s26] =	ssyncset.done $0x0  }
0x3b: {  	[sflag:s26] =	ssyncadd.s32 $0xFFFFD8F0  }
0x3c: {  	[tilespmem:s30], [sflag:$0x1] =	stream.indirect.gather [hbm4b:s1+s29], $0x80, s4, s29, $0xb8;
	[tilespmem:$0x1EAA0] =	vst v63  }
0x3d: {  	_ = 	snop  }
0x3e: {  	[tilespmem:s31], [sflag:$0x2] =	stream.indirect.gather [hbm4b:s1+s29], $0x80, s29, s29, $0xb8;
	[tilespmem:$0x1EAA0] =	vst v63  }
0x3f: {  	s22 =	simm.s32 $0x50  }
0x40: {  	[tilespmem:s0], [sflag:$0x3] =	stream.indirect.gather [hbm4b:s1+s29], $0x80, s22, s29, $0xb8;
	[tilespmem:$0x1EAA0] =	vst v63  }
0x41: {  	s28 =	simm.s32 $0x78;
	s19 =	simm.s32 $0x200;
	s18 =	simm.s32 $0x0  }
0x42: {  	[tilespmem:s2], [sflag:$0x4] =	stream.indirect.gather [hbm4b:s1+s29], $0x80, s28, s29, $0xb8;
	[tilespmem:$0x1EAA0] =	vst v63  }
.LBB2_2:
0x43: {  	p0 =	sne.s32 s19, $0x4E00;
	[tilespmem:s18+$0x9E90] =	vst v0  }
0x44: {  	[tilespmem:s18+$0x9E20] =	vst v0  }
0x45: {  	[tilespmem:s18+$0x9E30] =	vst v0  }
.Ltmp2:
0x46: {  	[tilespmem:s18+$0x9E40] =	vst v0;
	(pc) =	sbr.rel @p0 .LBB2_2-.Ltmp2, $4  }
0x47: {  	[tilespmem:s18+$0x9E50] =	vst v0  }
0x48: {  	[tilespmem:s18+$0x9E60] =	vst v0  }
0x49: {  	[tilespmem:s18+$0x9E70] =	vst v0  }
0x4a: {  	[tilespmem:s18+$0x9E80] =	vst v0;
	s18 =	sshra.s32 s19, $0x2;
	s19 =	sadd.s32 $0x200, s19  }
0x4b: {  	[tilespmem:s18+$0x9E90] =	vst v0  }
0x4c: {  	[tilespmem:s18+$0x9E20] =	vst v0  }
0x4d: {  	[tilespmem:s18+$0x9E30] =	vst v0  }
0x4e: {  	[tilespmem:s18+$0x9E40] =	vst v0  }
0x4f: {  	[tilespmem:s18+$0x9E50] =	vst v0  }
0x50: {  	[tilespmem:s18+$0x9E60] =	vst v0  }
0x51: {  	[tilespmem:s18+$0x9E70] =	vst v0  }
0x52: {  	[tilespmem:s18+$0x9E80] =	vst v0  }
0x53: {  	[spmem:s5] =	stream.linear.scatter [tilespmem:s6], [sflag:$0xB], $0x1400, $0x38;
	[tilespmem:$0x1EAA0] =	vst v63  }
0x54: {  	_ =	swait.ge [sflag:s26], $0x1400  }
0x55: {  	[sflag:s26] =	ssyncset.done $0x0  }
0x56: {  	s19 =	rddreg [dreg:$0x9];
	[sflag:s26] =	ssyncadd.s32 $0xFFFFEC00  }
0x57: {  	[spmem:s19] =	stream.linear.scatter [tilespmem:s6], [sflag:$0xB], $0x1400, $0x38;
	[tilespmem:$0x1EAA0] =	vst v63  }
0x58: {  	_ =	swait.ge [sflag:s26], $0x1400  }
0x59: {  	[sflag:s26] =	ssyncset.done $0x0  }
0x5a: {  	s21 =	rddreg [dreg:$0xa];
	[sflag:s26] =	ssyncadd.s32 $0xFFFFEC00  }
0x5b: {  	[spmem:s21] =	stream.linear.scatter [tilespmem:s6], [sflag:$0xB], $0x1400, $0x38;
	[tilespmem:$0x1EAA0] =	vst v63  }
0x5c: {  	_ =	swait.ge [sflag:s26], $0x1400  }
0x5d: {  	[sflag:s26] =	ssyncset.done $0x0  }
0x5e: {  	s22 =	rddreg [dreg:$0xb];
	[sflag:s26] =	ssyncadd.s32 $0xFFFFEC00  }
0x5f: {  	[spmem:s22] =	stream.linear.scatter [tilespmem:s6], [sflag:$0xB], $0x1400, $0x38;
	[tilespmem:$0x1EAA0] =	vst v63  }
0x60: {  	_ =	swait.ge [sflag:s26], $0x1400  }
0x61: {  	[sflag:s26] =	ssyncset.done $0x0  }
0x62: {  	s28 =	rddreg [dreg:$0xc];
	[sflag:s26] =	ssyncadd.s32 $0xFFFFEC00  }
0x63: {  	[spmem:s28] =	stream.linear.scatter [tilespmem:s6], [sflag:$0xB], $0x1400, $0x38;
	[tilespmem:$0x1EAA0] =	vst v63  }
0x64: {  	_ =	swait.ge [sflag:s26], $0x1400  }
0x65: {  	[sflag:s26] =	ssyncset.done $0x0  }
0x66: {  	s19 =	rddreg [dreg:$0xd];
	[sflag:s26] =	ssyncadd.s32 $0xFFFFEC00  }
0x67: {  	[spmem:s19] =	stream.linear.scatter [tilespmem:s6], [sflag:$0xB], $0x1400, $0x38;
	[tilespmem:$0x1EAA0] =	vst v63  }
0x68: {  	_ =	swait.ge [sflag:s26], $0x1400  }
0x69: {  	[sflag:s26] =	ssyncset.done $0x0  }
0x6a: {  	s21 =	rddreg [dreg:$0xe];
	[sflag:s26] =	ssyncadd.s32 $0xFFFFEC00  }
0x6b: {  	[spmem:s21] =	stream.linear.scatter [tilespmem:s6], [sflag:$0xB], $0x1400, $0x38;
	[tilespmem:$0x1EAA0] =	vst v63  }
0x6c: {  	_ =	swait.ge [sflag:s26], $0x1400  }
0x6d: {  	[sflag:s26] =	ssyncset.done $0x0  }
0x6e: {  	s22 =	rddreg [dreg:$0xf];
	[sflag:s26] =	ssyncadd.s32 $0xFFFFEC00  }
0x6f: {  	[spmem:s22] =	stream.linear.scatter [tilespmem:s6], [sflag:$0xB], $0x1400, $0x38;
	[tilespmem:$0x1EAA0] =	vst v63  }
0x70: {  	_ =	swait.ge [sflag:s26], $0x1400  }
0x71: {  	[sflag:s26] =	ssyncset.done $0x0  }
0x72: {  	s28 =	rddreg [dreg:$0x10];
	[sflag:s26] =	ssyncadd.s32 $0xFFFFEC00  }
0x73: {  	[spmem:s28] =	stream.linear.scatter [tilespmem:s6], [sflag:$0xB], $0x1400, $0x38;
	[tilespmem:$0x1EAA0] =	vst v63  }
0x74: {  	_ =	swait.ge [sflag:s26], $0x1400  }
0x75: {  	[sflag:s26] =	ssyncset.done $0x0  }
0x76: {  	s19 =	rddreg [dreg:$0x11];
	[sflag:s26] =	ssyncadd.s32 $0xFFFFEC00  }
0x77: {  	[spmem:s19] =	stream.linear.scatter [tilespmem:s6], [sflag:$0xB], $0x1400, $0x38;
	[tilespmem:$0x1EAA0] =	vst v63  }
0x78: {  	_ =	swait.ge [sflag:s26], $0x1400  }
0x79: {  	[sflag:s26] =	ssyncset.done $0x0  }
0x7a: {  	s21 =	rddreg [dreg:$0x12];
	[sflag:s26] =	ssyncadd.s32 $0xFFFFEC00  }
0x7b: {  	[spmem:s21] =	stream.linear.scatter [tilespmem:s6], [sflag:$0xB], $0x1400, $0x38;
	[tilespmem:$0x1EAA0] =	vst v63  }
0x7c: {  	_ =	swait.ge [sflag:s26], $0x1400  }
0x7d: {  	[sflag:s26] =	ssyncset.done $0x0  }
0x7e: {  	s22 =	rddreg [dreg:$0x13];
	[sflag:s26] =	ssyncadd.s32 $0xFFFFEC00  }
0x7f: {  	[spmem:s22] =	stream.linear.scatter [tilespmem:s6], [sflag:$0xB], $0x1400, $0x38;
	[tilespmem:$0x1EAA0] =	vst v63  }
0x80: {  	_ =	swait.ge [sflag:s26], $0x1400  }
0x81: {  	[sflag:s26] =	ssyncset.done $0x0  }
0x82: {  	s28 =	rddreg [dreg:$0x14];
	[sflag:s26] =	ssyncadd.s32 $0xFFFFEC00  }
0x83: {  	[spmem:s28] =	stream.linear.scatter [tilespmem:s6], [sflag:$0xB], $0x1400, $0x38;
	[tilespmem:$0x1EAA0] =	vst v63  }
0x84: {  	_ =	swait.ge [sflag:s26], $0x1400  }
0x85: {  	[sflag:s26] =	ssyncset.done $0x0  }
0x86: {  	[sflag:s26] =	ssyncadd.s32 $0xFFFFEC00  }
0x87: {  	[spmem:s23] =	stream.linear.scatter [tilespmem:s6], [sflag:$0xB], $0x1400, $0x38;
	[tilespmem:$0x1EAA0] =	vst v63  }
0x88: {  	_ =	swait.ge [sflag:s26], $0x1400  }
0x89: {  	[sflag:s26] =	ssyncset.done $0x0  }
0x8a: {  	[sflag:s26] =	ssyncadd.s32 $0xFFFFEC00  }
0x8b: {  	[spmem:s24] =	stream.linear.scatter [tilespmem:s6], [sflag:$0xB], $0x1400, $0x38;
	[tilespmem:$0x1EAA0] =	vst v63  }
0x8c: {  	_ =	swait.ge [sflag:s26], $0x1400  }
0x8d: {  	[sflag:s26] =	ssyncset.done $0x0  }
0x8e: {  	s19 =	rddreg [dreg:$0x6];
	[sflag:s26] =	ssyncadd.s32 $0xFFFFEC00  }
0x8f: {  	[spmem:s19] =	stream.linear.scatter [tilespmem:s6], [sflag:$0xB], $0xC80, $0x38;
	[tilespmem:$0x1EAA0] =	vst v63  }
0x90: {  	_ =	swait.ge [sflag:s26], $0xC80  }
0x91: {  	[sflag:s26] =	ssyncset.done $0x0  }
0x92: {  	[sflag:s26] =	ssyncadd.s32 $0xFFFFF380  }
0x93: {  	[bflag:$0x0] =	sbarrier.arrive $0xFFFF  }
0x94: {  	_ =	swait.ge [sflag:s7], $0x1400  }
0x95: {  	[sflag:s7] =	ssyncset.done $0x0  }
0x96: {  	[sflag:s7] =	ssyncadd.s32 $0xFFFFEC00  }
0x97: {  	[spmem:s3] =	stream.indirect.scatter.add.f32 [tilespmem:s30], [sflag:$0x6], $0x80, s20, s29, $0xb8;
	[tilespmem:$0x1EAA0] =	vst v63  }
0x98: {  	s20 =	simm.s32 $0xA0  }
0x99: {  	[tilespmem:s6], [sflag:$0x5] =	stream.indirect.gather [hbm4b:s1+s29], $0x80, s20, s29, $0xb8;
	[tilespmem:$0x1EAA0] =	vst v63  }
0x9a: {  	_ =	swait.ge [sflag:s8], $0x1400  }
0x9b: {  	[sflag:s8] =	ssyncset.done $0x0  }
0x9c: {  	s21 =	simm.s32 $0x2738;
	[sflag:s8] =	ssyncadd.s32 $0xFFFFEC00  }
0x9d: {  	[spmem:s3] =	stream.indirect.scatter.add.f32 [tilespmem:s31], [sflag:$0x7], $0x80, s21, s29, $0xb8;
	[tilespmem:$0x1EAA0] =	vst v63  }
0x9e: {  	_ =	swait.ge [sflag:s9], $0x1400  }
0x9f: {  	[sflag:s9] =	ssyncset.done $0x0  }
0xa0: {  	s22 =	simm.s32 $0xC8;
	[sflag:s9] =	ssyncadd.s32 $0xFFFFEC00  }
0xa1: {  	[tilespmem:s30], [sflag:$0x1] =	stream.indirect.gather [hbm4b:s1+s29], $0x80, s22, s29, $0xb8;
	[tilespmem:$0x1EAA0] =	vst v63  }
0xa2: {  	_ =	swait.ge [sflag:s10], $0x1400  }
0xa3: {  	[sflag:s10] =	ssyncset.done $0x0  }
0xa4: {  	s28 =	simm.s32 $0x2760;
	[sflag:s10] =	ssyncadd.s32 $0xFFFFEC00  }
0xa5: {  	[spmem:s3] =	stream.indirect.scatter.add.f32 [tilespmem:s0], [sflag:$0x8], $0x80, s28, s29, $0xb8;
	[tilespmem:$0x1EAA0] =	vst v63  }
0xa6: {  	_ =	swait.ge [sflag:s11], $0x1400  }
0xa7: {  	[sflag:s11] =	ssyncset.done $0x0  }
0xa8: {  	s19 =	simm.s32 $0xF0;
	[sflag:s11] =	ssyncadd.s32 $0xFFFFEC00  }
0xa9: {  	[tilespmem:s31], [sflag:$0x2] =	stream.indirect.gather [hbm4b:s1+s29], $0x80, s19, s29, $0xb8;
	[tilespmem:$0x1EAA0] =	vst v63  }
0xaa: {  	_ =	swait.ge [sflag:s12], $0x1400  }
0xab: {  	[sflag:s12] =	ssyncset.done $0x0  }
0xac: {  	s20 =	simm.s32 $0x2788;
	[sflag:s12] =	ssyncadd.s32 $0xFFFFEC00  }
0xad: {  	[spmem:s3] =	stream.indirect.scatter.add.f32 [tilespmem:s2], [sflag:$0x9], $0x80, s20, s29, $0xb8;
	[tilespmem:$0x1EAA0] =	vst v63  }
0xae: {  	_ =	swait.ge [sflag:s13], $0x1400  }
0xaf: {  	[sflag:s13] =	ssyncset.done $0x0  }
0xb0: {  	s21 =	simm.s32 $0x118;
	[sflag:s13] =	ssyncadd.s32 $0xFFFFEC00  }
0xb1: {  	[tilespmem:s0], [sflag:$0x3] =	stream.indirect.gather [hbm4b:s1+s29], $0x80, s21, s29, $0xb8;
	[tilespmem:$0x1EAA0] =	vst v63  }
0xb2: {  	_ =	swait.ge [sflag:s14], $0x1400  }
0xb3: {  	[sflag:s14] =	ssyncset.done $0x0  }
0xb4: {  	s22 =	simm.s32 $0x27B0;
	[sflag:s14] =	ssyncadd.s32 $0xFFFFEC00  }
0xb5: {  	[spmem:s3] =	stream.indirect.scatter.add.f32 [tilespmem:s6], [sflag:$0xA], $0x80, s22, s29, $0xb8;
	[tilespmem:$0x1EAA0] =	vst v63  }
0xb6: {  	_ =	swait.ge [sflag:s15], $0x1400  }
0xb7: {  	[sflag:s15] =	ssyncset.done $0x0  }
0xb8: {  	s18 =	simm.s32 $0x0;
	s28 =	simm.s32 $0x140;
	[sflag:s15] =	ssyncadd.s32 $0xFFFFEC00  }
0xb9: {  	[tilespmem:s2], [sflag:$0x4] =	stream.indirect.gather [hbm4b:s1+s29], $0x80, s28, s29, $0xb8;
	[tilespmem:$0x1EAA0] =	vst v63  }
.LBB2_4:
0xba: {  	_ =	swait.ge [sflag:s7], $0x1400  }
0xbb: {  	s19 =	sshra.s32 s18, $0x2;
	[sflag:s7] =	ssyncset.done $0x0  }
0xbc: {  	s20 =	sadd.s32 $0x27D8, s19;
	[sflag:s7] =	ssyncadd.s32 $0xFFFFEC00  }
0xbd: {  	[spmem:s3] =	stream.indirect.scatter.add.f32 [tilespmem:s30], [sflag:$0x6], $0x80, s20, s29, $0xb8;
	[tilespmem:$0x1EAA0] =	vst v63  }
0xbe: {  	_ =	swait.ge [sflag:s16], $0x1400  }
0xbf: {  	[sflag:s16] =	ssyncset.done $0x0  }
0xc0: {  	s21 =	sadd.s32 $0x168, s19;
	[sflag:s16] =	ssyncadd.s32 $0xFFFFEC00  }
0xc1: {  	[tilespmem:s6], [sflag:$0x5] =	stream.indirect.gather [hbm4b:s1+s29], $0x80, s21, s29, $0xb8;
	[tilespmem:$0x1EAA0] =	vst v63  }
0xc2: {  	_ =	swait.ge [sflag:s8], $0x1400  }
0xc3: {  	[sflag:s8] =	ssyncset.done $0x0  }
0xc4: {  	s22 =	sadd.s32 $0x2800, s19;
	[sflag:s8] =	ssyncadd.s32 $0xFFFFEC00  }
0xc5: {  	[spmem:s3] =	stream.indirect.scatter.add.f32 [tilespmem:s31], [sflag:$0x7], $0x80, s22, s29, $0xb8;
	[tilespmem:$0x1EAA0] =	vst v63  }
0xc6: {  	_ =	swait.ge [sflag:s9], $0x1400  }
0xc7: {  	p0 =	seq.s32 s18, $0x9600;
	[sflag:s9] =	ssyncset.done $0x0  }
0xc8: {  	s20 =	simm.s32 @p0 $0x3;
	[sflag:s9] =	ssyncadd.s32 $0xFFFFEC00  }
0xc9: {  	_ =	swait.ge @p0 [sflag:s20], $0x1400  }
0xca: {  	[sflag:s20] =	ssyncset.done @p0 $0x0  }
0xcb: {  	[sflag:s20] =	ssyncadd.s32 @p0 $0xFFFFEC00;
	s20 =	sshra.s32 @p0 s18, $0x2  }
0xcc: {  	s21 =	simm.s32 @p0 $0x28;
	s22 =	simm.s32 @p0 $0x7620;
	s20 =	sadd.s32 @p0 $0x2828, s20  }
0xcd: {  	[spmem:s3] =	stream.indirect.scatter.add.f32 @p0 [tilespmem:s22], [sflag:$0x8], $0x80, s20, s21, $0xb8;
	[tilespmem:$0x1EAA0] =	vst v63  }
0xce: {  	s20 =	simm.s32 @p0 $0x7  }
0xcf: {  	_ =	swait.ge @p0 [sflag:s20], $0x1400  }
0xd0: {  	[sflag:s20] =	ssyncset.done @p0 $0x0  }
0xd1: {  	[sflag:s20] =	ssyncadd.s32 @p0 $0xFFFFEC00;
	s20 =	sshra.s32 @!p0 s18, $0x2  }
0xd2: {  	s28 =	simm.s32 @!p0 $0x4E20;
	s22 =	simm.s32 @!p0 $0x28;
	s21 =	sadd.s32 @!p0 $0x190, s20  }
0xd3: {  	[tilespmem:s28], [sflag:$0x1] =	stream.indirect.gather @!p0 [hbm4b:s1+s22], $0x80, s21, s22, $0xb8;
	[tilespmem:$0x1EAA0] =	vst v63  }
0xd4: {  	s21 =	simm.s32 @!p0 $0x3  }
0xd5: {  	_ =	swait.ge @!p0 [sflag:s21], $0x1400  }
0xd6: {  	[sflag:s21] =	ssyncset.done @!p0 $0x0  }
0xd7: {  	s28 =	simm.s32 @!p0 $0x7620;
	[sflag:s21] =	ssyncadd.s32 @!p0 $0xFFFFEC00;
	s21 =	sadd.s32 @!p0 $0x2828, s20  }
0xd8: {  	[spmem:s3] =	stream.indirect.scatter.add.f32 @!p0 [tilespmem:s28], [sflag:$0x8], $0x80, s21, s22, $0xb8;
	[tilespmem:$0x1EAA0] =	vst v63  }
0xd9: {  	s21 =	simm.s32 @!p0 $0x7  }
0xda: {  	_ =	swait.ge @!p0 [sflag:s21], $0x1400  }
0xdb: {  	[sflag:s21] =	ssyncset.done @!p0 $0x0  }
0xdc: {  	s20 =	sadd.s32 @!p0 $0x1B8, s20;
	[sflag:s21] =	ssyncadd.s32 @!p0 $0xFFFFEC00;
	s21 =	simm.s32 @!p0 $0x6220  }
0xdd: {  	[tilespmem:s21], [sflag:$0x2] =	stream.indirect.gather @!p0 [hbm4b:s1+s22], $0x80, s20, s22, $0xb8;
	[tilespmem:$0x1EAA0] =	vst v63  }
0xde: {  	_ =	swait.ge [sflag:s12], $0x1400  }
0xdf: {  	[sflag:s12] =	ssyncset.done $0x0  }
.Ltmp3:
0xe0: {  	s28 =	sadd.s32 $0x2850, s19;
	[sflag:s12] =	ssyncadd.s32 $0xFFFFEC00;
	(pc) =	sbr.rel @p0 .LBB2_6-.Ltmp3, $4  }
0xe1: {  	[spmem:s3] =	stream.indirect.scatter.add.f32 [tilespmem:s2], [sflag:$0x9], $0x80, s28, s29, $0xb8;
	[tilespmem:$0x1EAA0] =	vst v63  }
0xe2: {  	_ =	swait.ge [sflag:s13], $0x1400  }
0xe3: {  	[sflag:s13] =	ssyncset.done $0x0  }
0xe4: {  	s20 =	sadd.s32 $0x2878, s19;
	[sflag:s13] =	ssyncadd.s32 $0xFFFFEC00  }
0xe5: {  	s21 =	sadd.s32 $0x1E0, s19  }
0xe6: {  	[tilespmem:s0], [sflag:$0x3] =	stream.indirect.gather [hbm4b:s1+s29], $0x80, s21, s29, $0xb8;
	[tilespmem:$0x1EAA0] =	vst v63  }
0xe7: {  	_ =	swait.ge [sflag:s14], $0x1400  }
0xe8: {  	[sflag:s14] =	ssyncset.done $0x0  }
0xe9: {  	[sflag:s14] =	ssyncadd.s32 $0xFFFFEC00  }
0xea: {  	[spmem:s3] =	stream.indirect.scatter.add.f32 [tilespmem:s6], [sflag:$0xA], $0x80, s20, s29, $0xb8;
	[tilespmem:$0x1EAA0] =	vst v63  }
.Ltmp4:
0xeb: {  	_ = 	snop;
	(pc) =	sbr.rel .LBB2_4-.Ltmp4, $4  }
0xec: {  	_ =	swait.ge [sflag:s15], $0x1400  }
0xed: {  	[sflag:s15] =	ssyncset.done $0x0  }
0xee: {  	s28 =	sadd.s32 $0x208, s19;
	s18 =	sadd.s32 $0x320, s18;
	[sflag:s15] =	ssyncadd.s32 $0xFFFFEC00  }
0xef: {  	[tilespmem:s2], [sflag:$0x4] =	stream.indirect.gather [hbm4b:s1+s29], $0x80, s28, s29, $0xb8;
	[tilespmem:$0x1EAA0] =	vst v63  }
.LBB2_7:
0xf0: {  	_ =	sfence.sel $0x180000  }
0xf1: {  	[bflag:$0x0] =	sbarrier.arrive $0xFFFF  }
0xf2: {  	_ =	strace $0x9000004A  }
0xf3: {  	s0 =	stileid.u32;
	[bflag:$0x2] =	sbarrier.arrive $0xFFFF  }
0xf4: {  	p0 =	sne.s32 s0, $0x0;
	s0 =	rddreg [dreg:$0x3]  }
0xf5: {  	s0 =	sadd.s32 @!p0 $0x100000, s0  }
0xf6: {  	[sflag:s0] =	ssyncadd.tile.s32 @!p0 $0x1;
	_ =	shalt  }
.Lfunc_end2:
_tile_overlayer_lowered:
.L_overlay_start_2:
0xf7: {  	(tag) =	ssettag $0x2  }
0xf8: {  	s0 =	rddreg [dreg:$0x0];
	s2 =	stileid.u32  }
0xf9: {  	s1 =	rddreg [dreg:$0x1];
	p0 =	sne.s32 s2, $0x0  }
0xfa: {  	s3 =	rddreg [dreg:$0x2];
	[bflag:$0x3] =	sbarrier.arrive $0xFFFF;
	s2 =	simm.s32 @!p0 $0x1C0B  }
0xfb: {  	[timem:s3], [sflag:s2] =	dma.local @!p0 [hbm:s0], s1  }
0xfc: {  	s0 =	simm.s32 @!p0 $0xB  }
0xfd: {  	_ =	swait.ge @!p0 [sflag:s0], s1  }
0xfe: {  	s1 =	ssub.s32 @!p0 $0x0, s1;
	[sflag:s0] =	ssyncset.done @!p0 $0x0  }
0xff: {  	[sflag:s0] =	ssyncadd.s32 @!p0 s1  }
0x100: {  	[bflag:$0x3] =	sbarrier.arrive $0xFFFF  }
0x101: {  	_ =	shalt  }

</sc_bundles>
